<compile_context>
chip_gen: v7x
topology: tpu7x:2x2x1
jax: 0.10.2.dev20260603
libtpu: 0.0.44.dev20260713+nightly
codegen_flags: <defaults>
</compile_context>

<pallas_src>
import functools

import jax
import jax.numpy as jnp
from jax import lax
from jax.experimental import pallas as pl
from jax.experimental.pallas import tpu as pltpu
from jax.experimental.pallas import tpu_sc as plsc

N_NODES = 10000
N_FEAT = 128
HID = 128
N_T = 16
N_CLS = 8
NP = 10240
BLK = 5120
N_EDGES = 320000
NC = 2
NS = 16
W_CH = 80
CHK = 128
EP = NC * NS * W_CH * CHK
STRIPE = NP // NS

_SC_MESH = dict(core_axis_name="c", subcore_axis_name="s")
WIDE = 1024
NW3 = 12


def _sc_deg_kernel(dstw, zeros1):
    @functools.partial(
        pl.kernel,
        out_type=jax.ShapeDtypeStruct((NC, NP), jnp.float32),
        mesh=plsc.VectorSubcoreMesh(**_SC_MESH),
        compiler_params=pltpu.CompilerParams(use_tc_tiling_on_sc=False),
        scratch_types=[
            pltpu.VMEM((NW3 - 2, WIDE), jnp.int32),
            pltpu.VMEM((WIDE,), jnp.float32),
            pltpu.VMEM_SHARED((NP,), jnp.float32),
        ],
    )
    def body(dstw_hbm, zeros_hbm, out_hbm, dst_v, ones_v, deg_sh):
        c = lax.axis_index("c")
        s = lax.axis_index("s")
        pltpu.sync_copy(dstw_hbm.at[c, s], dst_v)
        pltpu.sync_copy(zeros_hbm.at[pl.ds(s * STRIPE, STRIPE)],
                        deg_sh.at[pl.ds(s * STRIPE, STRIPE)])
        for i in range(WIDE // 16):
            ones_v[pl.ds(i * 16, 16)] = jnp.ones((16,), jnp.float32)
        plsc.subcore_barrier()

        def step(j, carry):
            pltpu.sync_copy(ones_v, deg_sh.at[dst_v.at[j]], add=True)
            return carry

        lax.fori_loop(0, NW3 - 2, step, 0)
        plsc.subcore_barrier()
        pltpu.sync_copy(deg_sh.at[pl.ds(s * STRIPE, STRIPE)],
                        out_hbm.at[c, pl.ds(s * STRIPE, STRIPE)])

    return body(dstw, zeros1)


def _sc_agg(p, srcr, dstr, zeros, D):
    H = W_CH // 2

    @functools.partial(
        pl.kernel,
        out_type=jax.ShapeDtypeStruct((NC, NP, D), jnp.float32),
        mesh=plsc.VectorSubcoreMesh(**_SC_MESH),
        scratch_types=[
            pltpu.VMEM((H + 8, CHK), jnp.int32),
            pltpu.VMEM((H, CHK), jnp.int32),
            pltpu.VMEM((CHK, D), jnp.float32),
            pltpu.VMEM((CHK, D), jnp.float32),
            pltpu.VMEM_SHARED((NP, D), jnp.float32),
            pltpu.SemaphoreType.DMA,
            pltpu.SemaphoreType.DMA,
        ],
    )
    def body(p_hbm, srcr_hbm, dstr_hbm, zeros_hbm, out_hbm,
             src_v, dst_v, rows0, rows1, acc_sh, sem0, sem1):
        c = lax.axis_index("c")
        s = lax.axis_index("s")
        pltpu.sync_copy(zeros_hbm.at[pl.ds(s * STRIPE, STRIPE)],
                        acc_sh.at[pl.ds(s * STRIPE, STRIPE)])
        plsc.subcore_barrier()
        for ph in range(2):
            base = ph * H
            pltpu.sync_copy(srcr_hbm.at[c, s, pl.ds(base, H + 8)], src_v)
            pltpu.sync_copy(dstr_hbm.at[c, s, pl.ds(base, H)], dst_v)
            pltpu.async_copy(p_hbm.at[src_v.at[0]], rows0, sem0)
            pltpu.async_copy(p_hbm.at[src_v.at[1]], rows1, sem1)

            def step(jj, carry):
                j = 2 * jj
                pltpu.make_async_copy(p_hbm.at[src_v.at[0]], rows0, sem0).wait()
                pltpu.sync_copy(rows0, acc_sh.at[dst_v.at[j]], add=True)
                pltpu.async_copy(p_hbm.at[src_v.at[j + 2]], rows0, sem0)
                pltpu.make_async_copy(p_hbm.at[src_v.at[1]], rows1, sem1).wait()
                pltpu.sync_copy(rows1, acc_sh.at[dst_v.at[j + 1]], add=True)
                pltpu.async_copy(p_hbm.at[src_v.at[j + 3]], rows1, sem1)
                return carry

            lax.fori_loop(0, H // 2, step, 0)
            pltpu.make_async_copy(p_hbm.at[src_v.at[0]], rows0, sem0).wait()
            pltpu.make_async_copy(p_hbm.at[src_v.at[1]], rows1, sem1).wait()
        plsc.subcore_barrier()
        pltpu.sync_copy(acc_sh.at[pl.ds(s * STRIPE, STRIPE)],
                        out_hbm.at[c, pl.ds(s * STRIPE, STRIPE)])

    return body(p, srcr, dstr, zeros)


def _sc_agg16(p, srcw, dstw, zeros):
    D = 16

    @functools.partial(
        pl.kernel,
        out_type=jax.ShapeDtypeStruct((NC, NP, D), jnp.float32),
        mesh=plsc.VectorSubcoreMesh(**_SC_MESH),
        compiler_params=pltpu.CompilerParams(use_tc_tiling_on_sc=False),
        scratch_types=[
            pltpu.VMEM((NW3, WIDE), jnp.int32),
            pltpu.VMEM((NW3 - 2, WIDE), jnp.int32),
            pltpu.VMEM((WIDE, D), jnp.float32),
            pltpu.VMEM((WIDE, D), jnp.float32),
            pltpu.VMEM_SHARED((NP, D), jnp.float32),
            pltpu.SemaphoreType.DMA,
            pltpu.SemaphoreType.DMA,
        ],
    )
    def body(p_hbm, srcw_hbm, dstw_hbm, zeros_hbm, out_hbm,
             src_v, dst_v, rows0, rows1, acc_sh, sem0, sem1):
        c = lax.axis_index("c")
        s = lax.axis_index("s")
        pltpu.sync_copy(srcw_hbm.at[c, s], src_v)
        pltpu.sync_copy(dstw_hbm.at[c, s], dst_v)
        pltpu.sync_copy(zeros_hbm.at[pl.ds(s * STRIPE, STRIPE)],
                        acc_sh.at[pl.ds(s * STRIPE, STRIPE)])
        plsc.subcore_barrier()
        pltpu.async_copy(p_hbm.at[src_v.at[0]], rows0, sem0)
        pltpu.async_copy(p_hbm.at[src_v.at[1]], rows1, sem1)

        def step(jj, carry):
            j = 2 * jj
            pltpu.make_async_copy(p_hbm.at[src_v.at[0]], rows0, sem0).wait()
            pltpu.sync_copy(rows0, acc_sh.at[dst_v.at[j]], add=True)
            pltpu.async_copy(p_hbm.at[src_v.at[j + 2]], rows0, sem0)
            pltpu.make_async_copy(p_hbm.at[src_v.at[1]], rows1, sem1).wait()
            pltpu.sync_copy(rows1, acc_sh.at[dst_v.at[j + 1]], add=True)
            pltpu.async_copy(p_hbm.at[src_v.at[j + 3]], rows1, sem1)
            return carry

        lax.fori_loop(0, (NW3 - 2) // 2, step, 0)
        pltpu.make_async_copy(p_hbm.at[src_v.at[0]], rows0, sem0).wait()
        pltpu.make_async_copy(p_hbm.at[src_v.at[1]], rows1, sem1).wait()
        plsc.subcore_barrier()
        pltpu.sync_copy(acc_sh.at[pl.ds(s * STRIPE, STRIPE)],
                        out_hbm.at[c, pl.ds(s * STRIPE, STRIPE)])

    return body(p, srcw, dstw, zeros)


def _tc_a_body(deg_ref, x_ref, w1_ref, p1_ref, dinv_ref, dege_ref):
    deg_e = deg_ref[0, :] + deg_ref[1, :]
    dinv = lax.rsqrt(deg_e + 1.0)
    h = jnp.dot(x_ref[...], w1_ref[...], preferred_element_type=jnp.float32)
    p1_ref[...] = h * dinv[:, None]
    dinv_ref[...] = dinv[:, None]
    dege_ref[...] = deg_e[:, None]


def _tc_b_body(agg_ref, p_ref, dinv_ref, b_ref, w_ref, out_ref):
    dinv = dinv_ref[...]
    agg = agg_ref[0] + agg_ref[1]
    h = jnp.maximum(dinv * (agg + p_ref[...]) + b_ref[...], 0.0)
    out_ref[...] = jnp.dot(h, w_ref[...], preferred_element_type=jnp.float32) * dinv


def _tc_c_body(agg_ref, p_ref, dinv_ref, dege_ref, b2_ref, w3a_ref, w3b_ref,
               tfeat_ref, tadj_ref, alpha_ref, p3_ref):
    dinv = dinv_ref[...]
    agg = agg_ref[0] + agg_ref[1]
    h2 = jnp.maximum(dinv * (agg + p_ref[...]) + b2_ref[...], 0.0)
    tfeat = tfeat_ref[...]
    tadj = tadj_ref[...]
    t_sq = jnp.mean(jnp.sum(tfeat * tfeat, axis=2), axis=1)
    t_mean = jnp.mean(tfeat, axis=1)
    t_deg = jnp.mean(jnp.sum(tadj, axis=2), axis=1)
    alpha = 1.0 / (1.0 + jnp.exp(-alpha_ref[0, 0]))
    x_sq = jnp.sum(h2 * h2, axis=1)
    cross = lax.dot_general(h2, t_mean, (((1,), (1,)), ((), ())),
                            preferred_element_type=jnp.float32)
    c_feat = x_sq[:, None] + t_sq[None, :] - 2.0 * cross
    dege = dege_ref[...]
    c_struct = (dege - t_deg[None, :]) ** 2
    y = alpha * c_feat + (1.0 - alpha) * c_struct
    u = (jnp.dot(h2, w3a_ref[...], preferred_element_type=jnp.float32)
         + jnp.dot(y, w3b_ref[...], preferred_element_type=jnp.float32))
    p3_ref[...] = jnp.concatenate([u, jnp.zeros_like(u)], axis=1) * dinv


def _tc_d_body(agg_ref, p3_ref, dinv_ref, b3_ref, out_ref):
    agg = agg_ref[0] + agg_ref[1]
    out_ref[...] = dinv_ref[...] * (agg + p3_ref[...]) + b3_ref[...]


def _row_spec(cols):
    return pl.BlockSpec((BLK, cols), lambda i: (i, 0))


def _part_spec(cols):
    return pl.BlockSpec((2, BLK, cols), lambda i: (0, i, 0))


def _full_spec(*shape):
    return pl.BlockSpec(shape, lambda i: (0,) * len(shape))


def _tc_a(deg_parts, x, W1):
    return pl.pallas_call(
        _tc_a_body,
        grid=(NP // BLK,),
        in_specs=[pl.BlockSpec((2, BLK), lambda i: (0, i)),
                  _row_spec(N_FEAT), _full_spec(N_FEAT, HID)],
        out_specs=[_row_spec(HID), _row_spec(1), _row_spec(1)],
        out_shape=[jax.ShapeDtypeStruct((NP, HID), jnp.float32),
                   jax.ShapeDtypeStruct((NP, 1), jnp.float32),
                   jax.ShapeDtypeStruct((NP, 1), jnp.float32)],
    )(deg_parts, x, W1)


def _tc_b(agg, p, dinv, b, W):
    return pl.pallas_call(
        _tc_b_body,
        grid=(NP // BLK,),
        in_specs=[_part_spec(HID), _row_spec(HID), _row_spec(1),
                  _full_spec(1, HID), _full_spec(HID, HID)],
        out_specs=_row_spec(HID),
        out_shape=jax.ShapeDtypeStruct((NP, HID), jnp.float32),
    )(agg, p, dinv, b, W)


def _tc_c(agg, p, dinv, dege, b2, W3a, W3b, T_feat, T_adj, alpha):
    return pl.pallas_call(
        _tc_c_body,
        grid=(NP // BLK,),
        in_specs=[_part_spec(HID), _row_spec(HID), _row_spec(1), _row_spec(1),
                  _full_spec(1, HID), _full_spec(HID, N_CLS),
                  _full_spec(N_T, N_CLS), _full_spec(N_T, 16, HID),
                  _full_spec(N_T, 16, 16), _full_spec(1, 1)],
        out_specs=_row_spec(16),
        out_shape=jax.ShapeDtypeStruct((NP, 16), jnp.float32),
    )(agg, p, dinv, dege, b2, W3a, W3b, T_feat, T_adj, alpha)


def _tc_d(agg, p3, dinv, b3):
    return pl.pallas_call(
        _tc_d_body,
        grid=(NP // BLK,),
        in_specs=[_part_spec(16), _row_spec(16), _row_spec(1), _full_spec(1, 16)],
        out_specs=_row_spec(16),
        out_shape=jax.ShapeDtypeStruct((NP, 16), jnp.float32),
    )(agg, p3, dinv, b3)


def kernel(x, edge_index, W1, b1, W2, b2, W3, b3, T_feat, T_adj, alpha_param):
    src = edge_index[0]
    dst = edge_index[1]
    npad = EP - N_EDGES
    pad_src = (jnp.arange(npad, dtype=jnp.int32) % 256)
    pad_dst = N_NODES + (jnp.arange(npad, dtype=jnp.int32) % 240)
    src3 = jnp.concatenate([src, pad_src]).reshape(NC, NS, W_CH, CHK)
    dummy = jnp.broadcast_to(
        (jnp.arange(CHK, dtype=jnp.int32) * 64) % N_NODES, (NC, NS, 16, CHK))
    srcr = jnp.concatenate([src3, dummy], axis=2)
    dstr = jnp.concatenate([dst, pad_dst]).reshape(NC, NS, W_CH, CHK)
    srcw = srcr.reshape(NC, NS, NW3, WIDE)
    dstw = dstr.reshape(NC, NS, NW3 - 2, WIDE)

    xp = jnp.zeros((NP, N_FEAT), x.dtype).at[:N_NODES].set(x)
    z1 = jnp.zeros((NP,), jnp.float32)
    z128 = jnp.zeros((NP, HID), jnp.float32)
    z16 = jnp.zeros((NP, 16), jnp.float32)

    deg_parts = _sc_deg_kernel(dstw, z1)

    p1, dinv, dege = _tc_a(deg_parts, xp, W1)

    agg1 = _sc_agg(p1, srcr, dstr, z128, HID)
    p2 = _tc_b(agg1, p1, dinv, b1.reshape(1, HID), W2)
    agg2 = _sc_agg(p2, srcr, dstr, z128, HID)
    p3 = _tc_c(agg2, p2, dinv, dege, b2.reshape(1, HID),
               W3[:HID], W3[HID:], T_feat, T_adj,
               alpha_param.reshape(1, 1))
    agg3 = _sc_agg16(p3, srcw, dstw, z16)
    b3p = jnp.concatenate([b3, jnp.zeros((8,), jnp.float32)]).reshape(1, 16)
    out = _tc_d(agg3, p3, dinv, b3p)
    return out[:N_NODES, :N_CLS]

# --- scband reference (transcript-rebuilt; emitter-appended) ---
"""Pipeline reference for scband-gcn-ltfgw-15384572854778 (READ-ONLY COPY).

The authoritative reference and input builder live on the scoring server;
editing this copy changes nothing except your own understanding.
"""

import jax, jax.numpy as jnp
import numpy as np

N_NODES = 10000
N_EDGES = 320000
N_FEAT = 128
HID = 128
N_T = 16
N_TN = 16
N_CLS = 8


def setup_inputs(seed: int = 0) -> dict:
    key = jax.random.key(seed)
    ks = jax.random.split(key, 12)
    x = jax.random.normal(ks[0], (N_NODES, N_FEAT), dtype=jnp.float32)
    edge_index = jax.random.randint(ks[1], (2, N_EDGES), 0, N_NODES, dtype=jnp.int32)
    W1 = jax.random.normal(ks[2], (N_FEAT, HID), dtype=jnp.float32) * 0.05
    b1 = jnp.zeros((HID,), dtype=jnp.float32)
    W2 = jax.random.normal(ks[3], (HID, HID), dtype=jnp.float32) * 0.05
    b2 = jnp.zeros((HID,), dtype=jnp.float32)
    W3 = jax.random.normal(ks[4], (N_T + HID, N_CLS), dtype=jnp.float32) * 0.05
    b3 = jnp.zeros((N_CLS,), dtype=jnp.float32)
    T_feat = jax.random.normal(ks[5], (N_T, N_TN, HID), dtype=jnp.float32) * 0.05
    T_adj = jax.random.uniform(ks[6], (N_T, N_TN, N_TN), dtype=jnp.float32)
    alpha_param = jnp.array(0.0, dtype=jnp.float32)  # sigmoid(0.0) = 0.5 = alpha0
    return {"x": x, "edge_index": edge_index, "W1": W1, "b1": b1, "W2": W2,
            "b2": b2, "W3": W3, "b3": b3, "T_feat": T_feat, "T_adj": T_adj,
            "alpha_param": alpha_param}


def gcn_conv(x, edge_index, W, b):
    # GCNConv with symmetric normalization and self-loops
    loops = jnp.arange(N_NODES, dtype=edge_index.dtype)
    src = jnp.concatenate([edge_index[0], loops])
    dst = jnp.concatenate([edge_index[1], loops])
    ones = jnp.ones(src.shape[0], dtype=jnp.float32)
    deg = jax.ops.segment_sum(ones, dst, num_segments=N_NODES)
    deg = jnp.maximum(deg, 1.0)
    dinv = 1.0 / jnp.sqrt(deg)
    h = x @ W
    norm = dinv[src] * dinv[dst]
    msg = h[src] * norm[:, None]
    out = jax.ops.segment_sum(msg, dst, num_segments=N_NODES)
    return out + b


def ltfgw(x, edge_index, T_feat, T_adj, alpha_param):
    # Learnable Template FGW layer: per-node FGW-style distance to each of
    # N_T templates (feature term + structure term, mixed by learnable alpha).
    alpha = jax.nn.sigmoid(alpha_param)
    # feature cost: mean squared distance between node feature and template nodes
    x_sq = jnp.sum(x * x, axis=1)                          # [N]
    t_sq = jnp.mean(jnp.sum(T_feat * T_feat, axis=2), axis=1)  # [T]
    t_mean = jnp.mean(T_feat, axis=1)                      # [T, HID]
    cross = x @ t_mean.T                                   # [N, T]
    C_feat = x_sq[:, None] + t_sq[None, :] - 2.0 * cross
    # structure cost: node degree vs mean template connectivity
    dst = edge_index[1]
    deg = jax.ops.segment_sum(jnp.ones(dst.shape[0], dtype=jnp.float32), dst,
                              num_segments=N_NODES)
    t_deg = jnp.mean(jnp.sum(T_adj, axis=2), axis=1)       # [T]
    C_struct = (deg[:, None] - t_deg[None, :]) ** 2
    return alpha * C_feat + (1.0 - alpha) * C_struct       # [N, T]


def reference(x, edge_index, W1, b1, W2, b2, W3, b3, T_feat, T_adj, alpha_param):
    h = gcn_conv(x, edge_index, W1, b1)
    h = jax.nn.relu(h)  # dropout is identity in eval mode
    h = gcn_conv(h, edge_index, W2, b2)
    h = jax.nn.relu(h)
    y = ltfgw(h, edge_index, T_feat, T_adj, alpha_param)
    z = jnp.concatenate([h, y], axis=1)  # torch.hstack on 2D = column concat
    out = gcn_conv(z, edge_index, W3, b3)
    return out

if __name__ == "__main__":
    import jax
    _d = setup_inputs()
    print(jax.jit(kernel)(*tuple(_d.values())))

</pallas_src>

<mosaic_0001>
#map = affine_map<(d0, d1) -> (0, 0)>
#map1 = affine_map<(d0, d1) -> (0, 0, 0, 0)>
#map2 = affine_map<(d0, d1) -> (0, 0, 0)>
module attributes {stable_mosaic.version = 14 : i64} {
  func.func @body(%arg0: i32, %arg1: i32, %arg2: memref<10240x16xf32, #tpu.memory_space<hbm>>, %arg3: memref<2x16x12x1024xi32, #tpu.memory_space<hbm>>, %arg4: memref<2x16x10x1024xi32, #tpu.memory_space<hbm>>, %arg5: memref<10240x16xf32, #tpu.memory_space<hbm>>, %arg6: memref<2x10240x16xf32, #tpu.memory_space<hbm>>, %arg7: memref<12x1024xi32, #tpu.memory_space<vmem>>, %arg8: memref<10x1024xi32, #tpu.memory_space<vmem>>, %arg9: memref<1024x16xf32, #tpu.memory_space<vmem>>, %arg10: memref<1024x16xf32, #tpu.memory_space<vmem>>, %arg11: memref<10240x16xf32, #tpu.memory_space<vmem_shared>>, %arg12: memref<!tpu.dma_semaphore, #tpu.memory_space<semaphore_mem>>, %arg13: memref<!tpu.dma_semaphore, #tpu.memory_space<semaphore_mem>>) attributes {dimension_semantics = [#tpu.dimension_semantics<core_parallel>, #tpu.dimension_semantics<subcore_parallel>], iteration_bounds = array<i64: 2, 16>, scalar_prefetch = 0 : i64, scratch_operands = 7 : i64, tpu.core_type = #tpu.core_type<sc_vector_subcore>, window_params = [{transform_indices = #map}, {transform_indices = #map1}, {transform_indices = #map1}, {transform_indices = #map}, {transform_indices = #map2}]} {
    "tpu.region"() ({
      %run_scoped3A = tpu.sem_alloc : memref<!tpu.dma_semaphore, #tpu.memory_space<semaphore_mem>>
      %dma_start3A_39 = arith.constant 0 : i32
      %dma_start3A_40 = arith.constant 0 : i32
      %dma_start3A_41 = tpu.memref_slice %arg3[%arg0, %arg1, %dma_start3A_39, %dma_start3A_40] : memref<2x16x12x1024xi32, #tpu.memory_space<hbm>> -> memref<1x1x12x1024xi32, #tpu.memory_space<hbm>>
      %dma_start3A_42 = tpu.memref_squeeze %dma_start3A_41 : memref<1x1x12x1024xi32, #tpu.memory_space<hbm>> -> memref<12x1024xi32, #tpu.memory_space<hbm>>
      %dma_start3A_43 = arith.constant 0 : i32
      %dma_start3A_44 = arith.constant 0 : i32
      %dma_start3A_45 = tpu.memref_slice %arg3[%arg0, %arg1, %dma_start3A_43, %dma_start3A_44] : memref<2x16x12x1024xi32, #tpu.memory_space<hbm>> -> memref<1x1x12x1024xi32, #tpu.memory_space<hbm>>
      %dma_start3A_46 = tpu.memref_squeeze %dma_start3A_45 : memref<1x1x12x1024xi32, #tpu.memory_space<hbm>> -> memref<12x1024xi32, #tpu.memory_space<hbm>>
      tpu.enqueue_dma source(%dma_start3A_46 : memref<12x1024xi32, #tpu.memory_space<hbm>>) target(%arg7 : memref<12x1024xi32, #tpu.memory_space<vmem>>) target_semaphore(%run_scoped3A : memref<!tpu.dma_semaphore, #tpu.memory_space<semaphore_mem>>)
      %dma_wait3A_47 = arith.constant 0 : i32
      %dma_wait3A_48 = arith.constant 0 : i32
      %dma_wait3A_49 = tpu.memref_slice %arg3[%arg0, %arg1, %dma_wait3A_47, %dma_wait3A_48] : memref<2x16x12x1024xi32, #tpu.memory_space<hbm>> -> memref<1x1x12x1024xi32, #tpu.memory_space<hbm>>
      %dma_wait3A_50 = tpu.memref_squeeze %dma_wait3A_49 : memref<1x1x12x1024xi32, #tpu.memory_space<hbm>> -> memref<12x1024xi32, #tpu.memory_space<hbm>>
      %dma_wait3A_51 = arith.constant 0 : i32
      %dma_wait3A_52 = arith.constant 0 : i32
      %dma_wait3A_53 = tpu.memref_slice %arg3[%arg0, %arg1, %dma_wait3A_51, %dma_wait3A_52] : memref<2x16x12x1024xi32, #tpu.memory_space<hbm>> -> memref<1x1x12x1024xi32, #tpu.memory_space<hbm>>
      %dma_wait3A_54 = tpu.memref_squeeze %dma_wait3A_53 : memref<1x1x12x1024xi32, #tpu.memory_space<hbm>> -> memref<12x1024xi32, #tpu.memory_space<hbm>>
      tpu.wait_dma2 semaphore(%run_scoped3A : memref<!tpu.dma_semaphore, #tpu.memory_space<semaphore_mem>>) src(%dma_wait3A_54 : memref<12x1024xi32, #tpu.memory_space<hbm>>) dst(%arg7 : memref<12x1024xi32, #tpu.memory_space<vmem>>)
      tpu.yield
    }) : () -> ()
    "tpu.region"() ({
      %run_scoped3A = tpu.sem_alloc : memref<!tpu.dma_semaphore, #tpu.memory_space<semaphore_mem>>
      %dma_start3A_39 = arith.constant 0 : i32
      %dma_start3A_40 = arith.constant 0 : i32
      %dma_start3A_41 = tpu.memref_slice %arg4[%arg0, %arg1, %dma_start3A_39, %dma_start3A_40] : memref<2x16x10x1024xi32, #tpu.memory_space<hbm>> -> memref<1x1x10x1024xi32, #tpu.memory_space<hbm>>
      %dma_start3A_42 = tpu.memref_squeeze %dma_start3A_41 : memref<1x1x10x1024xi32, #tpu.memory_space<hbm>> -> memref<10x1024xi32, #tpu.memory_space<hbm>>
      %dma_start3A_43 = arith.constant 0 : i32
      %dma_start3A_44 = arith.constant 0 : i32
      %dma_start3A_45 = tpu.memref_slice %arg4[%arg0, %arg1, %dma_start3A_43, %dma_start3A_44] : memref<2x16x10x1024xi32, #tpu.memory_space<hbm>> -> memref<1x1x10x1024xi32, #tpu.memory_space<hbm>>
      %dma_start3A_46 = tpu.memref_squeeze %dma_start3A_45 : memref<1x1x10x1024xi32, #tpu.memory_space<hbm>> -> memref<10x1024xi32, #tpu.memory_space<hbm>>
      tpu.enqueue_dma source(%dma_start3A_46 : memref<10x1024xi32, #tpu.memory_space<hbm>>) target(%arg8 : memref<10x1024xi32, #tpu.memory_space<vmem>>) target_semaphore(%run_scoped3A : memref<!tpu.dma_semaphore, #tpu.memory_space<semaphore_mem>>)
      %dma_wait3A_47 = arith.constant 0 : i32
      %dma_wait3A_48 = arith.constant 0 : i32
      %dma_wait3A_49 = tpu.memref_slice %arg4[%arg0, %arg1, %dma_wait3A_47, %dma_wait3A_48] : memref<2x16x10x1024xi32, #tpu.memory_space<hbm>> -> memref<1x1x10x1024xi32, #tpu.memory_space<hbm>>
      %dma_wait3A_50 = tpu.memref_squeeze %dma_wait3A_49 : memref<1x1x10x1024xi32, #tpu.memory_space<hbm>> -> memref<10x1024xi32, #tpu.memory_space<hbm>>
      %dma_wait3A_51 = arith.constant 0 : i32
      %dma_wait3A_52 = arith.constant 0 : i32
      %dma_wait3A_53 = tpu.memref_slice %arg4[%arg0, %arg1, %dma_wait3A_51, %dma_wait3A_52] : memref<2x16x10x1024xi32, #tpu.memory_space<hbm>> -> memref<1x1x10x1024xi32, #tpu.memory_space<hbm>>
      %dma_wait3A_54 = tpu.memref_squeeze %dma_wait3A_53 : memref<1x1x10x1024xi32, #tpu.memory_space<hbm>> -> memref<10x1024xi32, #tpu.memory_space<hbm>>
      tpu.wait_dma2 semaphore(%run_scoped3A : memref<!tpu.dma_semaphore, #tpu.memory_space<semaphore_mem>>) src(%dma_wait3A_54 : memref<10x1024xi32, #tpu.memory_space<hbm>>) dst(%arg8 : memref<10x1024xi32, #tpu.memory_space<vmem>>)
      tpu.yield
    }) : () -> ()
    %mul3A = arith.constant 640 : i32
    %mul3A_0 = arith.muli %arg1, %mul3A : i32
    %mul3A_1 = arith.constant 640 : i32
    %mul3A_2 = arith.muli %arg1, %mul3A_1 : i32
    "tpu.region"() ({
      %run_scoped3A = tpu.sem_alloc : memref<!tpu.dma_semaphore, #tpu.memory_space<semaphore_mem>>
      %dma_start3A_39 = arith.constant 0 : i32
      %dma_start3A_40 = tpu.memref_slice %arg11[%mul3A_2, %dma_start3A_39] : memref<10240x16xf32, #tpu.memory_space<vmem_shared>> -> memref<640x16xf32, #tpu.memory_space<vmem_shared>>
      %dma_start3A_41 = arith.constant 0 : i32
      %dma_start3A_42 = tpu.memref_slice %arg5[%mul3A_0, %dma_start3A_41] : memref<10240x16xf32, #tpu.memory_space<hbm>> -> memref<640x16xf32, #tpu.memory_space<hbm>>
      tpu.enqueue_dma source(%dma_start3A_42 : memref<640x16xf32, #tpu.memory_space<hbm>>) target(%dma_start3A_40 : memref<640x16xf32, #tpu.memory_space<vmem_shared>>) target_semaphore(%run_scoped3A : memref<!tpu.dma_semaphore, #tpu.memory_space<semaphore_mem>>)
      %dma_wait3A_43 = arith.constant 0 : i32
      %dma_wait3A_44 = tpu.memref_slice %arg11[%mul3A_2, %dma_wait3A_43] : memref<10240x16xf32, #tpu.memory_space<vmem_shared>> -> memref<640x16xf32, #tpu.memory_space<vmem_shared>>
      %dma_wait3A_45 = arith.constant 0 : i32
      %dma_wait3A_46 = tpu.memref_slice %arg5[%mul3A_0, %dma_wait3A_45] : memref<10240x16xf32, #tpu.memory_space<hbm>> -> memref<640x16xf32, #tpu.memory_space<hbm>>
      tpu.wait_dma2 semaphore(%run_scoped3A : memref<!tpu.dma_semaphore, #tpu.memory_space<semaphore_mem>>) src(%dma_wait3A_46 : memref<640x16xf32, #tpu.memory_space<hbm>>) dst(%dma_wait3A_44 : memref<640x16xf32, #tpu.memory_space<vmem_shared>>)
      tpu.yield
    }) : () -> ()
    %barrier3A = arith.constant 0 : index
    tpu.barrier barrier_id(%barrier3A)
    %dma_start3A = arith.constant 0 : i32
    %dma_start3A_3 = arith.constant 0 : i32
    %dma_start3A_4 = tpu.memref_slice %arg7[%dma_start3A, %dma_start3A_3] : memref<12x1024xi32, #tpu.memory_space<vmem>> -> memref<1x1024xi32, #tpu.memory_space<vmem>>
    %dma_start3A_5 = tpu.memref_squeeze %dma_start3A_4 : memref<1x1024xi32, #tpu.memory_space<vmem>> -> memref<1024xi32, #tpu.memory_space<vmem>>
    %dma_start3A_6 = arith.constant 0 : i32
    %dma_start3A_7 = arith.constant 0 : i32
    %dma_start3A_8 = tpu.memref_slice %arg2[%dma_start3A_6, %dma_start3A_7] : memref<10240x16xf32, #tpu.memory_space<hbm>> -> memref<10240x16xf32, #tpu.memory_space<hbm>>
    tpu.enqueue_indirect_dma source(%dma_start3A_8 : memref<10240x16xf32, #tpu.memory_space<hbm>>) target(%arg9 : memref<1024x16xf32, #tpu.memory_space<vmem>>) offsets(%dma_start3A_5 : memref<1024xi32, #tpu.memory_space<vmem>>) semaphore(%arg12 : memref<!tpu.dma_semaphore, #tpu.memory_space<semaphore_mem>>)
    %dma_start3A_9 = arith.constant 1 : i32
    %dma_start3A_10 = arith.constant 0 : i32
    %dma_start3A_11 = tpu.memref_slice %arg7[%dma_start3A_9, %dma_start3A_10] : memref<12x1024xi32, #tpu.memory_space<vmem>> -> memref<1x1024xi32, #tpu.memory_space<vmem>>
    %dma_start3A_12 = tpu.memref_squeeze %dma_start3A_11 : memref<1x1024xi32, #tpu.memory_space<vmem>> -> memref<1024xi32, #tpu.memory_space<vmem>>
    %dma_start3A_13 = arith.constant 0 : i32
    %dma_start3A_14 = arith.constant 0 : i32
    %dma_start3A_15 = tpu.memref_slice %arg2[%dma_start3A_13, %dma_start3A_14] : memref<10240x16xf32, #tpu.memory_space<hbm>> -> memref<10240x16xf32, #tpu.memory_space<hbm>>
    tpu.enqueue_indirect_dma source(%dma_start3A_15 : memref<10240x16xf32, #tpu.memory_space<hbm>>) target(%arg10 : memref<1024x16xf32, #tpu.memory_space<vmem>>) offsets(%dma_start3A_12 : memref<1024xi32, #tpu.memory_space<vmem>>) semaphore(%arg13 : memref<!tpu.dma_semaphore, #tpu.memory_space<semaphore_mem>>)
    %scan3A = arith.constant 0 : i32
    %scan3A_16 = arith.constant 0 : i32
    %scan3A_17 = arith.constant 5 : i32
    %scan3A_18 = arith.addi %scan3A_16, %scan3A_17 : i32
    %scan3A_19 = arith.constant 1 : i32
    scf.for %scan3A_39 = %scan3A_16 to %scan3A_18 step %scan3A_19  : i32 {
      %mul3A_40 = arith.constant 2 : i32
      %mul3A_41 = arith.muli %mul3A_40, %scan3A_39 : i32
      %dma_wait3A_42 = arith.constant 0 : i32
      %dma_wait3A_43 = arith.constant 0 : i32
      %dma_wait3A_44 = tpu.memref_slice %arg7[%dma_wait3A_42, %dma_wait3A_43] : memref<12x1024xi32, #tpu.memory_space<vmem>> -> memref<1x1024xi32, #tpu.memory_space<vmem>>
      %dma_wait3A_45 = tpu.memref_squeeze %dma_wait3A_44 : memref<1x1024xi32, #tpu.memory_space<vmem>> -> memref<1024xi32, #tpu.memory_space<vmem>>
      %dma_wait3A_46 = arith.constant 0 : i32
      %dma_wait3A_47 = arith.constant 0 : i32
      %dma_wait3A_48 = tpu.memref_slice %arg2[%dma_wait3A_46, %dma_wait3A_47] : memref<10240x16xf32, #tpu.memory_space<hbm>> -> memref<10240x16xf32, #tpu.memory_space<hbm>>
      tpu.wait_indirect_dma semaphore(%arg12 : memref<!tpu.dma_semaphore, #tpu.memory_space<semaphore_mem>>) src(%dma_wait3A_48 : memref<10240x16xf32, #tpu.memory_space<hbm>>) dst(%arg9 : memref<1024x16xf32, #tpu.memory_space<vmem>>)
      "tpu.region"() ({
        %run_scoped3A = tpu.sem_alloc : memref<!tpu.dma_semaphore, #tpu.memory_space<semaphore_mem>>
        %dma_start3A_73 = arith.constant 0 : i32
        %dma_start3A_74 = tpu.memref_slice %arg8[%mul3A_41, %dma_start3A_73] : memref<10x1024xi32, #tpu.memory_space<vmem>> -> memref<1x1024xi32, #tpu.memory_space<vmem>>
        %dma_start3A_75 = tpu.memref_squeeze %dma_start3A_74 : memref<1x1024xi32, #tpu.memory_space<vmem>> -> memref<1024xi32, #tpu.memory_space<vmem>>
        %dma_start3A_76 = arith.constant 0 : i32
        %dma_start3A_77 = arith.constant 0 : i32
        %dma_start3A_78 = tpu.memref_slice %arg11[%dma_start3A_76, %dma_start3A_77] : memref<10240x16xf32, #tpu.memory_space<vmem_shared>> -> memref<10240x16xf32, #tpu.memory_space<vmem_shared>>
        tpu.enqueue_indirect_dma source(%arg9 : memref<1024x16xf32, #tpu.memory_space<vmem>>) target(%dma_start3A_78 : memref<10240x16xf32, #tpu.memory_space<vmem_shared>>) offsets(%dma_start3A_75 : memref<1024xi32, #tpu.memory_space<vmem>>) semaphore(%run_scoped3A : memref<!tpu.dma_semaphore, #tpu.memory_space<semaphore_mem>>) {add = true}
        %dma_wait3A_79 = arith.constant 0 : i32
        %dma_wait3A_80 = tpu.memref_slice %arg8[%mul3A_41, %dma_wait3A_79] : memref<10x1024xi32, #tpu.memory_space<vmem>> -> memref<1x1024xi32, #tpu.memory_space<vmem>>
        %dma_wait3A_81 = tpu.memref_squeeze %dma_wait3A_80 : memref<1x1024xi32, #tpu.memory_space<vmem>> -> memref<1024xi32, #tpu.memory_space<vmem>>
        %dma_wait3A_82 = arith.constant 0 : i32
        %dma_wait3A_83 = arith.constant 0 : i32
        %dma_wait3A_84 = tpu.memref_slice %arg11[%dma_wait3A_82, %dma_wait3A_83] : memref<10240x16xf32, #tpu.memory_space<vmem_shared>> -> memref<10240x16xf32, #tpu.memory_space<vmem_shared>>
        tpu.wait_indirect_dma semaphore(%run_scoped3A : memref<!tpu.dma_semaphore, #tpu.memory_space<semaphore_mem>>) src(%arg9 : memref<1024x16xf32, #tpu.memory_space<vmem>>) dst(%dma_wait3A_84 : memref<10240x16xf32, #tpu.memory_space<vmem_shared>>)
        tpu.yield
      }) : () -> ()
      %add3A = arith.constant 2 : i32
      %add3A_49 = arith.addi %mul3A_41, %add3A : i32
      %dma_start3A_50 = arith.constant 0 : i32
      %dma_start3A_51 = tpu.memref_slice %arg7[%add3A_49, %dma_start3A_50] : memref<12x1024xi32, #tpu.memory_space<vmem>> -> memref<1x1024xi32, #tpu.memory_space<vmem>>
      %dma_start3A_52 = tpu.memref_squeeze %dma_start3A_51 : memref<1x1024xi32, #tpu.memory_space<vmem>> -> memref<1024xi32, #tpu.memory_space<vmem>>
      %dma_start3A_53 = arith.constant 0 : i32
      %dma_start3A_54 = arith.constant 0 : i32
      %dma_start3A_55 = tpu.memref_slice %arg2[%dma_start3A_53, %dma_start3A_54] : memref<10240x16xf32, #tpu.memory_space<hbm>> -> memref<10240x16xf32, #tpu.memory_space<hbm>>
      tpu.enqueue_indirect_dma source(%dma_start3A_55 : memref<10240x16xf32, #tpu.memory_space<hbm>>) target(%arg9 : memref<1024x16xf32, #tpu.memory_space<vmem>>) offsets(%dma_start3A_52 : memref<1024xi32, #tpu.memory_space<vmem>>) semaphore(%arg12 : memref<!tpu.dma_semaphore, #tpu.memory_space<semaphore_mem>>)
      %dma_wait3A_56 = arith.constant 1 : i32
      %dma_wait3A_57 = arith.constant 0 : i32
      %dma_wait3A_58 = tpu.memref_slice %arg7[%dma_wait3A_56, %dma_wait3A_57] : memref<12x1024xi32, #tpu.memory_space<vmem>> -> memref<1x1024xi32, #tpu.memory_space<vmem>>
      %dma_wait3A_59 = tpu.memref_squeeze %dma_wait3A_58 : memref<1x1024xi32, #tpu.memory_space<vmem>> -> memref<1024xi32, #tpu.memory_space<vmem>>
      %dma_wait3A_60 = arith.constant 0 : i32
      %dma_wait3A_61 = arith.constant 0 : i32
      %dma_wait3A_62 = tpu.memref_slice %arg2[%dma_wait3A_60, %dma_wait3A_61] : memref<10240x16xf32, #tpu.memory_space<hbm>> -> memref<10240x16xf32, #tpu.memory_space<hbm>>
      tpu.wait_indirect_dma semaphore(%arg13 : memref<!tpu.dma_semaphore, #tpu.memory_space<semaphore_mem>>) src(%dma_wait3A_62 : memref<10240x16xf32, #tpu.memory_space<hbm>>) dst(%arg10 : memref<1024x16xf32, #tpu.memory_space<vmem>>)
      %add3A_63 = arith.constant 1 : i32
      %add3A_64 = arith.addi %mul3A_41, %add3A_63 : i32
      "tpu.region"() ({
        %run_scoped3A = tpu.sem_alloc : memref<!tpu.dma_semaphore, #tpu.memory_space<semaphore_mem>>
        %dma_start3A_73 = arith.constant 0 : i32
        %dma_start3A_74 = tpu.memref_slice %arg8[%add3A_64, %dma_start3A_73] : memref<10x1024xi32, #tpu.memory_space<vmem>> -> memref<1x1024xi32, #tpu.memory_space<vmem>>
        %dma_start3A_75 = tpu.memref_squeeze %dma_start3A_74 : memref<1x1024xi32, #tpu.memory_space<vmem>> -> memref<1024xi32, #tpu.memory_space<vmem>>
        %dma_start3A_76 = arith.constant 0 : i32
        %dma_start3A_77 = arith.constant 0 : i32
        %dma_start3A_78 = tpu.memref_slice %arg11[%dma_start3A_76, %dma_start3A_77] : memref<10240x16xf32, #tpu.memory_space<vmem_shared>> -> memref<10240x16xf32, #tpu.memory_space<vmem_shared>>
        tpu.enqueue_indirect_dma source(%arg10 : memref<1024x16xf32, #tpu.memory_space<vmem>>) target(%dma_start3A_78 : memref<10240x16xf32, #tpu.memory_space<vmem_shared>>) offsets(%dma_start3A_75 : memref<1024xi32, #tpu.memory_space<vmem>>) semaphore(%run_scoped3A : memref<!tpu.dma_semaphore, #tpu.memory_space<semaphore_mem>>) {add = true}
        %dma_wait3A_79 = arith.constant 0 : i32
        %dma_wait3A_80 = tpu.memref_slice %arg8[%add3A_64, %dma_wait3A_79] : memref<10x1024xi32, #tpu.memory_space<vmem>> -> memref<1x1024xi32, #tpu.memory_space<vmem>>
        %dma_wait3A_81 = tpu.memref_squeeze %dma_wait3A_80 : memref<1x1024xi32, #tpu.memory_space<vmem>> -> memref<1024xi32, #tpu.memory_space<vmem>>
        %dma_wait3A_82 = arith.constant 0 : i32
        %dma_wait3A_83 = arith.constant 0 : i32
        %dma_wait3A_84 = tpu.memref_slice %arg11[%dma_wait3A_82, %dma_wait3A_83] : memref<10240x16xf32, #tpu.memory_space<vmem_shared>> -> memref<10240x16xf32, #tpu.memory_space<vmem_shared>>
        tpu.wait_indirect_dma semaphore(%run_scoped3A : memref<!tpu.dma_semaphore, #tpu.memory_space<semaphore_mem>>) src(%arg10 : memref<1024x16xf32, #tpu.memory_space<vmem>>) dst(%dma_wait3A_84 : memref<10240x16xf32, #tpu.memory_space<vmem_shared>>)
        tpu.yield
      }) : () -> ()
      %add3A_65 = arith.constant 3 : i32
      %add3A_66 = arith.addi %mul3A_41, %add3A_65 : i32
      %dma_start3A_67 = arith.constant 0 : i32
      %dma_start3A_68 = tpu.memref_slice %arg7[%add3A_66, %dma_start3A_67] : memref<12x1024xi32, #tpu.memory_space<vmem>> -> memref<1x1024xi32, #tpu.memory_space<vmem>>
      %dma_start3A_69 = tpu.memref_squeeze %dma_start3A_68 : memref<1x1024xi32, #tpu.memory_space<vmem>> -> memref<1024xi32, #tpu.memory_space<vmem>>
      %dma_start3A_70 = arith.constant 0 : i32
      %dma_start3A_71 = arith.constant 0 : i32
      %dma_start3A_72 = tpu.memref_slice %arg2[%dma_start3A_70, %dma_start3A_71] : memref<10240x16xf32, #tpu.memory_space<hbm>> -> memref<10240x16xf32, #tpu.memory_space<hbm>>
      tpu.enqueue_indirect_dma source(%dma_start3A_72 : memref<10240x16xf32, #tpu.memory_space<hbm>>) target(%arg10 : memref<1024x16xf32, #tpu.memory_space<vmem>>) offsets(%dma_start3A_69 : memref<1024xi32, #tpu.memory_space<vmem>>) semaphore(%arg13 : memref<!tpu.dma_semaphore, #tpu.memory_space<semaphore_mem>>)
    }
    %scan3A_20 = arith.constant 5 : i32
    %dma_wait3A = arith.constant 0 : i32
    %dma_wait3A_21 = arith.constant 0 : i32
    %dma_wait3A_22 = tpu.memref_slice %arg7[%dma_wait3A, %dma_wait3A_21] : memref<12x1024xi32, #tpu.memory_space<vmem>> -> memref<1x1024xi32, #tpu.memory_space<vmem>>
    %dma_wait3A_23 = tpu.memref_squeeze %dma_wait3A_22 : memref<1x1024xi32, #tpu.memory_space<vmem>> -> memref<1024xi32, #tpu.memory_space<vmem>>
    %dma_wait3A_24 = arith.constant 0 : i32
    %dma_wait3A_25 = arith.constant 0 : i32
    %dma_wait3A_26 = tpu.memref_slice %arg2[%dma_wait3A_24, %dma_wait3A_25] : memref<10240x16xf32, #tpu.memory_space<hbm>> -> memref<10240x16xf32, #tpu.memory_space<hbm>>
    tpu.wait_indirect_dma semaphore(%arg12 : memref<!tpu.dma_semaphore, #tpu.memory_space<semaphore_mem>>) src(%dma_wait3A_26 : memref<10240x16xf32, #tpu.memory_space<hbm>>) dst(%arg9 : memref<1024x16xf32, #tpu.memory_space<vmem>>)
    %dma_wait3A_27 = arith.constant 1 : i32
    %dma_wait3A_28 = arith.constant 0 : i32
    %dma_wait3A_29 = tpu.memref_slice %arg7[%dma_wait3A_27, %dma_wait3A_28] : memref<12x1024xi32, #tpu.memory_space<vmem>> -> memref<1x1024xi32, #tpu.memory_space<vmem>>
    %dma_wait3A_30 = tpu.memref_squeeze %dma_wait3A_29 : memref<1x1024xi32, #tpu.memory_space<vmem>> -> memref<1024xi32, #tpu.memory_space<vmem>>
    %dma_wait3A_31 = arith.constant 0 : i32
    %dma_wait3A_32 = arith.constant 0 : i32
    %dma_wait3A_33 = tpu.memref_slice %arg2[%dma_wait3A_31, %dma_wait3A_32] : memref<10240x16xf32, #tpu.memory_space<hbm>> -> memref<10240x16xf32, #tpu.memory_space<hbm>>
    tpu.wait_indirect_dma semaphore(%arg13 : memref<!tpu.dma_semaphore, #tpu.memory_space<semaphore_mem>>) src(%dma_wait3A_33 : memref<10240x16xf32, #tpu.memory_space<hbm>>) dst(%arg10 : memref<1024x16xf32, #tpu.memory_space<vmem>>)
    %barrier3A_34 = arith.constant 0 : index
    tpu.barrier barrier_id(%barrier3A_34)
    %mul3A_35 = arith.constant 640 : i32
    %mul3A_36 = arith.muli %arg1, %mul3A_35 : i32
    %mul3A_37 = arith.constant 640 : i32
    %mul3A_38 = arith.muli %arg1, %mul3A_37 : i32
    "tpu.region"() ({
      %run_scoped3A = tpu.sem_alloc : memref<!tpu.dma_semaphore, #tpu.memory_space<semaphore_mem>>
      %dma_start3A_39 = arith.constant 0 : i32
      %dma_start3A_40 = tpu.memref_slice %arg6[%arg0, %mul3A_38, %dma_start3A_39] : memref<2x10240x16xf32, #tpu.memory_space<hbm>> -> memref<1x640x16xf32, #tpu.memory_space<hbm>>
      %dma_start3A_41 = tpu.memref_squeeze %dma_start3A_40 : memref<1x640x16xf32, #tpu.memory_space<hbm>> -> memref<640x16xf32, #tpu.memory_space<hbm>>
      %dma_start3A_42 = arith.constant 0 : i32
      %dma_start3A_43 = tpu.memref_slice %arg11[%mul3A_36, %dma_start3A_42] : memref<10240x16xf32, #tpu.memory_space<vmem_shared>> -> memref<640x16xf32, #tpu.memory_space<vmem_shared>>
      tpu.enqueue_dma source(%dma_start3A_43 : memref<640x16xf32, #tpu.memory_space<vmem_shared>>) target(%dma_start3A_41 : memref<640x16xf32, #tpu.memory_space<hbm>>) target_semaphore(%run_scoped3A : memref<!tpu.dma_semaphore, #tpu.memory_space<semaphore_mem>>)
      %dma_wait3A_44 = arith.constant 0 : i32
      %dma_wait3A_45 = tpu.memref_slice %arg6[%arg0, %mul3A_38, %dma_wait3A_44] : memref<2x10240x16xf32, #tpu.memory_space<hbm>> -> memref<1x640x16xf32, #tpu.memory_space<hbm>>
      %dma_wait3A_46 = tpu.memref_squeeze %dma_wait3A_45 : memref<1x640x16xf32, #tpu.memory_space<hbm>> -> memref<640x16xf32, #tpu.memory_space<hbm>>
      %dma_wait3A_47 = arith.constant 0 : i32
      %dma_wait3A_48 = tpu.memref_slice %arg11[%mul3A_36, %dma_wait3A_47] : memref<10240x16xf32, #tpu.memory_space<vmem_shared>> -> memref<640x16xf32, #tpu.memory_space<vmem_shared>>
      tpu.wait_dma2 semaphore(%run_scoped3A : memref<!tpu.dma_semaphore, #tpu.memory_space<semaphore_mem>>) src(%dma_wait3A_48 : memref<640x16xf32, #tpu.memory_space<vmem_shared>>) dst(%dma_wait3A_46 : memref<640x16xf32, #tpu.memory_space<hbm>>)
      tpu.yield
    }) : () -> ()
    return
  }
}

#map = affine_map<(d0, d1) -> (0, 0)>
#map1 = affine_map<(d0, d1) -> (0, 0, 0, 0)>
#map2 = affine_map<(d0, d1) -> (0, 0, 0)>
module attributes {stable_mosaic.version = 14 : i64} {
  func.func @body(%arg0: i32, %arg1: i32, %arg2: memref<10240x128xf32, #tpu.memory_space<hbm>>, %arg3: memref<2x16x96x128xi32, #tpu.memory_space<hbm>>, %arg4: memref<2x16x80x128xi32, #tpu.memory_space<hbm>>, %arg5: memref<10240x128xf32, #tpu.memory_space<hbm>>, %arg6: memref<2x10240x128xf32, #tpu.memory_space<hbm>>, %arg7: memref<48x128xi32, #tpu.memory_space<vmem>>, %arg8: memref<40x128xi32, #tpu.memory_space<vmem>>, %arg9: memref<128x128xf32, #tpu.memory_space<vmem>>, %arg10: memref<128x128xf32, #tpu.memory_space<vmem>>, %arg11: memref<10240x128xf32, #tpu.memory_space<vmem_shared>>, %arg12: memref<!tpu.dma_semaphore, #tpu.memory_space<semaphore_mem>>, %arg13: memref<!tpu.dma_semaphore, #tpu.memory_space<semaphore_mem>>) attributes {dimension_semantics = [#tpu.dimension_semantics<core_parallel>, #tpu.dimension_semantics<subcore_parallel>], iteration_bounds = array<i64: 2, 16>, scalar_prefetch = 0 : i64, scratch_operands = 7 : i64, tpu.core_type = #tpu.core_type<sc_vector_subcore>, window_params = [{transform_indices = #map}, {transform_indices = #map1}, {transform_indices = #map1}, {transform_indices = #map}, {transform_indices = #map2}]} {
    %mul3A = arith.constant 640 : i32
    %mul3A_0 = arith.muli %arg1, %mul3A : i32
    %mul3A_1 = arith.constant 640 : i32
    %mul3A_2 = arith.muli %arg1, %mul3A_1 : i32
    "tpu.region"() ({
      %run_scoped3A = tpu.sem_alloc : memref<!tpu.dma_semaphore, #tpu.memory_space<semaphore_mem>>
      %dma_start3A_73 = arith.constant 0 : i32
      %dma_start3A_74 = tpu.memref_slice %arg11[%mul3A_2, %dma_start3A_73] : memref<10240x128xf32, #tpu.memory_space<vmem_shared>> -> memref<640x128xf32, #tpu.memory_space<vmem_shared>>
      %dma_start3A_75 = arith.constant 0 : i32
      %dma_start3A_76 = tpu.memref_slice %arg5[%mul3A_0, %dma_start3A_75] : memref<10240x128xf32, #tpu.memory_space<hbm>> -> memref<640x128xf32, #tpu.memory_space<hbm>>
      tpu.enqueue_dma source(%dma_start3A_76 : memref<640x128xf32, #tpu.memory_space<hbm>>) target(%dma_start3A_74 : memref<640x128xf32, #tpu.memory_space<vmem_shared>>) target_semaphore(%run_scoped3A : memref<!tpu.dma_semaphore, #tpu.memory_space<semaphore_mem>>)
      %dma_wait3A_77 = arith.constant 0 : i32
      %dma_wait3A_78 = tpu.memref_slice %arg11[%mul3A_2, %dma_wait3A_77] : memref<10240x128xf32, #tpu.memory_space<vmem_shared>> -> memref<640x128xf32, #tpu.memory_space<vmem_shared>>
      %dma_wait3A_79 = arith.constant 0 : i32
      %dma_wait3A_80 = tpu.memref_slice %arg5[%mul3A_0, %dma_wait3A_79] : memref<10240x128xf32, #tpu.memory_space<hbm>> -> memref<640x128xf32, #tpu.memory_space<hbm>>
      tpu.wait_dma2 semaphore(%run_scoped3A : memref<!tpu.dma_semaphore, #tpu.memory_space<semaphore_mem>>) src(%dma_wait3A_80 : memref<640x128xf32, #tpu.memory_space<hbm>>) dst(%dma_wait3A_78 : memref<640x128xf32, #tpu.memory_space<vmem_shared>>)
      tpu.yield
    }) : () -> ()
    %barrier3A = arith.constant 0 : index
    tpu.barrier barrier_id(%barrier3A)
    "tpu.region"() ({
      %run_scoped3A = tpu.sem_alloc : memref<!tpu.dma_semaphore, #tpu.memory_space<semaphore_mem>>
      %dma_start3A_73 = arith.constant 0 : i32
      %dma_start3A_74 = arith.constant 0 : i32
      %dma_start3A_75 = tpu.memref_slice %arg3[%arg0, %arg1, %dma_start3A_73, %dma_start3A_74] : memref<2x16x96x128xi32, #tpu.memory_space<hbm>> -> memref<1x1x48x128xi32, #tpu.memory_space<hbm>>
      %dma_start3A_76 = tpu.memref_squeeze %dma_start3A_75 : memref<1x1x48x128xi32, #tpu.memory_space<hbm>> -> memref<48x128xi32, #tpu.memory_space<hbm>>
      %dma_start3A_77 = arith.constant 0 : i32
      %dma_start3A_78 = arith.constant 0 : i32
      %dma_start3A_79 = tpu.memref_slice %arg3[%arg0, %arg1, %dma_start3A_77, %dma_start3A_78] : memref<2x16x96x128xi32, #tpu.memory_space<hbm>> -> memref<1x1x48x128xi32, #tpu.memory_space<hbm>>
      %dma_start3A_80 = tpu.memref_squeeze %dma_start3A_79 : memref<1x1x48x128xi32, #tpu.memory_space<hbm>> -> memref<48x128xi32, #tpu.memory_space<hbm>>
      tpu.enqueue_dma source(%dma_start3A_80 : memref<48x128xi32, #tpu.memory_space<hbm>>) target(%arg7 : memref<48x128xi32, #tpu.memory_space<vmem>>) target_semaphore(%run_scoped3A : memref<!tpu.dma_semaphore, #tpu.memory_space<semaphore_mem>>)
      %dma_wait3A_81 = arith.constant 0 : i32
      %dma_wait3A_82 = arith.constant 0 : i32
      %dma_wait3A_83 = tpu.memref_slice %arg3[%arg0, %arg1, %dma_wait3A_81, %dma_wait3A_82] : memref<2x16x96x128xi32, #tpu.memory_space<hbm>> -> memref<1x1x48x128xi32, #tpu.memory_space<hbm>>
      %dma_wait3A_84 = tpu.memref_squeeze %dma_wait3A_83 : memref<1x1x48x128xi32, #tpu.memory_space<hbm>> -> memref<48x128xi32, #tpu.memory_space<hbm>>
      %dma_wait3A_85 = arith.constant 0 : i32
      %dma_wait3A_86 = arith.constant 0 : i32
      %dma_wait3A_87 = tpu.memref_slice %arg3[%arg0, %arg1, %dma_wait3A_85, %dma_wait3A_86] : memref<2x16x96x128xi32, #tpu.memory_space<hbm>> -> memref<1x1x48x128xi32, #tpu.memory_space<hbm>>
      %dma_wait3A_88 = tpu.memref_squeeze %dma_wait3A_87 : memref<1x1x48x128xi32, #tpu.memory_space<hbm>> -> memref<48x128xi32, #tpu.memory_space<hbm>>
      tpu.wait_dma2 semaphore(%run_scoped3A : memref<!tpu.dma_semaphore, #tpu.memory_space<semaphore_mem>>) src(%dma_wait3A_88 : memref<48x128xi32, #tpu.memory_space<hbm>>) dst(%arg7 : memref<48x128xi32, #tpu.memory_space<vmem>>)
      tpu.yield
    }) : () -> ()
    "tpu.region"() ({
      %run_scoped3A = tpu.sem_alloc : memref<!tpu.dma_semaphore, #tpu.memory_space<semaphore_mem>>
      %dma_start3A_73 = arith.constant 0 : i32
      %dma_start3A_74 = arith.constant 0 : i32
      %dma_start3A_75 = tpu.memref_slice %arg4[%arg0, %arg1, %dma_start3A_73, %dma_start3A_74] : memref<2x16x80x128xi32, #tpu.memory_space<hbm>> -> memref<1x1x40x128xi32, #tpu.memory_space<hbm>>
      %dma_start3A_76 = tpu.memref_squeeze %dma_start3A_75 : memref<1x1x40x128xi32, #tpu.memory_space<hbm>> -> memref<40x128xi32, #tpu.memory_space<hbm>>
      %dma_start3A_77 = arith.constant 0 : i32
      %dma_start3A_78 = arith.constant 0 : i32
      %dma_start3A_79 = tpu.memref_slice %arg4[%arg0, %arg1, %dma_start3A_77, %dma_start3A_78] : memref<2x16x80x128xi32, #tpu.memory_space<hbm>> -> memref<1x1x40x128xi32, #tpu.memory_space<hbm>>
      %dma_start3A_80 = tpu.memref_squeeze %dma_start3A_79 : memref<1x1x40x128xi32, #tpu.memory_space<hbm>> -> memref<40x128xi32, #tpu.memory_space<hbm>>
      tpu.enqueue_dma source(%dma_start3A_80 : memref<40x128xi32, #tpu.memory_space<hbm>>) target(%arg8 : memref<40x128xi32, #tpu.memory_space<vmem>>) target_semaphore(%run_scoped3A : memref<!tpu.dma_semaphore, #tpu.memory_space<semaphore_mem>>)
      %dma_wait3A_81 = arith.constant 0 : i32
      %dma_wait3A_82 = arith.constant 0 : i32
      %dma_wait3A_83 = tpu.memref_slice %arg4[%arg0, %arg1, %dma_wait3A_81, %dma_wait3A_82] : memref<2x16x80x128xi32, #tpu.memory_space<hbm>> -> memref<1x1x40x128xi32, #tpu.memory_space<hbm>>
      %dma_wait3A_84 = tpu.memref_squeeze %dma_wait3A_83 : memref<1x1x40x128xi32, #tpu.memory_space<hbm>> -> memref<40x128xi32, #tpu.memory_space<hbm>>
      %dma_wait3A_85 = arith.constant 0 : i32
      %dma_wait3A_86 = arith.constant 0 : i32
      %dma_wait3A_87 = tpu.memref_slice %arg4[%arg0, %arg1, %dma_wait3A_85, %dma_wait3A_86] : memref<2x16x80x128xi32, #tpu.memory_space<hbm>> -> memref<1x1x40x128xi32, #tpu.memory_space<hbm>>
      %dma_wait3A_88 = tpu.memref_squeeze %dma_wait3A_87 : memref<1x1x40x128xi32, #tpu.memory_space<hbm>> -> memref<40x128xi32, #tpu.memory_space<hbm>>
      tpu.wait_dma2 semaphore(%run_scoped3A : memref<!tpu.dma_semaphore, #tpu.memory_space<semaphore_mem>>) src(%dma_wait3A_88 : memref<40x128xi32, #tpu.memory_space<hbm>>) dst(%arg8 : memref<40x128xi32, #tpu.memory_space<vmem>>)
      tpu.yield
    }) : () -> ()
    %dma_start3A = arith.constant 0 : i32
    %dma_start3A_3 = arith.constant 0 : i32
    %dma_start3A_4 = tpu.memref_slice %arg7[%dma_start3A, %dma_start3A_3] : memref<48x128xi32, #tpu.memory_space<vmem>> -> memref<1x128xi32, #tpu.memory_space<vmem>>
    %dma_start3A_5 = tpu.memref_squeeze %dma_start3A_4 : memref<1x128xi32, #tpu.memory_space<vmem>> -> memref<128xi32, #tpu.memory_space<vmem>>
    %dma_start3A_6 = arith.constant 0 : i32
    %dma_start3A_7 = arith.constant 0 : i32
    %dma_start3A_8 = tpu.memref_slice %arg2[%dma_start3A_6, %dma_start3A_7] : memref<10240x128xf32, #tpu.memory_space<hbm>> -> memref<10240x128xf32, #tpu.memory_space<hbm>>
    tpu.enqueue_indirect_dma source(%dma_start3A_8 : memref<10240x128xf32, #tpu.memory_space<hbm>>) target(%arg9 : memref<128x128xf32, #tpu.memory_space<vmem>>) offsets(%dma_start3A_5 : memref<128xi32, #tpu.memory_space<vmem>>) semaphore(%arg12 : memref<!tpu.dma_semaphore, #tpu.memory_space<semaphore_mem>>)
    %dma_start3A_9 = arith.constant 1 : i32
    %dma_start3A_10 = arith.constant 0 : i32
    %dma_start3A_11 = tpu.memref_slice %arg7[%dma_start3A_9, %dma_start3A_10] : memref<48x128xi32, #tpu.memory_space<vmem>> -> memref<1x128xi32, #tpu.memory_space<vmem>>
    %dma_start3A_12 = tpu.memref_squeeze %dma_start3A_11 : memref<1x128xi32, #tpu.memory_space<vmem>> -> memref<128xi32, #tpu.memory_space<vmem>>
    %dma_start3A_13 = arith.constant 0 : i32
    %dma_start3A_14 = arith.constant 0 : i32
    %dma_start3A_15 = tpu.memref_slice %arg2[%dma_start3A_13, %dma_start3A_14] : memref<10240x128xf32, #tpu.memory_space<hbm>> -> memref<10240x128xf32, #tpu.memory_space<hbm>>
    tpu.enqueue_indirect_dma source(%dma_start3A_15 : memref<10240x128xf32, #tpu.memory_space<hbm>>) target(%arg10 : memref<128x128xf32, #tpu.memory_space<vmem>>) offsets(%dma_start3A_12 : memref<128xi32, #tpu.memory_space<vmem>>) semaphore(%arg13 : memref<!tpu.dma_semaphore, #tpu.memory_space<semaphore_mem>>)
    %scan3A = arith.constant 0 : i32
    %scan3A_16 = arith.constant 0 : i32
    %scan3A_17 = arith.constant 20 : i32
    %scan3A_18 = arith.addi %scan3A_16, %scan3A_17 : i32
    %scan3A_19 = arith.constant 1 : i32
    scf.for %scan3A_73 = %scan3A_16 to %scan3A_18 step %scan3A_19  : i32 {
      %mul3A_74 = arith.constant 2 : i32
      %mul3A_75 = arith.muli %mul3A_74, %scan3A_73 : i32
      %dma_wait3A_76 = arith.constant 0 : i32
      %dma_wait3A_77 = arith.constant 0 : i32
      %dma_wait3A_78 = tpu.memref_slice %arg7[%dma_wait3A_76, %dma_wait3A_77] : memref<48x128xi32, #tpu.memory_space<vmem>> -> memref<1x128xi32, #tpu.memory_space<vmem>>
      %dma_wait3A_79 = tpu.memref_squeeze %dma_wait3A_78 : memref<1x128xi32, #tpu.memory_space<vmem>> -> memref<128xi32, #tpu.memory_space<vmem>>
      %dma_wait3A_80 = arith.constant 0 : i32
      %dma_wait3A_81 = arith.constant 0 : i32
      %dma_wait3A_82 = tpu.memref_slice %arg2[%dma_wait3A_80, %dma_wait3A_81] : memref<10240x128xf32, #tpu.memory_space<hbm>> -> memref<10240x128xf32, #tpu.memory_space<hbm>>
      tpu.wait_indirect_dma semaphore(%arg12 : memref<!tpu.dma_semaphore, #tpu.memory_space<semaphore_mem>>) src(%dma_wait3A_82 : memref<10240x128xf32, #tpu.memory_space<hbm>>) dst(%arg9 : memref<128x128xf32, #tpu.memory_space<vmem>>)
      "tpu.region"() ({
        %run_scoped3A = tpu.sem_alloc : memref<!tpu.dma_semaphore, #tpu.memory_space<semaphore_mem>>
        %dma_start3A_107 = arith.constant 0 : i32
        %dma_start3A_108 = tpu.memref_slice %arg8[%mul3A_75, %dma_start3A_107] : memref<40x128xi32, #tpu.memory_space<vmem>> -> memref<1x128xi32, #tpu.memory_space<vmem>>
        %dma_start3A_109 = tpu.memref_squeeze %dma_start3A_108 : memref<1x128xi32, #tpu.memory_space<vmem>> -> memref<128xi32, #tpu.memory_space<vmem>>
        %dma_start3A_110 = arith.constant 0 : i32
        %dma_start3A_111 = arith.constant 0 : i32
        %dma_start3A_112 = tpu.memref_slice %arg11[%dma_start3A_110, %dma_start3A_111] : memref<10240x128xf32, #tpu.memory_space<vmem_shared>> -> memref<10240x128xf32, #tpu.memory_space<vmem_shared>>
        tpu.enqueue_indirect_dma source(%arg9 : memref<128x128xf32, #tpu.memory_space<vmem>>) target(%dma_start3A_112 : memref<10240x128xf32, #tpu.memory_space<vmem_shared>>) offsets(%dma_start3A_109 : memref<128xi32, #tpu.memory_space<vmem>>) semaphore(%run_scoped3A : memref<!tpu.dma_semaphore, #tpu.memory_space<semaphore_mem>>) {add = true}
        %dma_wait3A_113 = arith.constant 0 : i32
        %dma_wait3A_114 = tpu.memref_slice %arg8[%mul3A_75, %dma_wait3A_113] : memref<40x128xi32, #tpu.memory_space<vmem>> -> memref<1x128xi32, #tpu.memory_space<vmem>>
        %dma_wait3A_115 = tpu.memref_squeeze %dma_wait3A_114 : memref<1x128xi32, #tpu.memory_space<vmem>> -> memref<128xi32, #tpu.memory_space<vmem>>
        %dma_wait3A_116 = arith.constant 0 : i32
        %dma_wait3A_117 = arith.constant 0 : i32
        %dma_wait3A_118 = tpu.memref_slice %arg11[%dma_wait3A_116, %dma_wait3A_117] : memref<10240x128xf32, #tpu.memory_space<vmem_shared>> -> memref<10240x128xf32, #tpu.memory_space<vmem_shared>>
        tpu.wait_indirect_dma semaphore(%run_scoped3A : memref<!tpu.dma_semaphore, #tpu.memory_space<semaphore_mem>>) src(%arg9 : memref<128x128xf32, #tpu.memory_space<vmem>>) dst(%dma_wait3A_118 : memref<10240x128xf32, #tpu.memory_space<vmem_shared>>)
        tpu.yield
      }) : () -> ()
      %add3A = arith.constant 2 : i32
      %add3A_83 = arith.addi %mul3A_75, %add3A : i32
      %dma_start3A_84 = arith.constant 0 : i32
      %dma_start3A_85 = tpu.memref_slice %arg7[%add3A_83, %dma_start3A_84] : memref<48x128xi32, #tpu.memory_space<vmem>> -> memref<1x128xi32, #tpu.memory_space<vmem>>
      %dma_start3A_86 = tpu.memref_squeeze %dma_start3A_85 : memref<1x128xi32, #tpu.memory_space<vmem>> -> memref<128xi32, #tpu.memory_space<vmem>>
      %dma_start3A_87 = arith.constant 0 : i32
      %dma_start3A_88 = arith.constant 0 : i32
      %dma_start3A_89 = tpu.memref_slice %arg2[%dma_start3A_87, %dma_start3A_88] : memref<10240x128xf32, #tpu.memory_space<hbm>> -> memref<10240x128xf32, #tpu.memory_space<hbm>>
      tpu.enqueue_indirect_dma source(%dma_start3A_89 : memref<10240x128xf32, #tpu.memory_space<hbm>>) target(%arg9 : memref<128x128xf32, #tpu.memory_space<vmem>>) offsets(%dma_start3A_86 : memref<128xi32, #tpu.memory_space<vmem>>) semaphore(%arg12 : memref<!tpu.dma_semaphore, #tpu.memory_space<semaphore_mem>>)
      %dma_wait3A_90 = arith.constant 1 : i32
      %dma_wait3A_91 = arith.constant 0 : i32
      %dma_wait3A_92 = tpu.memref_slice %arg7[%dma_wait3A_90, %dma_wait3A_91] : memref<48x128xi32, #tpu.memory_space<vmem>> -> memref<1x128xi32, #tpu.memory_space<vmem>>
      %dma_wait3A_93 = tpu.memref_squeeze %dma_wait3A_92 : memref<1x128xi32, #tpu.memory_space<vmem>> -> memref<128xi32, #tpu.memory_space<vmem>>
      %dma_wait3A_94 = arith.constant 0 : i32
      %dma_wait3A_95 = arith.constant 0 : i32
      %dma_wait3A_96 = tpu.memref_slice %arg2[%dma_wait3A_94, %dma_wait3A_95] : memref<10240x128xf32, #tpu.memory_space<hbm>> -> memref<10240x128xf32, #tpu.memory_space<hbm>>
      tpu.wait_indirect_dma semaphore(%arg13 : memref<!tpu.dma_semaphore, #tpu.memory_space<semaphore_mem>>) src(%dma_wait3A_96 : memref<10240x128xf32, #tpu.memory_space<hbm>>) dst(%arg10 : memref<128x128xf32, #tpu.memory_space<vmem>>)
      %add3A_97 = arith.constant 1 : i32
      %add3A_98 = arith.addi %mul3A_75, %add3A_97 : i32
      "tpu.region"() ({
        %run_scoped3A = tpu.sem_alloc : memref<!tpu.dma_semaphore, #tpu.memory_space<semaphore_mem>>
        %dma_start3A_107 = arith.constant 0 : i32
        %dma_start3A_108 = tpu.memref_slice %arg8[%add3A_98, %dma_start3A_107] : memref<40x128xi32, #tpu.memory_space<vmem>> -> memref<1x128xi32, #tpu.memory_space<vmem>>
        %dma_start3A_109 = tpu.memref_squeeze %dma_start3A_108 : memref<1x128xi32, #tpu.memory_space<vmem>> -> memref<128xi32, #tpu.memory_space<vmem>>
        %dma_start3A_110 = arith.constant 0 : i32
        %dma_start3A_111 = arith.constant 0 : i32
        %dma_start3A_112 = tpu.memref_slice %arg11[%dma_start3A_110, %dma_start3A_111] : memref<10240x128xf32, #tpu.memory_space<vmem_shared>> -> memref<10240x128xf32, #tpu.memory_space<vmem_shared>>
        tpu.enqueue_indirect_dma source(%arg10 : memref<128x128xf32, #tpu.memory_space<vmem>>) target(%dma_start3A_112 : memref<10240x128xf32, #tpu.memory_space<vmem_shared>>) offsets(%dma_start3A_109 : memref<128xi32, #tpu.memory_space<vmem>>) semaphore(%run_scoped3A : memref<!tpu.dma_semaphore, #tpu.memory_space<semaphore_mem>>) {add = true}
        %dma_wait3A_113 = arith.constant 0 : i32
        %dma_wait3A_114 = tpu.memref_slice %arg8[%add3A_98, %dma_wait3A_113] : memref<40x128xi32, #tpu.memory_space<vmem>> -> memref<1x128xi32, #tpu.memory_space<vmem>>
        %dma_wait3A_115 = tpu.memref_squeeze %dma_wait3A_114 : memref<1x128xi32, #tpu.memory_space<vmem>> -> memref<128xi32, #tpu.memory_space<vmem>>
        %dma_wait3A_116 = arith.constant 0 : i32
        %dma_wait3A_117 = arith.constant 0 : i32
        %dma_wait3A_118 = tpu.memref_slice %arg11[%dma_wait3A_116, %dma_wait3A_117] : memref<10240x128xf32, #tpu.memory_space<vmem_shared>> -> memref<10240x128xf32, #tpu.memory_space<vmem_shared>>
        tpu.wait_indirect_dma semaphore(%run_scoped3A : memref<!tpu.dma_semaphore, #tpu.memory_space<semaphore_mem>>) src(%arg10 : memref<128x128xf32, #tpu.memory_space<vmem>>) dst(%dma_wait3A_118 : memref<10240x128xf32, #tpu.memory_space<vmem_shared>>)
        tpu.yield
      }) : () -> ()
      %add3A_99 = arith.constant 3 : i32
      %add3A_100 = arith.addi %mul3A_75, %add3A_99 : i32
      %dma_start3A_101 = arith.constant 0 : i32
      %dma_start3A_102 = tpu.memref_slice %arg7[%add3A_100, %dma_start3A_101] : memref<48x128xi32, #tpu.memory_space<vmem>> -> memref<1x128xi32, #tpu.memory_space<vmem>>
      %dma_start3A_103 = tpu.memref_squeeze %dma_start3A_102 : memref<1x128xi32, #tpu.memory_space<vmem>> -> memref<128xi32, #tpu.memory_space<vmem>>
      %dma_start3A_104 = arith.constant 0 : i32
      %dma_start3A_105 = arith.constant 0 : i32
      %dma_start3A_106 = tpu.memref_slice %arg2[%dma_start3A_104, %dma_start3A_105] : memref<10240x128xf32, #tpu.memory_space<hbm>> -> memref<10240x128xf32, #tpu.memory_space<hbm>>
      tpu.enqueue_indirect_dma source(%dma_start3A_106 : memref<10240x128xf32, #tpu.memory_space<hbm>>) target(%arg10 : memref<128x128xf32, #tpu.memory_space<vmem>>) offsets(%dma_start3A_103 : memref<128xi32, #tpu.memory_space<vmem>>) semaphore(%arg13 : memref<!tpu.dma_semaphore, #tpu.memory_space<semaphore_mem>>)
    }
    %scan3A_20 = arith.constant 20 : i32
    %dma_wait3A = arith.constant 0 : i32
    %dma_wait3A_21 = arith.constant 0 : i32
    %dma_wait3A_22 = tpu.memref_slice %arg7[%dma_wait3A, %dma_wait3A_21] : memref<48x128xi32, #tpu.memory_space<vmem>> -> memref<1x128xi32, #tpu.memory_space<vmem>>
    %dma_wait3A_23 = tpu.memref_squeeze %dma_wait3A_22 : memref<1x128xi32, #tpu.memory_space<vmem>> -> memref<128xi32, #tpu.memory_space<vmem>>
    %dma_wait3A_24 = arith.constant 0 : i32
    %dma_wait3A_25 = arith.constant 0 : i32
    %dma_wait3A_26 = tpu.memref_slice %arg2[%dma_wait3A_24, %dma_wait3A_25] : memref<10240x128xf32, #tpu.memory_space<hbm>> -> memref<10240x128xf32, #tpu.memory_space<hbm>>
    tpu.wait_indirect_dma semaphore(%arg12 : memref<!tpu.dma_semaphore, #tpu.memory_space<semaphore_mem>>) src(%dma_wait3A_26 : memref<10240x128xf32, #tpu.memory_space<hbm>>) dst(%arg9 : memref<128x128xf32, #tpu.memory_space<vmem>>)
    %dma_wait3A_27 = arith.constant 1 : i32
    %dma_wait3A_28 = arith.constant 0 : i32
    %dma_wait3A_29 = tpu.memref_slice %arg7[%dma_wait3A_27, %dma_wait3A_28] : memref<48x128xi32, #tpu.memory_space<vmem>> -> memref<1x128xi32, #tpu.memory_space<vmem>>
    %dma_wait3A_30 = tpu.memref_squeeze %dma_wait3A_29 : memref<1x128xi32, #tpu.memory_space<vmem>> -> memref<128xi32, #tpu.memory_space<vmem>>
    %dma_wait3A_31 = arith.constant 0 : i32
    %dma_wait3A_32 = arith.constant 0 : i32
    %dma_wait3A_33 = tpu.memref_slice %arg2[%dma_wait3A_31, %dma_wait3A_32] : memref<10240x128xf32, #tpu.memory_space<hbm>> -> memref<10240x128xf32, #tpu.memory_space<hbm>>
    tpu.wait_indirect_dma semaphore(%arg13 : memref<!tpu.dma_semaphore, #tpu.memory_space<semaphore_mem>>) src(%dma_wait3A_33 : memref<10240x128xf32, #tpu.memory_space<hbm>>) dst(%arg10 : memref<128x128xf32, #tpu.memory_space<vmem>>)
    "tpu.region"() ({
      %run_scoped3A = tpu.sem_alloc : memref<!tpu.dma_semaphore, #tpu.memory_space<semaphore_mem>>
      %dma_start3A_73 = arith.constant 40 : i32
      %dma_start3A_74 = arith.constant 0 : i32
      %dma_start3A_75 = tpu.memref_slice %arg3[%arg0, %arg1, %dma_start3A_73, %dma_start3A_74] : memref<2x16x96x128xi32, #tpu.memory_space<hbm>> -> memref<1x1x48x128xi32, #tpu.memory_space<hbm>>
      %dma_start3A_76 = tpu.memref_squeeze %dma_start3A_75 : memref<1x1x48x128xi32, #tpu.memory_space<hbm>> -> memref<48x128xi32, #tpu.memory_space<hbm>>
      %dma_start3A_77 = arith.constant 40 : i32
      %dma_start3A_78 = arith.constant 0 : i32
      %dma_start3A_79 = tpu.memref_slice %arg3[%arg0, %arg1, %dma_start3A_77, %dma_start3A_78] : memref<2x16x96x128xi32, #tpu.memory_space<hbm>> -> memref<1x1x48x128xi32, #tpu.memory_space<hbm>>
      %dma_start3A_80 = tpu.memref_squeeze %dma_start3A_79 : memref<1x1x48x128xi32, #tpu.memory_space<hbm>> -> memref<48x128xi32, #tpu.memory_space<hbm>>
      tpu.enqueue_dma source(%dma_start3A_80 : memref<48x128xi32, #tpu.memory_space<hbm>>) target(%arg7 : memref<48x128xi32, #tpu.memory_space<vmem>>) target_semaphore(%run_scoped3A : memref<!tpu.dma_semaphore, #tpu.memory_space<semaphore_mem>>)
      %dma_wait3A_81 = arith.constant 40 : i32
      %dma_wait3A_82 = arith.constant 0 : i32
      %dma_wait3A_83 = tpu.memref_slice %arg3[%arg0, %arg1, %dma_wait3A_81, %dma_wait3A_82] : memref<2x16x96x128xi32, #tpu.memory_space<hbm>> -> memref<1x1x48x128xi32, #tpu.memory_space<hbm>>
      %dma_wait3A_84 = tpu.memref_squeeze %dma_wait3A_83 : memref<1x1x48x128xi32, #tpu.memory_space<hbm>> -> memref<48x128xi32, #tpu.memory_space<hbm>>
      %dma_wait3A_85 = arith.constant 40 : i32
      %dma_wait3A_86 = arith.constant 0 : i32
      %dma_wait3A_87 = tpu.memref_slice %arg3[%arg0, %arg1, %dma_wait3A_85, %dma_wait3A_86] : memref<2x16x96x128xi32, #tpu.memory_space<hbm>> -> memref<1x1x48x128xi32, #tpu.memory_space<hbm>>
      %dma_wait3A_88 = tpu.memref_squeeze %dma_wait3A_87 : memref<1x1x48x128xi32, #tpu.memory_space<hbm>> -> memref<48x128xi32, #tpu.memory_space<hbm>>
      tpu.wait_dma2 semaphore(%run_scoped3A : memref<!tpu.dma_semaphore, #tpu.memory_space<semaphore_mem>>) src(%dma_wait3A_88 : memref<48x128xi32, #tpu.memory_space<hbm>>) dst(%arg7 : memref<48x128xi32, #tpu.memory_space<vmem>>)
      tpu.yield
    }) : () -> ()
    "tpu.region"() ({
      %run_scoped3A = tpu.sem_alloc : memref<!tpu.dma_semaphore, #tpu.memory_space<semaphore_mem>>
      %dma_start3A_73 = arith.constant 40 : i32
      %dma_start3A_74 = arith.constant 0 : i32
      %dma_start3A_75 = tpu.memref_slice %arg4[%arg0, %arg1, %dma_start3A_73, %dma_start3A_74] : memref<2x16x80x128xi32, #tpu.memory_space<hbm>> -> memref<1x1x40x128xi32, #tpu.memory_space<hbm>>
      %dma_start3A_76 = tpu.memref_squeeze %dma_start3A_75 : memref<1x1x40x128xi32, #tpu.memory_space<hbm>> -> memref<40x128xi32, #tpu.memory_space<hbm>>
      %dma_start3A_77 = arith.constant 40 : i32
      %dma_start3A_78 = arith.constant 0 : i32
      %dma_start3A_79 = tpu.memref_slice %arg4[%arg0, %arg1, %dma_start3A_77, %dma_start3A_78] : memref<2x16x80x128xi32, #tpu.memory_space<hbm>> -> memref<1x1x40x128xi32, #tpu.memory_space<hbm>>
      %dma_start3A_80 = tpu.memref_squeeze %dma_start3A_79 : memref<1x1x40x128xi32, #tpu.memory_space<hbm>> -> memref<40x128xi32, #tpu.memory_space<hbm>>
      tpu.enqueue_dma source(%dma_start3A_80 : memref<40x128xi32, #tpu.memory_space<hbm>>) target(%arg8 : memref<40x128xi32, #tpu.memory_space<vmem>>) target_semaphore(%run_scoped3A : memref<!tpu.dma_semaphore, #tpu.memory_space<semaphore_mem>>)
      %dma_wait3A_81 = arith.constant 40 : i32
      %dma_wait3A_82 = arith.constant 0 : i32
      %dma_wait3A_83 = tpu.memref_slice %arg4[%arg0, %arg1, %dma_wait3A_81, %dma_wait3A_82] : memref<2x16x80x128xi32, #tpu.memory_space<hbm>> -> memref<1x1x40x128xi32, #tpu.memory_space<hbm>>
      %dma_wait3A_84 = tpu.memref_squeeze %dma_wait3A_83 : memref<1x1x40x128xi32, #tpu.memory_space<hbm>> -> memref<40x128xi32, #tpu.memory_space<hbm>>
      %dma_wait3A_85 = arith.constant 40 : i32
      %dma_wait3A_86 = arith.constant 0 : i32
      %dma_wait3A_87 = tpu.memref_slice %arg4[%arg0, %arg1, %dma_wait3A_85, %dma_wait3A_86] : memref<2x16x80x128xi32, #tpu.memory_space<hbm>> -> memref<1x1x40x128xi32, #tpu.memory_space<hbm>>
      %dma_wait3A_88 = tpu.memref_squeeze %dma_wait3A_87 : memref<1x1x40x128xi32, #tpu.memory_space<hbm>> -> memref<40x128xi32, #tpu.memory_space<hbm>>
      tpu.wait_dma2 semaphore(%run_scoped3A : memref<!tpu.dma_semaphore, #tpu.memory_space<semaphore_mem>>) src(%dma_wait3A_88 : memref<40x128xi32, #tpu.memory_space<hbm>>) dst(%arg8 : memref<40x128xi32, #tpu.memory_space<vmem>>)
      tpu.yield
    }) : () -> ()
    %dma_start3A_34 = arith.constant 0 : i32
    %dma_start3A_35 = arith.constant 0 : i32
    %dma_start3A_36 = tpu.memref_slice %arg7[%dma_start3A_34, %dma_start3A_35] : memref<48x128xi32, #tpu.memory_space<vmem>> -> memref<1x128xi32, #tpu.memory_space<vmem>>
    %dma_start3A_37 = tpu.memref_squeeze %dma_start3A_36 : memref<1x128xi32, #tpu.memory_space<vmem>> -> memref<128xi32, #tpu.memory_space<vmem>>
    %dma_start3A_38 = arith.constant 0 : i32
    %dma_start3A_39 = arith.constant 0 : i32
    %dma_start3A_40 = tpu.memref_slice %arg2[%dma_start3A_38, %dma_start3A_39] : memref<10240x128xf32, #tpu.memory_space<hbm>> -> memref<10240x128xf32, #tpu.memory_space<hbm>>
    tpu.enqueue_indirect_dma source(%dma_start3A_40 : memref<10240x128xf32, #tpu.memory_space<hbm>>) target(%arg9 : memref<128x128xf32, #tpu.memory_space<vmem>>) offsets(%dma_start3A_37 : memref<128xi32, #tpu.memory_space<vmem>>) semaphore(%arg12 : memref<!tpu.dma_semaphore, #tpu.memory_space<semaphore_mem>>)
    %dma_start3A_41 = arith.constant 1 : i32
    %dma_start3A_42 = arith.constant 0 : i32
    %dma_start3A_43 = tpu.memref_slice %arg7[%dma_start3A_41, %dma_start3A_42] : memref<48x128xi32, #tpu.memory_space<vmem>> -> memref<1x128xi32, #tpu.memory_space<vmem>>
    %dma_start3A_44 = tpu.memref_squeeze %dma_start3A_43 : memref<1x128xi32, #tpu.memory_space<vmem>> -> memref<128xi32, #tpu.memory_space<vmem>>
    %dma_start3A_45 = arith.constant 0 : i32
    %dma_start3A_46 = arith.constant 0 : i32
    %dma_start3A_47 = tpu.memref_slice %arg2[%dma_start3A_45, %dma_start3A_46] : memref<10240x128xf32, #tpu.memory_space<hbm>> -> memref<10240x128xf32, #tpu.memory_space<hbm>>
    tpu.enqueue_indirect_dma source(%dma_start3A_47 : memref<10240x128xf32, #tpu.memory_space<hbm>>) target(%arg10 : memref<128x128xf32, #tpu.memory_space<vmem>>) offsets(%dma_start3A_44 : memref<128xi32, #tpu.memory_space<vmem>>) semaphore(%arg13 : memref<!tpu.dma_semaphore, #tpu.memory_space<semaphore_mem>>)
    %scan3A_48 = arith.constant 0 : i32
    %scan3A_49 = arith.constant 0 : i32
    %scan3A_50 = arith.constant 20 : i32
    %scan3A_51 = arith.addi %scan3A_49, %scan3A_50 : i32
    %scan3A_52 = arith.constant 1 : i32
    scf.for %scan3A_73 = %scan3A_49 to %scan3A_51 step %scan3A_52  : i32 {
      %mul3A_74 = arith.constant 2 : i32
      %mul3A_75 = arith.muli %mul3A_74, %scan3A_73 : i32
      %dma_wait3A_76 = arith.constant 0 : i32
      %dma_wait3A_77 = arith.constant 0 : i32
      %dma_wait3A_78 = tpu.memref_slice %arg7[%dma_wait3A_76, %dma_wait3A_77] : memref<48x128xi32, #tpu.memory_space<vmem>> -> memref<1x128xi32, #tpu.memory_space<vmem>>
      %dma_wait3A_79 = tpu.memref_squeeze %dma_wait3A_78 : memref<1x128xi32, #tpu.memory_space<vmem>> -> memref<128xi32, #tpu.memory_space<vmem>>
      %dma_wait3A_80 = arith.constant 0 : i32
      %dma_wait3A_81 = arith.constant 0 : i32
      %dma_wait3A_82 = tpu.memref_slice %arg2[%dma_wait3A_80, %dma_wait3A_81] : memref<10240x128xf32, #tpu.memory_space<hbm>> -> memref<10240x128xf32, #tpu.memory_space<hbm>>
      tpu.wait_indirect_dma semaphore(%arg12 : memref<!tpu.dma_semaphore, #tpu.memory_space<semaphore_mem>>) src(%dma_wait3A_82 : memref<10240x128xf32, #tpu.memory_space<hbm>>) dst(%arg9 : memref<128x128xf32, #tpu.memory_space<vmem>>)
      "tpu.region"() ({
        %run_scoped3A = tpu.sem_alloc : memref<!tpu.dma_semaphore, #tpu.memory_space<semaphore_mem>>
        %dma_start3A_107 = arith.constant 0 : i32
        %dma_start3A_108 = tpu.memref_slice %arg8[%mul3A_75, %dma_start3A_107] : memref<40x128xi32, #tpu.memory_space<vmem>> -> memref<1x128xi32, #tpu.memory_space<vmem>>
        %dma_start3A_109 = tpu.memref_squeeze %dma_start3A_108 : memref<1x128xi32, #tpu.memory_space<vmem>> -> memref<128xi32, #tpu.memory_space<vmem>>
        %dma_start3A_110 = arith.constant 0 : i32
        %dma_start3A_111 = arith.constant 0 : i32
        %dma_start3A_112 = tpu.memref_slice %arg11[%dma_start3A_110, %dma_start3A_111] : memref<10240x128xf32, #tpu.memory_space<vmem_shared>> -> memref<10240x128xf32, #tpu.memory_space<vmem_shared>>
        tpu.enqueue_indirect_dma source(%arg9 : memref<128x128xf32, #tpu.memory_space<vmem>>) target(%dma_start3A_112 : memref<10240x128xf32, #tpu.memory_space<vmem_shared>>) offsets(%dma_start3A_109 : memref<128xi32, #tpu.memory_space<vmem>>) semaphore(%run_scoped3A : memref<!tpu.dma_semaphore, #tpu.memory_space<semaphore_mem>>) {add = true}
        %dma_wait3A_113 = arith.constant 0 : i32
        %dma_wait3A_114 = tpu.memref_slice %arg8[%mul3A_75, %dma_wait3A_113] : memref<40x128xi32, #tpu.memory_space<vmem>> -> memref<1x128xi32, #tpu.memory_space<vmem>>
        %dma_wait3A_115 = tpu.memref_squeeze %dma_wait3A_114 : memref<1x128xi32, #tpu.memory_space<vmem>> -> memref<128xi32, #tpu.memory_space<vmem>>
        %dma_wait3A_116 = arith.constant 0 : i32
        %dma_wait3A_117 = arith.constant 0 : i32
        %dma_wait3A_118 = tpu.memref_slice %arg11[%dma_wait3A_116, %dma_wait3A_117] : memref<10240x128xf32, #tpu.memory_space<vmem_shared>> -> memref<10240x128xf32, #tpu.memory_space<vmem_shared>>
        tpu.wait_indirect_dma semaphore(%run_scoped3A : memref<!tpu.dma_semaphore, #tpu.memory_space<semaphore_mem>>) src(%arg9 : memref<128x128xf32, #tpu.memory_space<vmem>>) dst(%dma_wait3A_118 : memref<10240x128xf32, #tpu.memory_space<vmem_shared>>)
        tpu.yield
      }) : () -> ()
      %add3A = arith.constant 2 : i32
      %add3A_83 = arith.addi %mul3A_75, %add3A : i32
      %dma_start3A_84 = arith.constant 0 : i32
      %dma_start3A_85 = tpu.memref_slice %arg7[%add3A_83, %dma_start3A_84] : memref<48x128xi32, #tpu.memory_space<vmem>> -> memref<1x128xi32, #tpu.memory_space<vmem>>
      %dma_start3A_86 = tpu.memref_squeeze %dma_start3A_85 : memref<1x128xi32, #tpu.memory_space<vmem>> -> memref<128xi32, #tpu.memory_space<vmem>>
      %dma_start3A_87 = arith.constant 0 : i32
      %dma_start3A_88 = arith.constant 0 : i32
      %dma_start3A_89 = tpu.memref_slice %arg2[%dma_start3A_87, %dma_start3A_88] : memref<10240x128xf32, #tpu.memory_space<hbm>> -> memref<10240x128xf32, #tpu.memory_space<hbm>>
      tpu.enqueue_indirect_dma source(%dma_start3A_89 : memref<10240x128xf32, #tpu.memory_space<hbm>>) target(%arg9 : memref<128x128xf32, #tpu.memory_space<vmem>>) offsets(%dma_start3A_86 : memref<128xi32, #tpu.memory_space<vmem>>) semaphore(%arg12 : memref<!tpu.dma_semaphore, #tpu.memory_space<semaphore_mem>>)
      %dma_wait3A_90 = arith.constant 1 : i32
      %dma_wait3A_91 = arith.constant 0 : i32
      %dma_wait3A_92 = tpu.memref_slice %arg7[%dma_wait3A_90, %dma_wait3A_91] : memref<48x128xi32, #tpu.memory_space<vmem>> -> memref<1x128xi32, #tpu.memory_space<vmem>>
      %dma_wait3A_93 = tpu.memref_squeeze %dma_wait3A_92 : memref<1x128xi32, #tpu.memory_space<vmem>> -> memref<128xi32, #tpu.memory_space<vmem>>
      %dma_wait3A_94 = arith.constant 0 : i32
      %dma_wait3A_95 = arith.constant 0 : i32
      %dma_wait3A_96 = tpu.memref_slice %arg2[%dma_wait3A_94, %dma_wait3A_95] : memref<10240x128xf32, #tpu.memory_space<hbm>> -> memref<10240x128xf32, #tpu.memory_space<hbm>>
      tpu.wait_indirect_dma semaphore(%arg13 : memref<!tpu.dma_semaphore, #tpu.memory_space<semaphore_mem>>) src(%dma_wait3A_96 : memref<10240x128xf32, #tpu.memory_space<hbm>>) dst(%arg10 : memref<128x128xf32, #tpu.memory_space<vmem>>)
      %add3A_97 = arith.constant 1 : i32
      %add3A_98 = arith.addi %mul3A_75, %add3A_97 : i32
      "tpu.region"() ({
        %run_scoped3A = tpu.sem_alloc : memref<!tpu.dma_semaphore, #tpu.memory_space<semaphore_mem>>
        %dma_start3A_107 = arith.constant 0 : i32
        %dma_start3A_108 = tpu.memref_slice %arg8[%add3A_98, %dma_start3A_107] : memref<40x128xi32, #tpu.memory_space<vmem>> -> memref<1x128xi32, #tpu.memory_space<vmem>>
        %dma_start3A_109 = tpu.memref_squeeze %dma_start3A_108 : memref<1x128xi32, #tpu.memory_space<vmem>> -> memref<128xi32, #tpu.memory_space<vmem>>
        %dma_start3A_110 = arith.constant 0 : i32
        %dma_start3A_111 = arith.constant 0 : i32
        %dma_start3A_112 = tpu.memref_slice %arg11[%dma_start3A_110, %dma_start3A_111] : memref<10240x128xf32, #tpu.memory_space<vmem_shared>> -> memref<10240x128xf32, #tpu.memory_space<vmem_shared>>
        tpu.enqueue_indirect_dma source(%arg10 : memref<128x128xf32, #tpu.memory_space<vmem>>) target(%dma_start3A_112 : memref<10240x128xf32, #tpu.memory_space<vmem_shared>>) offsets(%dma_start3A_109 : memref<128xi32, #tpu.memory_space<vmem>>) semaphore(%run_scoped3A : memref<!tpu.dma_semaphore, #tpu.memory_space<semaphore_mem>>) {add = true}
        %dma_wait3A_113 = arith.constant 0 : i32
        %dma_wait3A_114 = tpu.memref_slice %arg8[%add3A_98, %dma_wait3A_113] : memref<40x128xi32, #tpu.memory_space<vmem>> -> memref<1x128xi32, #tpu.memory_space<vmem>>
        %dma_wait3A_115 = tpu.memref_squeeze %dma_wait3A_114 : memref<1x128xi32, #tpu.memory_space<vmem>> -> memref<128xi32, #tpu.memory_space<vmem>>
        %dma_wait3A_116 = arith.constant 0 : i32
        %dma_wait3A_117 = arith.constant 0 : i32
        %dma_wait3A_118 = tpu.memref_slice %arg11[%dma_wait3A_116, %dma_wait3A_117] : memref<10240x128xf32, #tpu.memory_space<vmem_shared>> -> memref<10240x128xf32, #tpu.memory_space<vmem_shared>>
        tpu.wait_indirect_dma semaphore(%run_scoped3A : memref<!tpu.dma_semaphore, #tpu.memory_space<semaphore_mem>>) src(%arg10 : memref<128x128xf32, #tpu.memory_space<vmem>>) dst(%dma_wait3A_118 : memref<10240x128xf32, #tpu.memory_space<vmem_shared>>)
        tpu.yield
      }) : () -> ()
      %add3A_99 = arith.constant 3 : i32
      %add3A_100 = arith.addi %mul3A_75, %add3A_99 : i32
      %dma_start3A_101 = arith.constant 0 : i32
      %dma_start3A_102 = tpu.memref_slice %arg7[%add3A_100, %dma_start3A_101] : memref<48x128xi32, #tpu.memory_space<vmem>> -> memref<1x128xi32, #tpu.memory_space<vmem>>
      %dma_start3A_103 = tpu.memref_squeeze %dma_start3A_102 : memref<1x128xi32, #tpu.memory_space<vmem>> -> memref<128xi32, #tpu.memory_space<vmem>>
      %dma_start3A_104 = arith.constant 0 : i32
      %dma_start3A_105 = arith.constant 0 : i32
      %dma_start3A_106 = tpu.memref_slice %arg2[%dma_start3A_104, %dma_start3A_105] : memref<10240x128xf32, #tpu.memory_space<hbm>> -> memref<10240x128xf32, #tpu.memory_space<hbm>>
      tpu.enqueue_indirect_dma source(%dma_start3A_106 : memref<10240x128xf32, #tpu.memory_space<hbm>>) target(%arg10 : memref<128x128xf32, #tpu.memory_space<vmem>>) offsets(%dma_start3A_103 : memref<128xi32, #tpu.memory_space<vmem>>) semaphore(%arg13 : memref<!tpu.dma_semaphore, #tpu.memory_space<semaphore_mem>>)
    }
    %scan3A_53 = arith.constant 20 : i32
    %dma_wait3A_54 = arith.constant 0 : i32
    %dma_wait3A_55 = arith.constant 0 : i32
    %dma_wait3A_56 = tpu.memref_slice %arg7[%dma_wait3A_54, %dma_wait3A_55] : memref<48x128xi32, #tpu.memory_space<vmem>> -> memref<1x128xi32, #tpu.memory_space<vmem>>
    %dma_wait3A_57 = tpu.memref_squeeze %dma_wait3A_56 : memref<1x128xi32, #tpu.memory_space<vmem>> -> memref<128xi32, #tpu.memory_space<vmem>>
    %dma_wait3A_58 = arith.constant 0 : i32
    %dma_wait3A_59 = arith.constant 0 : i32
    %dma_wait3A_60 = tpu.memref_slice %arg2[%dma_wait3A_58, %dma_wait3A_59] : memref<10240x128xf32, #tpu.memory_space<hbm>> -> memref<10240x128xf32, #tpu.memory_space<hbm>>
    tpu.wait_indirect_dma semaphore(%arg12 : memref<!tpu.dma_semaphore, #tpu.memory_space<semaphore_mem>>) src(%dma_wait3A_60 : memref<10240x128xf32, #tpu.memory_space<hbm>>) dst(%arg9 : memref<128x128xf32, #tpu.memory_space<vmem>>)
    %dma_wait3A_61 = arith.constant 1 : i32
    %dma_wait3A_62 = arith.constant 0 : i32
    %dma_wait3A_63 = tpu.memref_slice %arg7[%dma_wait3A_61, %dma_wait3A_62] : memref<48x128xi32, #tpu.memory_space<vmem>> -> memref<1x128xi32, #tpu.memory_space<vmem>>
    %dma_wait3A_64 = tpu.memref_squeeze %dma_wait3A_63 : memref<1x128xi32, #tpu.memory_space<vmem>> -> memref<128xi32, #tpu.memory_space<vmem>>
    %dma_wait3A_65 = arith.constant 0 : i32
    %dma_wait3A_66 = arith.constant 0 : i32
    %dma_wait3A_67 = tpu.memref_slice %arg2[%dma_wait3A_65, %dma_wait3A_66] : memref<10240x128xf32, #tpu.memory_space<hbm>> -> memref<10240x128xf32, #tpu.memory_space<hbm>>
    tpu.wait_indirect_dma semaphore(%arg13 : memref<!tpu.dma_semaphore, #tpu.memory_space<semaphore_mem>>) src(%dma_wait3A_67 : memref<10240x128xf32, #tpu.memory_space<hbm>>) dst(%arg10 : memref<128x128xf32, #tpu.memory_space<vmem>>)
    %barrier3A_68 = arith.constant 0 : index
    tpu.barrier barrier_id(%barrier3A_68)
    %mul3A_69 = arith.constant 640 : i32
    %mul3A_70 = arith.muli %arg1, %mul3A_69 : i32
    %mul3A_71 = arith.constant 640 : i32
    %mul3A_72 = arith.muli %arg1, %mul3A_71 : i32
    "tpu.region"() ({
      %run_scoped3A = tpu.sem_alloc : memref<!tpu.dma_semaphore, #tpu.memory_space<semaphore_mem>>
      %dma_start3A_73 = arith.constant 0 : i32
      %dma_start3A_74 = tpu.memref_slice %arg6[%arg0, %mul3A_72, %dma_start3A_73] : memref<2x10240x128xf32, #tpu.memory_space<hbm>> -> memref<1x640x128xf32, #tpu.memory_space<hbm>>
      %dma_start3A_75 = tpu.memref_squeeze %dma_start3A_74 : memref<1x640x128xf32, #tpu.memory_space<hbm>> -> memref<640x128xf32, #tpu.memory_space<hbm>>
      %dma_start3A_76 = arith.constant 0 : i32
      %dma_start3A_77 = tpu.memref_slice %arg11[%mul3A_70, %dma_start3A_76] : memref<10240x128xf32, #tpu.memory_space<vmem_shared>> -> memref<640x128xf32, #tpu.memory_space<vmem_shared>>
      tpu.enqueue_dma source(%dma_start3A_77 : memref<640x128xf32, #tpu.memory_space<vmem_shared>>) target(%dma_start3A_75 : memref<640x128xf32, #tpu.memory_space<hbm>>) target_semaphore(%run_scoped3A : memref<!tpu.dma_semaphore, #tpu.memory_space<semaphore_mem>>)
      %dma_wait3A_78 = arith.constant 0 : i32
      %dma_wait3A_79 = tpu.memref_slice %arg6[%arg0, %mul3A_72, %dma_wait3A_78] : memref<2x10240x128xf32, #tpu.memory_space<hbm>> -> memref<1x640x128xf32, #tpu.memory_space<hbm>>
      %dma_wait3A_80 = tpu.memref_squeeze %dma_wait3A_79 : memref<1x640x128xf32, #tpu.memory_space<hbm>> -> memref<640x128xf32, #tpu.memory_space<hbm>>
      %dma_wait3A_81 = arith.constant 0 : i32
      %dma_wait3A_82 = tpu.memref_slice %arg11[%mul3A_70, %dma_wait3A_81] : memref<10240x128xf32, #tpu.memory_space<vmem_shared>> -> memref<640x128xf32, #tpu.memory_space<vmem_shared>>
      tpu.wait_dma2 semaphore(%run_scoped3A : memref<!tpu.dma_semaphore, #tpu.memory_space<semaphore_mem>>) src(%dma_wait3A_82 : memref<640x128xf32, #tpu.memory_space<vmem_shared>>) dst(%dma_wait3A_80 : memref<640x128xf32, #tpu.memory_space<hbm>>)
      tpu.yield
    }) : () -> ()
    return
  }
}

#map = affine_map<(d0, d1) -> (0, 0, 0, 0)>
#map1 = affine_map<(d0, d1) -> (0)>
#map2 = affine_map<(d0, d1) -> (0, 0)>
module attributes {stable_mosaic.version = 14 : i64} {
  func.func @body(%arg0: i32, %arg1: i32, %arg2: memref<2x16x10x1024xi32, #tpu.memory_space<hbm>>, %arg3: memref<10240xf32, #tpu.memory_space<hbm>>, %arg4: memref<2x10240xf32, #tpu.memory_space<hbm>>, %arg5: memref<10x1024xi32, #tpu.memory_space<vmem>>, %arg6: memref<1024xf32, #tpu.memory_space<vmem>>, %arg7: memref<10240xf32, #tpu.memory_space<vmem_shared>>) attributes {dimension_semantics = [#tpu.dimension_semantics<core_parallel>, #tpu.dimension_semantics<subcore_parallel>], iteration_bounds = array<i64: 2, 16>, scalar_prefetch = 0 : i64, scratch_operands = 3 : i64, tpu.core_type = #tpu.core_type<sc_vector_subcore>, window_params = [{transform_indices = #map}, {transform_indices = #map1}, {transform_indices = #map2}]} {
    "tpu.region"() ({
      %run_scoped3A = tpu.sem_alloc : memref<!tpu.dma_semaphore, #tpu.memory_space<semaphore_mem>>
      %dma_start3A = arith.constant 0 : i32
      %dma_start3A_395 = arith.constant 0 : i32
      %dma_start3A_396 = tpu.memref_slice %arg2[%arg0, %arg1, %dma_start3A, %dma_start3A_395] : memref<2x16x10x1024xi32, #tpu.memory_space<hbm>> -> memref<1x1x10x1024xi32, #tpu.memory_space<hbm>>
      %dma_start3A_397 = tpu.memref_squeeze %dma_start3A_396 : memref<1x1x10x1024xi32, #tpu.memory_space<hbm>> -> memref<10x1024xi32, #tpu.memory_space<hbm>>
      %dma_start3A_398 = arith.constant 0 : i32
      %dma_start3A_399 = arith.constant 0 : i32
      %dma_start3A_400 = tpu.memref_slice %arg2[%arg0, %arg1, %dma_start3A_398, %dma_start3A_399] : memref<2x16x10x1024xi32, #tpu.memory_space<hbm>> -> memref<1x1x10x1024xi32, #tpu.memory_space<hbm>>
      %dma_start3A_401 = tpu.memref_squeeze %dma_start3A_400 : memref<1x1x10x1024xi32, #tpu.memory_space<hbm>> -> memref<10x1024xi32, #tpu.memory_space<hbm>>
      tpu.enqueue_dma source(%dma_start3A_401 : memref<10x1024xi32, #tpu.memory_space<hbm>>) target(%arg5 : memref<10x1024xi32, #tpu.memory_space<vmem>>) target_semaphore(%run_scoped3A : memref<!tpu.dma_semaphore, #tpu.memory_space<semaphore_mem>>)
      %dma_wait3A = arith.constant 0 : i32
      %dma_wait3A_402 = arith.constant 0 : i32
      %dma_wait3A_403 = tpu.memref_slice %arg2[%arg0, %arg1, %dma_wait3A, %dma_wait3A_402] : memref<2x16x10x1024xi32, #tpu.memory_space<hbm>> -> memref<1x1x10x1024xi32, #tpu.memory_space<hbm>>
      %dma_wait3A_404 = tpu.memref_squeeze %dma_wait3A_403 : memref<1x1x10x1024xi32, #tpu.memory_space<hbm>> -> memref<10x1024xi32, #tpu.memory_space<hbm>>
      %dma_wait3A_405 = arith.constant 0 : i32
      %dma_wait3A_406 = arith.constant 0 : i32
      %dma_wait3A_407 = tpu.memref_slice %arg2[%arg0, %arg1, %dma_wait3A_405, %dma_wait3A_406] : memref<2x16x10x1024xi32, #tpu.memory_space<hbm>> -> memref<1x1x10x1024xi32, #tpu.memory_space<hbm>>
      %dma_wait3A_408 = tpu.memref_squeeze %dma_wait3A_407 : memref<1x1x10x1024xi32, #tpu.memory_space<hbm>> -> memref<10x1024xi32, #tpu.memory_space<hbm>>
      tpu.wait_dma2 semaphore(%run_scoped3A : memref<!tpu.dma_semaphore, #tpu.memory_space<semaphore_mem>>) src(%dma_wait3A_408 : memref<10x1024xi32, #tpu.memory_space<hbm>>) dst(%arg5 : memref<10x1024xi32, #tpu.memory_space<vmem>>)
      tpu.yield
    }) : () -> ()
    %mul3A = arith.constant 640 : i32
    %mul3A_0 = arith.muli %arg1, %mul3A : i32
    %mul3A_1 = arith.constant 640 : i32
    %mul3A_2 = arith.muli %arg1, %mul3A_1 : i32
    "tpu.region"() ({
      %run_scoped3A = tpu.sem_alloc : memref<!tpu.dma_semaphore, #tpu.memory_space<semaphore_mem>>
      %dma_start3A = tpu.memref_slice %arg7[%mul3A_2] : memref<10240xf32, #tpu.memory_space<vmem_shared>> -> memref<640xf32, #tpu.memory_space<vmem_shared>>
      %dma_start3A_395 = tpu.memref_slice %arg3[%mul3A_0] : memref<10240xf32, #tpu.memory_space<hbm>> -> memref<640xf32, #tpu.memory_space<hbm>>
      tpu.enqueue_dma source(%dma_start3A_395 : memref<640xf32, #tpu.memory_space<hbm>>) target(%dma_start3A : memref<640xf32, #tpu.memory_space<vmem_shared>>) target_semaphore(%run_scoped3A : memref<!tpu.dma_semaphore, #tpu.memory_space<semaphore_mem>>)
      %dma_wait3A = tpu.memref_slice %arg7[%mul3A_2] : memref<10240xf32, #tpu.memory_space<vmem_shared>> -> memref<640xf32, #tpu.memory_space<vmem_shared>>
      %dma_wait3A_396 = tpu.memref_slice %arg3[%mul3A_0] : memref<10240xf32, #tpu.memory_space<hbm>> -> memref<640xf32, #tpu.memory_space<hbm>>
      tpu.wait_dma2 semaphore(%run_scoped3A : memref<!tpu.dma_semaphore, #tpu.memory_space<semaphore_mem>>) src(%dma_wait3A_396 : memref<640xf32, #tpu.memory_space<hbm>>) dst(%dma_wait3A : memref<640xf32, #tpu.memory_space<vmem_shared>>)
      tpu.yield
    }) : () -> ()
    %broadcast_in_dim3A = arith.constant 1.000000e+00 : f32
    %broadcast_in_dim3A_3 = vector.broadcast %broadcast_in_dim3A : f32 to vector<16xf32>
    %swap3A = arith.constant 0 : index
    %swap3A_4 = tpu.vector_load %arg6[%swap3A] {strides = array<i32>} : memref<1024xf32, #tpu.memory_space<vmem>>, vector<16xf32>,
    %swap3A_5 = vector.shape_cast %swap3A_4 : vector<16xf32> to vector<16xf32>
    %swap3A_6 = vector.shape_cast %broadcast_in_dim3A_3 : vector<16xf32> to vector<16xf32>
    tpu.vector_store %arg6[%swap3A], %swap3A_6 {strides = array<i32>} : memref<1024xf32, #tpu.memory_space<vmem>>, vector<16xf32>,
    %broadcast_in_dim3A_7 = arith.constant 1.000000e+00 : f32
    %broadcast_in_dim3A_8 = vector.broadcast %broadcast_in_dim3A_7 : f32 to vector<16xf32>
    %swap3A_9 = arith.constant 16 : index
    %swap3A_10 = tpu.vector_load %arg6[%swap3A_9] {strides = array<i32>} : memref<1024xf32, #tpu.memory_space<vmem>>, vector<16xf32>,
    %swap3A_11 = vector.shape_cast %swap3A_10 : vector<16xf32> to vector<16xf32>
    %swap3A_12 = vector.shape_cast %broadcast_in_dim3A_8 : vector<16xf32> to vector<16xf32>
    tpu.vector_store %arg6[%swap3A_9], %swap3A_12 {strides = array<i32>} : memref<1024xf32, #tpu.memory_space<vmem>>, vector<16xf32>,
    %broadcast_in_dim3A_13 = arith.constant 1.000000e+00 : f32
    %broadcast_in_dim3A_14 = vector.broadcast %broadcast_in_dim3A_13 : f32 to vector<16xf32>
    %swap3A_15 = arith.constant 32 : index
    %swap3A_16 = tpu.vector_load %arg6[%swap3A_15] {strides = array<i32>} : memref<1024xf32, #tpu.memory_space<vmem>>, vector<16xf32>,
    %swap3A_17 = vector.shape_cast %swap3A_16 : vector<16xf32> to vector<16xf32>
    %swap3A_18 = vector.shape_cast %broadcast_in_dim3A_14 : vector<16xf32> to vector<16xf32>
    tpu.vector_store %arg6[%swap3A_15], %swap3A_18 {strides = array<i32>} : memref<1024xf32, #tpu.memory_space<vmem>>, vector<16xf32>,
    %broadcast_in_dim3A_19 = arith.constant 1.000000e+00 : f32
    %broadcast_in_dim3A_20 = vector.broadcast %broadcast_in_dim3A_19 : f32 to vector<16xf32>
    %swap3A_21 = arith.constant 48 : index
    %swap3A_22 = tpu.vector_load %arg6[%swap3A_21] {strides = array<i32>} : memref<1024xf32, #tpu.memory_space<vmem>>, vector<16xf32>,
    %swap3A_23 = vector.shape_cast %swap3A_22 : vector<16xf32> to vector<16xf32>
    %swap3A_24 = vector.shape_cast %broadcast_in_dim3A_20 : vector<16xf32> to vector<16xf32>
    tpu.vector_store %arg6[%swap3A_21], %swap3A_24 {strides = array<i32>} : memref<1024xf32, #tpu.memory_space<vmem>>, vector<16xf32>,
    %broadcast_in_dim3A_25 = arith.constant 1.000000e+00 : f32
    %broadcast_in_dim3A_26 = vector.broadcast %broadcast_in_dim3A_25 : f32 to vector<16xf32>
    %swap3A_27 = arith.constant 64 : index
    %swap3A_28 = tpu.vector_load %arg6[%swap3A_27] {strides = array<i32>} : memref<1024xf32, #tpu.memory_space<vmem>>, vector<16xf32>,
    %swap3A_29 = vector.shape_cast %swap3A_28 : vector<16xf32> to vector<16xf32>
    %swap3A_30 = vector.shape_cast %broadcast_in_dim3A_26 : vector<16xf32> to vector<16xf32>
    tpu.vector_store %arg6[%swap3A_27], %swap3A_30 {strides = array<i32>} : memref<1024xf32, #tpu.memory_space<vmem>>, vector<16xf32>,
    %broadcast_in_dim3A_31 = arith.constant 1.000000e+00 : f32
    %broadcast_in_dim3A_32 = vector.broadcast %broadcast_in_dim3A_31 : f32 to vector<16xf32>
    %swap3A_33 = arith.constant 80 : index
    %swap3A_34 = tpu.vector_load %arg6[%swap3A_33] {strides = array<i32>} : memref<1024xf32, #tpu.memory_space<vmem>>, vector<16xf32>,
    %swap3A_35 = vector.shape_cast %swap3A_34 : vector<16xf32> to vector<16xf32>
    %swap3A_36 = vector.shape_cast %broadcast_in_dim3A_32 : vector<16xf32> to vector<16xf32>
    tpu.vector_store %arg6[%swap3A_33], %swap3A_36 {strides = array<i32>} : memref<1024xf32, #tpu.memory_space<vmem>>, vector<16xf32>,
    %broadcast_in_dim3A_37 = arith.constant 1.000000e+00 : f32
    %broadcast_in_dim3A_38 = vector.broadcast %broadcast_in_dim3A_37 : f32 to vector<16xf32>
    %swap3A_39 = arith.constant 96 : index
    %swap3A_40 = tpu.vector_load %arg6[%swap3A_39] {strides = array<i32>} : memref<1024xf32, #tpu.memory_space<vmem>>, vector<16xf32>,
    %swap3A_41 = vector.shape_cast %swap3A_40 : vector<16xf32> to vector<16xf32>
    %swap3A_42 = vector.shape_cast %broadcast_in_dim3A_38 : vector<16xf32> to vector<16xf32>
    tpu.vector_store %arg6[%swap3A_39], %swap3A_42 {strides = array<i32>} : memref<1024xf32, #tpu.memory_space<vmem>>, vector<16xf32>,
    %broadcast_in_dim3A_43 = arith.constant 1.000000e+00 : f32
    %broadcast_in_dim3A_44 = vector.broadcast %broadcast_in_dim3A_43 : f32 to vector<16xf32>
    %swap3A_45 = arith.constant 112 : index
    %swap3A_46 = tpu.vector_load %arg6[%swap3A_45] {strides = array<i32>} : memref<1024xf32, #tpu.memory_space<vmem>>, vector<16xf32>,
    %swap3A_47 = vector.shape_cast %swap3A_46 : vector<16xf32> to vector<16xf32>
    %swap3A_48 = vector.shape_cast %broadcast_in_dim3A_44 : vector<16xf32> to vector<16xf32>
    tpu.vector_store %arg6[%swap3A_45], %swap3A_48 {strides = array<i32>} : memref<1024xf32, #tpu.memory_space<vmem>>, vector<16xf32>,
    %broadcast_in_dim3A_49 = arith.constant 1.000000e+00 : f32
    %broadcast_in_dim3A_50 = vector.broadcast %broadcast_in_dim3A_49 : f32 to vector<16xf32>
    %swap3A_51 = arith.constant 128 : index
    %swap3A_52 = tpu.vector_load %arg6[%swap3A_51] {strides = array<i32>} : memref<1024xf32, #tpu.memory_space<vmem>>, vector<16xf32>,
    %swap3A_53 = vector.shape_cast %swap3A_52 : vector<16xf32> to vector<16xf32>
    %swap3A_54 = vector.shape_cast %broadcast_in_dim3A_50 : vector<16xf32> to vector<16xf32>
    tpu.vector_store %arg6[%swap3A_51], %swap3A_54 {strides = array<i32>} : memref<1024xf32, #tpu.memory_space<vmem>>, vector<16xf32>,
    %broadcast_in_dim3A_55 = arith.constant 1.000000e+00 : f32
    %broadcast_in_dim3A_56 = vector.broadcast %broadcast_in_dim3A_55 : f32 to vector<16xf32>
    %swap3A_57 = arith.constant 144 : index
    %swap3A_58 = tpu.vector_load %arg6[%swap3A_57] {strides = array<i32>} : memref<1024xf32, #tpu.memory_space<vmem>>, vector<16xf32>,
    %swap3A_59 = vector.shape_cast %swap3A_58 : vector<16xf32> to vector<16xf32>
    %swap3A_60 = vector.shape_cast %broadcast_in_dim3A_56 : vector<16xf32> to vector<16xf32>
    tpu.vector_store %arg6[%swap3A_57], %swap3A_60 {strides = array<i32>} : memref<1024xf32, #tpu.memory_space<vmem>>, vector<16xf32>,
    %broadcast_in_dim3A_61 = arith.constant 1.000000e+00 : f32
    %broadcast_in_dim3A_62 = vector.broadcast %broadcast_in_dim3A_61 : f32 to vector<16xf32>
    %swap3A_63 = arith.constant 160 : index
    %swap3A_64 = tpu.vector_load %arg6[%swap3A_63] {strides = array<i32>} : memref<1024xf32, #tpu.memory_space<vmem>>, vector<16xf32>,
    %swap3A_65 = vector.shape_cast %swap3A_64 : vector<16xf32> to vector<16xf32>
    %swap3A_66 = vector.shape_cast %broadcast_in_dim3A_62 : vector<16xf32> to vector<16xf32>
    tpu.vector_store %arg6[%swap3A_63], %swap3A_66 {strides = array<i32>} : memref<1024xf32, #tpu.memory_space<vmem>>, vector<16xf32>,
    %broadcast_in_dim3A_67 = arith.constant 1.000000e+00 : f32
    %broadcast_in_dim3A_68 = vector.broadcast %broadcast_in_dim3A_67 : f32 to vector<16xf32>
    %swap3A_69 = arith.constant 176 : index
    %swap3A_70 = tpu.vector_load %arg6[%swap3A_69] {strides = array<i32>} : memref<1024xf32, #tpu.memory_space<vmem>>, vector<16xf32>,
    %swap3A_71 = vector.shape_cast %swap3A_70 : vector<16xf32> to vector<16xf32>
    %swap3A_72 = vector.shape_cast %broadcast_in_dim3A_68 : vector<16xf32> to vector<16xf32>
    tpu.vector_store %arg6[%swap3A_69], %swap3A_72 {strides = array<i32>} : memref<1024xf32, #tpu.memory_space<vmem>>, vector<16xf32>,
    %broadcast_in_dim3A_73 = arith.constant 1.000000e+00 : f32
    %broadcast_in_dim3A_74 = vector.broadcast %broadcast_in_dim3A_73 : f32 to vector<16xf32>
    %swap3A_75 = arith.constant 192 : index
    %swap3A_76 = tpu.vector_load %arg6[%swap3A_75] {strides = array<i32>} : memref<1024xf32, #tpu.memory_space<vmem>>, vector<16xf32>,
    %swap3A_77 = vector.shape_cast %swap3A_76 : vector<16xf32> to vector<16xf32>
    %swap3A_78 = vector.shape_cast %broadcast_in_dim3A_74 : vector<16xf32> to vector<16xf32>
    tpu.vector_store %arg6[%swap3A_75], %swap3A_78 {strides = array<i32>} : memref<1024xf32, #tpu.memory_space<vmem>>, vector<16xf32>,
    %broadcast_in_dim3A_79 = arith.constant 1.000000e+00 : f32
    %broadcast_in_dim3A_80 = vector.broadcast %broadcast_in_dim3A_79 : f32 to vector<16xf32>
    %swap3A_81 = arith.constant 208 : index
    %swap3A_82 = tpu.vector_load %arg6[%swap3A_81] {strides = array<i32>} : memref<1024xf32, #tpu.memory_space<vmem>>, vector<16xf32>,
    %swap3A_83 = vector.shape_cast %swap3A_82 : vector<16xf32> to vector<16xf32>
    %swap3A_84 = vector.shape_cast %broadcast_in_dim3A_80 : vector<16xf32> to vector<16xf32>
    tpu.vector_store %arg6[%swap3A_81], %swap3A_84 {strides = array<i32>} : memref<1024xf32, #tpu.memory_space<vmem>>, vector<16xf32>,
    %broadcast_in_dim3A_85 = arith.constant 1.000000e+00 : f32
    %broadcast_in_dim3A_86 = vector.broadcast %broadcast_in_dim3A_85 : f32 to vector<16xf32>
    %swap3A_87 = arith.constant 224 : index
    %swap3A_88 = tpu.vector_load %arg6[%swap3A_87] {strides = array<i32>} : memref<1024xf32, #tpu.memory_space<vmem>>, vector<16xf32>,
    %swap3A_89 = vector.shape_cast %swap3A_88 : vector<16xf32> to vector<16xf32>
    %swap3A_90 = vector.shape_cast %broadcast_in_dim3A_86 : vector<16xf32> to vector<16xf32>
    tpu.vector_store %arg6[%swap3A_87], %swap3A_90 {strides = array<i32>} : memref<1024xf32, #tpu.memory_space<vmem>>, vector<16xf32>,
    %broadcast_in_dim3A_91 = arith.constant 1.000000e+00 : f32
    %broadcast_in_dim3A_92 = vector.broadcast %broadcast_in_dim3A_91 : f32 to vector<16xf32>
    %swap3A_93 = arith.constant 240 : index
    %swap3A_94 = tpu.vector_load %arg6[%swap3A_93] {strides = array<i32>} : memref<1024xf32, #tpu.memory_space<vmem>>, vector<16xf32>,
    %swap3A_95 = vector.shape_cast %swap3A_94 : vector<16xf32> to vector<16xf32>
    %swap3A_96 = vector.shape_cast %broadcast_in_dim3A_92 : vector<16xf32> to vector<16xf32>
    tpu.vector_store %arg6[%swap3A_93], %swap3A_96 {strides = array<i32>} : memref<1024xf32, #tpu.memory_space<vmem>>, vector<16xf32>,
    %broadcast_in_dim3A_97 = arith.constant 1.000000e+00 : f32
    %broadcast_in_dim3A_98 = vector.broadcast %broadcast_in_dim3A_97 : f32 to vector<16xf32>
    %swap3A_99 = arith.constant 256 : index
    %swap3A_100 = tpu.vector_load %arg6[%swap3A_99] {strides = array<i32>} : memref<1024xf32, #tpu.memory_space<vmem>>, vector<16xf32>,
    %swap3A_101 = vector.shape_cast %swap3A_100 : vector<16xf32> to vector<16xf32>
    %swap3A_102 = vector.shape_cast %broadcast_in_dim3A_98 : vector<16xf32> to vector<16xf32>
    tpu.vector_store %arg6[%swap3A_99], %swap3A_102 {strides = array<i32>} : memref<1024xf32, #tpu.memory_space<vmem>>, vector<16xf32>,
    %broadcast_in_dim3A_103 = arith.constant 1.000000e+00 : f32
    %broadcast_in_dim3A_104 = vector.broadcast %broadcast_in_dim3A_103 : f32 to vector<16xf32>
    %swap3A_105 = arith.constant 272 : index
    %swap3A_106 = tpu.vector_load %arg6[%swap3A_105] {strides = array<i32>} : memref<1024xf32, #tpu.memory_space<vmem>>, vector<16xf32>,
    %swap3A_107 = vector.shape_cast %swap3A_106 : vector<16xf32> to vector<16xf32>
    %swap3A_108 = vector.shape_cast %broadcast_in_dim3A_104 : vector<16xf32> to vector<16xf32>
    tpu.vector_store %arg6[%swap3A_105], %swap3A_108 {strides = array<i32>} : memref<1024xf32, #tpu.memory_space<vmem>>, vector<16xf32>,
    %broadcast_in_dim3A_109 = arith.constant 1.000000e+00 : f32
    %broadcast_in_dim3A_110 = vector.broadcast %broadcast_in_dim3A_109 : f32 to vector<16xf32>
    %swap3A_111 = arith.constant 288 : index
    %swap3A_112 = tpu.vector_load %arg6[%swap3A_111] {strides = array<i32>} : memref<1024xf32, #tpu.memory_space<vmem>>, vector<16xf32>,
    %swap3A_113 = vector.shape_cast %swap3A_112 : vector<16xf32> to vector<16xf32>
    %swap3A_114 = vector.shape_cast %broadcast_in_dim3A_110 : vector<16xf32> to vector<16xf32>
    tpu.vector_store %arg6[%swap3A_111], %swap3A_114 {strides = array<i32>} : memref<1024xf32, #tpu.memory_space<vmem>>, vector<16xf32>,
    %broadcast_in_dim3A_115 = arith.constant 1.000000e+00 : f32
    %broadcast_in_dim3A_116 = vector.broadcast %broadcast_in_dim3A_115 : f32 to vector<16xf32>
    %swap3A_117 = arith.constant 304 : index
    %swap3A_118 = tpu.vector_load %arg6[%swap3A_117] {strides = array<i32>} : memref<1024xf32, #tpu.memory_space<vmem>>, vector<16xf32>,
    %swap3A_119 = vector.shape_cast %swap3A_118 : vector<16xf32> to vector<16xf32>
    %swap3A_120 = vector.shape_cast %broadcast_in_dim3A_116 : vector<16xf32> to vector<16xf32>
    tpu.vector_store %arg6[%swap3A_117], %swap3A_120 {strides = array<i32>} : memref<1024xf32, #tpu.memory_space<vmem>>, vector<16xf32>,
    %broadcast_in_dim3A_121 = arith.constant 1.000000e+00 : f32
    %broadcast_in_dim3A_122 = vector.broadcast %broadcast_in_dim3A_121 : f32 to vector<16xf32>
    %swap3A_123 = arith.constant 320 : index
    %swap3A_124 = tpu.vector_load %arg6[%swap3A_123] {strides = array<i32>} : memref<1024xf32, #tpu.memory_space<vmem>>, vector<16xf32>,
    %swap3A_125 = vector.shape_cast %swap3A_124 : vector<16xf32> to vector<16xf32>
    %swap3A_126 = vector.shape_cast %broadcast_in_dim3A_122 : vector<16xf32> to vector<16xf32>
    tpu.vector_store %arg6[%swap3A_123], %swap3A_126 {strides = array<i32>} : memref<1024xf32, #tpu.memory_space<vmem>>, vector<16xf32>,
    %broadcast_in_dim3A_127 = arith.constant 1.000000e+00 : f32
    %broadcast_in_dim3A_128 = vector.broadcast %broadcast_in_dim3A_127 : f32 to vector<16xf32>
    %swap3A_129 = arith.constant 336 : index
    %swap3A_130 = tpu.vector_load %arg6[%swap3A_129] {strides = array<i32>} : memref<1024xf32, #tpu.memory_space<vmem>>, vector<16xf32>,
    %swap3A_131 = vector.shape_cast %swap3A_130 : vector<16xf32> to vector<16xf32>
    %swap3A_132 = vector.shape_cast %broadcast_in_dim3A_128 : vector<16xf32> to vector<16xf32>
    tpu.vector_store %arg6[%swap3A_129], %swap3A_132 {strides = array<i32>} : memref<1024xf32, #tpu.memory_space<vmem>>, vector<16xf32>,
    %broadcast_in_dim3A_133 = arith.constant 1.000000e+00 : f32
    %broadcast_in_dim3A_134 = vector.broadcast %broadcast_in_dim3A_133 : f32 to vector<16xf32>
    %swap3A_135 = arith.constant 352 : index
    %swap3A_136 = tpu.vector_load %arg6[%swap3A_135] {strides = array<i32>} : memref<1024xf32, #tpu.memory_space<vmem>>, vector<16xf32>,
    %swap3A_137 = vector.shape_cast %swap3A_136 : vector<16xf32> to vector<16xf32>
    %swap3A_138 = vector.shape_cast %broadcast_in_dim3A_134 : vector<16xf32> to vector<16xf32>
    tpu.vector_store %arg6[%swap3A_135], %swap3A_138 {strides = array<i32>} : memref<1024xf32, #tpu.memory_space<vmem>>, vector<16xf32>,
    %broadcast_in_dim3A_139 = arith.constant 1.000000e+00 : f32
    %broadcast_in_dim3A_140 = vector.broadcast %broadcast_in_dim3A_139 : f32 to vector<16xf32>
    %swap3A_141 = arith.constant 368 : index
    %swap3A_142 = tpu.vector_load %arg6[%swap3A_141] {strides = array<i32>} : memref<1024xf32, #tpu.memory_space<vmem>>, vector<16xf32>,
    %swap3A_143 = vector.shape_cast %swap3A_142 : vector<16xf32> to vector<16xf32>
    %swap3A_144 = vector.shape_cast %broadcast_in_dim3A_140 : vector<16xf32> to vector<16xf32>
    tpu.vector_store %arg6[%swap3A_141], %swap3A_144 {strides = array<i32>} : memref<1024xf32, #tpu.memory_space<vmem>>, vector<16xf32>,
    %broadcast_in_dim3A_145 = arith.constant 1.000000e+00 : f32
    %broadcast_in_dim3A_146 = vector.broadcast %broadcast_in_dim3A_145 : f32 to vector<16xf32>
    %swap3A_147 = arith.constant 384 : index
    %swap3A_148 = tpu.vector_load %arg6[%swap3A_147] {strides = array<i32>} : memref<1024xf32, #tpu.memory_space<vmem>>, vector<16xf32>,
    %swap3A_149 = vector.shape_cast %swap3A_148 : vector<16xf32> to vector<16xf32>
    %swap3A_150 = vector.shape_cast %broadcast_in_dim3A_146 : vector<16xf32> to vector<16xf32>
    tpu.vector_store %arg6[%swap3A_147], %swap3A_150 {strides = array<i32>} : memref<1024xf32, #tpu.memory_space<vmem>>, vector<16xf32>,
    %broadcast_in_dim3A_151 = arith.constant 1.000000e+00 : f32
    %broadcast_in_dim3A_152 = vector.broadcast %broadcast_in_dim3A_151 : f32 to vector<16xf32>
    %swap3A_153 = arith.constant 400 : index
    %swap3A_154 = tpu.vector_load %arg6[%swap3A_153] {strides = array<i32>} : memref<1024xf32, #tpu.memory_space<vmem>>, vector<16xf32>,
    %swap3A_155 = vector.shape_cast %swap3A_154 : vector<16xf32> to vector<16xf32>
    %swap3A_156 = vector.shape_cast %broadcast_in_dim3A_152 : vector<16xf32> to vector<16xf32>
    tpu.vector_store %arg6[%swap3A_153], %swap3A_156 {strides = array<i32>} : memref<1024xf32, #tpu.memory_space<vmem>>, vector<16xf32>,
    %broadcast_in_dim3A_157 = arith.constant 1.000000e+00 : f32
    %broadcast_in_dim3A_158 = vector.broadcast %broadcast_in_dim3A_157 : f32 to vector<16xf32>
    %swap3A_159 = arith.constant 416 : index
    %swap3A_160 = tpu.vector_load %arg6[%swap3A_159] {strides = array<i32>} : memref<1024xf32, #tpu.memory_space<vmem>>, vector<16xf32>,
    %swap3A_161 = vector.shape_cast %swap3A_160 : vector<16xf32> to vector<16xf32>
    %swap3A_162 = vector.shape_cast %broadcast_in_dim3A_158 : vector<16xf32> to vector<16xf32>
    tpu.vector_store %arg6[%swap3A_159], %swap3A_162 {strides = array<i32>} : memref<1024xf32, #tpu.memory_space<vmem>>, vector<16xf32>,
    %broadcast_in_dim3A_163 = arith.constant 1.000000e+00 : f32
    %broadcast_in_dim3A_164 = vector.broadcast %broadcast_in_dim3A_163 : f32 to vector<16xf32>
    %swap3A_165 = arith.constant 432 : index
    %swap3A_166 = tpu.vector_load %arg6[%swap3A_165] {strides = array<i32>} : memref<1024xf32, #tpu.memory_space<vmem>>, vector<16xf32>,
    %swap3A_167 = vector.shape_cast %swap3A_166 : vector<16xf32> to vector<16xf32>
    %swap3A_168 = vector.shape_cast %broadcast_in_dim3A_164 : vector<16xf32> to vector<16xf32>
    tpu.vector_store %arg6[%swap3A_165], %swap3A_168 {strides = array<i32>} : memref<1024xf32, #tpu.memory_space<vmem>>, vector<16xf32>,
    %broadcast_in_dim3A_169 = arith.constant 1.000000e+00 : f32
    %broadcast_in_dim3A_170 = vector.broadcast %broadcast_in_dim3A_169 : f32 to vector<16xf32>
    %swap3A_171 = arith.constant 448 : index
    %swap3A_172 = tpu.vector_load %arg6[%swap3A_171] {strides = array<i32>} : memref<1024xf32, #tpu.memory_space<vmem>>, vector<16xf32>,
    %swap3A_173 = vector.shape_cast %swap3A_172 : vector<16xf32> to vector<16xf32>
    %swap3A_174 = vector.shape_cast %broadcast_in_dim3A_170 : vector<16xf32> to vector<16xf32>
    tpu.vector_store %arg6[%swap3A_171], %swap3A_174 {strides = array<i32>} : memref<1024xf32, #tpu.memory_space<vmem>>, vector<16xf32>,
    %broadcast_in_dim3A_175 = arith.constant 1.000000e+00 : f32
    %broadcast_in_dim3A_176 = vector.broadcast %broadcast_in_dim3A_175 : f32 to vector<16xf32>
    %swap3A_177 = arith.constant 464 : index
    %swap3A_178 = tpu.vector_load %arg6[%swap3A_177] {strides = array<i32>} : memref<1024xf32, #tpu.memory_space<vmem>>, vector<16xf32>,
    %swap3A_179 = vector.shape_cast %swap3A_178 : vector<16xf32> to vector<16xf32>
    %swap3A_180 = vector.shape_cast %broadcast_in_dim3A_176 : vector<16xf32> to vector<16xf32>
    tpu.vector_store %arg6[%swap3A_177], %swap3A_180 {strides = array<i32>} : memref<1024xf32, #tpu.memory_space<vmem>>, vector<16xf32>,
    %broadcast_in_dim3A_181 = arith.constant 1.000000e+00 : f32
    %broadcast_in_dim3A_182 = vector.broadcast %broadcast_in_dim3A_181 : f32 to vector<16xf32>
    %swap3A_183 = arith.constant 480 : index
    %swap3A_184 = tpu.vector_load %arg6[%swap3A_183] {strides = array<i32>} : memref<1024xf32, #tpu.memory_space<vmem>>, vector<16xf32>,
    %swap3A_185 = vector.shape_cast %swap3A_184 : vector<16xf32> to vector<16xf32>
    %swap3A_186 = vector.shape_cast %broadcast_in_dim3A_182 : vector<16xf32> to vector<16xf32>
    tpu.vector_store %arg6[%swap3A_183], %swap3A_186 {strides = array<i32>} : memref<1024xf32, #tpu.memory_space<vmem>>, vector<16xf32>,
    %broadcast_in_dim3A_187 = arith.constant 1.000000e+00 : f32
    %broadcast_in_dim3A_188 = vector.broadcast %broadcast_in_dim3A_187 : f32 to vector<16xf32>
    %swap3A_189 = arith.constant 496 : index
    %swap3A_190 = tpu.vector_load %arg6[%swap3A_189] {strides = array<i32>} : memref<1024xf32, #tpu.memory_space<vmem>>, vector<16xf32>,
    %swap3A_191 = vector.shape_cast %swap3A_190 : vector<16xf32> to vector<16xf32>
    %swap3A_192 = vector.shape_cast %broadcast_in_dim3A_188 : vector<16xf32> to vector<16xf32>
    tpu.vector_store %arg6[%swap3A_189], %swap3A_192 {strides = array<i32>} : memref<1024xf32, #tpu.memory_space<vmem>>, vector<16xf32>,
    %broadcast_in_dim3A_193 = arith.constant 1.000000e+00 : f32
    %broadcast_in_dim3A_194 = vector.broadcast %broadcast_in_dim3A_193 : f32 to vector<16xf32>
    %swap3A_195 = arith.constant 512 : index
    %swap3A_196 = tpu.vector_load %arg6[%swap3A_195] {strides = array<i32>} : memref<1024xf32, #tpu.memory_space<vmem>>, vector<16xf32>,
    %swap3A_197 = vector.shape_cast %swap3A_196 : vector<16xf32> to vector<16xf32>
    %swap3A_198 = vector.shape_cast %broadcast_in_dim3A_194 : vector<16xf32> to vector<16xf32>
    tpu.vector_store %arg6[%swap3A_195], %swap3A_198 {strides = array<i32>} : memref<1024xf32, #tpu.memory_space<vmem>>, vector<16xf32>,
    %broadcast_in_dim3A_199 = arith.constant 1.000000e+00 : f32
    %broadcast_in_dim3A_200 = vector.broadcast %broadcast_in_dim3A_199 : f32 to vector<16xf32>
    %swap3A_201 = arith.constant 528 : index
    %swap3A_202 = tpu.vector_load %arg6[%swap3A_201] {strides = array<i32>} : memref<1024xf32, #tpu.memory_space<vmem>>, vector<16xf32>,
    %swap3A_203 = vector.shape_cast %swap3A_202 : vector<16xf32> to vector<16xf32>
    %swap3A_204 = vector.shape_cast %broadcast_in_dim3A_200 : vector<16xf32> to vector<16xf32>
    tpu.vector_store %arg6[%swap3A_201], %swap3A_204 {strides = array<i32>} : memref<1024xf32, #tpu.memory_space<vmem>>, vector<16xf32>,
    %broadcast_in_dim3A_205 = arith.constant 1.000000e+00 : f32
    %broadcast_in_dim3A_206 = vector.broadcast %broadcast_in_dim3A_205 : f32 to vector<16xf32>
    %swap3A_207 = arith.constant 544 : index
    %swap3A_208 = tpu.vector_load %arg6[%swap3A_207] {strides = array<i32>} : memref<1024xf32, #tpu.memory_space<vmem>>, vector<16xf32>,
    %swap3A_209 = vector.shape_cast %swap3A_208 : vector<16xf32> to vector<16xf32>
    %swap3A_210 = vector.shape_cast %broadcast_in_dim3A_206 : vector<16xf32> to vector<16xf32>
    tpu.vector_store %arg6[%swap3A_207], %swap3A_210 {strides = array<i32>} : memref<1024xf32, #tpu.memory_space<vmem>>, vector<16xf32>,
    %broadcast_in_dim3A_211 = arith.constant 1.000000e+00 : f32
    %broadcast_in_dim3A_212 = vector.broadcast %broadcast_in_dim3A_211 : f32 to vector<16xf32>
    %swap3A_213 = arith.constant 560 : index
    %swap3A_214 = tpu.vector_load %arg6[%swap3A_213] {strides = array<i32>} : memref<1024xf32, #tpu.memory_space<vmem>>, vector<16xf32>,
    %swap3A_215 = vector.shape_cast %swap3A_214 : vector<16xf32> to vector<16xf32>
    %swap3A_216 = vector.shape_cast %broadcast_in_dim3A_212 : vector<16xf32> to vector<16xf32>
    tpu.vector_store %arg6[%swap3A_213], %swap3A_216 {strides = array<i32>} : memref<1024xf32, #tpu.memory_space<vmem>>, vector<16xf32>,
    %broadcast_in_dim3A_217 = arith.constant 1.000000e+00 : f32
    %broadcast_in_dim3A_218 = vector.broadcast %broadcast_in_dim3A_217 : f32 to vector<16xf32>
    %swap3A_219 = arith.constant 576 : index
    %swap3A_220 = tpu.vector_load %arg6[%swap3A_219] {strides = array<i32>} : memref<1024xf32, #tpu.memory_space<vmem>>, vector<16xf32>,
    %swap3A_221 = vector.shape_cast %swap3A_220 : vector<16xf32> to vector<16xf32>
    %swap3A_222 = vector.shape_cast %broadcast_in_dim3A_218 : vector<16xf32> to vector<16xf32>
    tpu.vector_store %arg6[%swap3A_219], %swap3A_222 {strides = array<i32>} : memref<1024xf32, #tpu.memory_space<vmem>>, vector<16xf32>,
    %broadcast_in_dim3A_223 = arith.constant 1.000000e+00 : f32
    %broadcast_in_dim3A_224 = vector.broadcast %broadcast_in_dim3A_223 : f32 to vector<16xf32>
    %swap3A_225 = arith.constant 592 : index
    %swap3A_226 = tpu.vector_load %arg6[%swap3A_225] {strides = array<i32>} : memref<1024xf32, #tpu.memory_space<vmem>>, vector<16xf32>,
    %swap3A_227 = vector.shape_cast %swap3A_226 : vector<16xf32> to vector<16xf32>
    %swap3A_228 = vector.shape_cast %broadcast_in_dim3A_224 : vector<16xf32> to vector<16xf32>
    tpu.vector_store %arg6[%swap3A_225], %swap3A_228 {strides = array<i32>} : memref<1024xf32, #tpu.memory_space<vmem>>, vector<16xf32>,
    %broadcast_in_dim3A_229 = arith.constant 1.000000e+00 : f32
    %broadcast_in_dim3A_230 = vector.broadcast %broadcast_in_dim3A_229 : f32 to vector<16xf32>
    %swap3A_231 = arith.constant 608 : index
    %swap3A_232 = tpu.vector_load %arg6[%swap3A_231] {strides = array<i32>} : memref<1024xf32, #tpu.memory_space<vmem>>, vector<16xf32>,
    %swap3A_233 = vector.shape_cast %swap3A_232 : vector<16xf32> to vector<16xf32>
    %swap3A_234 = vector.shape_cast %broadcast_in_dim3A_230 : vector<16xf32> to vector<16xf32>
    tpu.vector_store %arg6[%swap3A_231], %swap3A_234 {strides = array<i32>} : memref<1024xf32, #tpu.memory_space<vmem>>, vector<16xf32>,
    %broadcast_in_dim3A_235 = arith.constant 1.000000e+00 : f32
    %broadcast_in_dim3A_236 = vector.broadcast %broadcast_in_dim3A_235 : f32 to vector<16xf32>
    %swap3A_237 = arith.constant 624 : index
    %swap3A_238 = tpu.vector_load %arg6[%swap3A_237] {strides = array<i32>} : memref<1024xf32, #tpu.memory_space<vmem>>, vector<16xf32>,
    %swap3A_239 = vector.shape_cast %swap3A_238 : vector<16xf32> to vector<16xf32>
    %swap3A_240 = vector.shape_cast %broadcast_in_dim3A_236 : vector<16xf32> to vector<16xf32>
    tpu.vector_store %arg6[%swap3A_237], %swap3A_240 {strides = array<i32>} : memref<1024xf32, #tpu.memory_space<vmem>>, vector<16xf32>,
    %broadcast_in_dim3A_241 = arith.constant 1.000000e+00 : f32
    %broadcast_in_dim3A_242 = vector.broadcast %broadcast_in_dim3A_241 : f32 to vector<16xf32>
    %swap3A_243 = arith.constant 640 : index
    %swap3A_244 = tpu.vector_load %arg6[%swap3A_243] {strides = array<i32>} : memref<1024xf32, #tpu.memory_space<vmem>>, vector<16xf32>,
    %swap3A_245 = vector.shape_cast %swap3A_244 : vector<16xf32> to vector<16xf32>
    %swap3A_246 = vector.shape_cast %broadcast_in_dim3A_242 : vector<16xf32> to vector<16xf32>
    tpu.vector_store %arg6[%swap3A_243], %swap3A_246 {strides = array<i32>} : memref<1024xf32, #tpu.memory_space<vmem>>, vector<16xf32>,
    %broadcast_in_dim3A_247 = arith.constant 1.000000e+00 : f32
    %broadcast_in_dim3A_248 = vector.broadcast %broadcast_in_dim3A_247 : f32 to vector<16xf32>
    %swap3A_249 = arith.constant 656 : index
    %swap3A_250 = tpu.vector_load %arg6[%swap3A_249] {strides = array<i32>} : memref<1024xf32, #tpu.memory_space<vmem>>, vector<16xf32>,
    %swap3A_251 = vector.shape_cast %swap3A_250 : vector<16xf32> to vector<16xf32>
    %swap3A_252 = vector.shape_cast %broadcast_in_dim3A_248 : vector<16xf32> to vector<16xf32>
    tpu.vector_store %arg6[%swap3A_249], %swap3A_252 {strides = array<i32>} : memref<1024xf32, #tpu.memory_space<vmem>>, vector<16xf32>,
    %broadcast_in_dim3A_253 = arith.constant 1.000000e+00 : f32
    %broadcast_in_dim3A_254 = vector.broadcast %broadcast_in_dim3A_253 : f32 to vector<16xf32>
    %swap3A_255 = arith.constant 672 : index
    %swap3A_256 = tpu.vector_load %arg6[%swap3A_255] {strides = array<i32>} : memref<1024xf32, #tpu.memory_space<vmem>>, vector<16xf32>,
    %swap3A_257 = vector.shape_cast %swap3A_256 : vector<16xf32> to vector<16xf32>
    %swap3A_258 = vector.shape_cast %broadcast_in_dim3A_254 : vector<16xf32> to vector<16xf32>
    tpu.vector_store %arg6[%swap3A_255], %swap3A_258 {strides = array<i32>} : memref<1024xf32, #tpu.memory_space<vmem>>, vector<16xf32>,
    %broadcast_in_dim3A_259 = arith.constant 1.000000e+00 : f32
    %broadcast_in_dim3A_260 = vector.broadcast %broadcast_in_dim3A_259 : f32 to vector<16xf32>
    %swap3A_261 = arith.constant 688 : index
    %swap3A_262 = tpu.vector_load %arg6[%swap3A_261] {strides = array<i32>} : memref<1024xf32, #tpu.memory_space<vmem>>, vector<16xf32>,
    %swap3A_263 = vector.shape_cast %swap3A_262 : vector<16xf32> to vector<16xf32>
    %swap3A_264 = vector.shape_cast %broadcast_in_dim3A_260 : vector<16xf32> to vector<16xf32>
    tpu.vector_store %arg6[%swap3A_261], %swap3A_264 {strides = array<i32>} : memref<1024xf32, #tpu.memory_space<vmem>>, vector<16xf32>,
    %broadcast_in_dim3A_265 = arith.constant 1.000000e+00 : f32
    %broadcast_in_dim3A_266 = vector.broadcast %broadcast_in_dim3A_265 : f32 to vector<16xf32>
    %swap3A_267 = arith.constant 704 : index
    %swap3A_268 = tpu.vector_load %arg6[%swap3A_267] {strides = array<i32>} : memref<1024xf32, #tpu.memory_space<vmem>>, vector<16xf32>,
    %swap3A_269 = vector.shape_cast %swap3A_268 : vector<16xf32> to vector<16xf32>
    %swap3A_270 = vector.shape_cast %broadcast_in_dim3A_266 : vector<16xf32> to vector<16xf32>
    tpu.vector_store %arg6[%swap3A_267], %swap3A_270 {strides = array<i32>} : memref<1024xf32, #tpu.memory_space<vmem>>, vector<16xf32>,
    %broadcast_in_dim3A_271 = arith.constant 1.000000e+00 : f32
    %broadcast_in_dim3A_272 = vector.broadcast %broadcast_in_dim3A_271 : f32 to vector<16xf32>
    %swap3A_273 = arith.constant 720 : index
    %swap3A_274 = tpu.vector_load %arg6[%swap3A_273] {strides = array<i32>} : memref<1024xf32, #tpu.memory_space<vmem>>, vector<16xf32>,
    %swap3A_275 = vector.shape_cast %swap3A_274 : vector<16xf32> to vector<16xf32>
    %swap3A_276 = vector.shape_cast %broadcast_in_dim3A_272 : vector<16xf32> to vector<16xf32>
    tpu.vector_store %arg6[%swap3A_273], %swap3A_276 {strides = array<i32>} : memref<1024xf32, #tpu.memory_space<vmem>>, vector<16xf32>,
    %broadcast_in_dim3A_277 = arith.constant 1.000000e+00 : f32
    %broadcast_in_dim3A_278 = vector.broadcast %broadcast_in_dim3A_277 : f32 to vector<16xf32>
    %swap3A_279 = arith.constant 736 : index
    %swap3A_280 = tpu.vector_load %arg6[%swap3A_279] {strides = array<i32>} : memref<1024xf32, #tpu.memory_space<vmem>>, vector<16xf32>,
    %swap3A_281 = vector.shape_cast %swap3A_280 : vector<16xf32> to vector<16xf32>
    %swap3A_282 = vector.shape_cast %broadcast_in_dim3A_278 : vector<16xf32> to vector<16xf32>
    tpu.vector_store %arg6[%swap3A_279], %swap3A_282 {strides = array<i32>} : memref<1024xf32, #tpu.memory_space<vmem>>, vector<16xf32>,
    %broadcast_in_dim3A_283 = arith.constant 1.000000e+00 : f32
    %broadcast_in_dim3A_284 = vector.broadcast %broadcast_in_dim3A_283 : f32 to vector<16xf32>
    %swap3A_285 = arith.constant 752 : index
    %swap3A_286 = tpu.vector_load %arg6[%swap3A_285] {strides = array<i32>} : memref<1024xf32, #tpu.memory_space<vmem>>, vector<16xf32>,
    %swap3A_287 = vector.shape_cast %swap3A_286 : vector<16xf32> to vector<16xf32>
    %swap3A_288 = vector.shape_cast %broadcast_in_dim3A_284 : vector<16xf32> to vector<16xf32>
    tpu.vector_store %arg6[%swap3A_285], %swap3A_288 {strides = array<i32>} : memref<1024xf32, #tpu.memory_space<vmem>>, vector<16xf32>,
    %broadcast_in_dim3A_289 = arith.constant 1.000000e+00 : f32
    %broadcast_in_dim3A_290 = vector.broadcast %broadcast_in_dim3A_289 : f32 to vector<16xf32>
    %swap3A_291 = arith.constant 768 : index
    %swap3A_292 = tpu.vector_load %arg6[%swap3A_291] {strides = array<i32>} : memref<1024xf32, #tpu.memory_space<vmem>>, vector<16xf32>,
    %swap3A_293 = vector.shape_cast %swap3A_292 : vector<16xf32> to vector<16xf32>
    %swap3A_294 = vector.shape_cast %broadcast_in_dim3A_290 : vector<16xf32> to vector<16xf32>
    tpu.vector_store %arg6[%swap3A_291], %swap3A_294 {strides = array<i32>} : memref<1024xf32, #tpu.memory_space<vmem>>, vector<16xf32>,
    %broadcast_in_dim3A_295 = arith.constant 1.000000e+00 : f32
    %broadcast_in_dim3A_296 = vector.broadcast %broadcast_in_dim3A_295 : f32 to vector<16xf32>
    %swap3A_297 = arith.constant 784 : index
    %swap3A_298 = tpu.vector_load %arg6[%swap3A_297] {strides = array<i32>} : memref<1024xf32, #tpu.memory_space<vmem>>, vector<16xf32>,
    %swap3A_299 = vector.shape_cast %swap3A_298 : vector<16xf32> to vector<16xf32>
    %swap3A_300 = vector.shape_cast %broadcast_in_dim3A_296 : vector<16xf32> to vector<16xf32>
    tpu.vector_store %arg6[%swap3A_297], %swap3A_300 {strides = array<i32>} : memref<1024xf32, #tpu.memory_space<vmem>>, vector<16xf32>,
    %broadcast_in_dim3A_301 = arith.constant 1.000000e+00 : f32
    %broadcast_in_dim3A_302 = vector.broadcast %broadcast_in_dim3A_301 : f32 to vector<16xf32>
    %swap3A_303 = arith.constant 800 : index
    %swap3A_304 = tpu.vector_load %arg6[%swap3A_303] {strides = array<i32>} : memref<1024xf32, #tpu.memory_space<vmem>>, vector<16xf32>,
    %swap3A_305 = vector.shape_cast %swap3A_304 : vector<16xf32> to vector<16xf32>
    %swap3A_306 = vector.shape_cast %broadcast_in_dim3A_302 : vector<16xf32> to vector<16xf32>
    tpu.vector_store %arg6[%swap3A_303], %swap3A_306 {strides = array<i32>} : memref<1024xf32, #tpu.memory_space<vmem>>, vector<16xf32>,
    %broadcast_in_dim3A_307 = arith.constant 1.000000e+00 : f32
    %broadcast_in_dim3A_308 = vector.broadcast %broadcast_in_dim3A_307 : f32 to vector<16xf32>
    %swap3A_309 = arith.constant 816 : index
    %swap3A_310 = tpu.vector_load %arg6[%swap3A_309] {strides = array<i32>} : memref<1024xf32, #tpu.memory_space<vmem>>, vector<16xf32>,
    %swap3A_311 = vector.shape_cast %swap3A_310 : vector<16xf32> to vector<16xf32>
    %swap3A_312 = vector.shape_cast %broadcast_in_dim3A_308 : vector<16xf32> to vector<16xf32>
    tpu.vector_store %arg6[%swap3A_309], %swap3A_312 {strides = array<i32>} : memref<1024xf32, #tpu.memory_space<vmem>>, vector<16xf32>,
    %broadcast_in_dim3A_313 = arith.constant 1.000000e+00 : f32
    %broadcast_in_dim3A_314 = vector.broadcast %broadcast_in_dim3A_313 : f32 to vector<16xf32>
    %swap3A_315 = arith.constant 832 : index
    %swap3A_316 = tpu.vector_load %arg6[%swap3A_315] {strides = array<i32>} : memref<1024xf32, #tpu.memory_space<vmem>>, vector<16xf32>,
    %swap3A_317 = vector.shape_cast %swap3A_316 : vector<16xf32> to vector<16xf32>
    %swap3A_318 = vector.shape_cast %broadcast_in_dim3A_314 : vector<16xf32> to vector<16xf32>
    tpu.vector_store %arg6[%swap3A_315], %swap3A_318 {strides = array<i32>} : memref<1024xf32, #tpu.memory_space<vmem>>, vector<16xf32>,
    %broadcast_in_dim3A_319 = arith.constant 1.000000e+00 : f32
    %broadcast_in_dim3A_320 = vector.broadcast %broadcast_in_dim3A_319 : f32 to vector<16xf32>
    %swap3A_321 = arith.constant 848 : index
    %swap3A_322 = tpu.vector_load %arg6[%swap3A_321] {strides = array<i32>} : memref<1024xf32, #tpu.memory_space<vmem>>, vector<16xf32>,
    %swap3A_323 = vector.shape_cast %swap3A_322 : vector<16xf32> to vector<16xf32>
    %swap3A_324 = vector.shape_cast %broadcast_in_dim3A_320 : vector<16xf32> to vector<16xf32>
    tpu.vector_store %arg6[%swap3A_321], %swap3A_324 {strides = array<i32>} : memref<1024xf32, #tpu.memory_space<vmem>>, vector<16xf32>,
    %broadcast_in_dim3A_325 = arith.constant 1.000000e+00 : f32
    %broadcast_in_dim3A_326 = vector.broadcast %broadcast_in_dim3A_325 : f32 to vector<16xf32>
    %swap3A_327 = arith.constant 864 : index
    %swap3A_328 = tpu.vector_load %arg6[%swap3A_327] {strides = array<i32>} : memref<1024xf32, #tpu.memory_space<vmem>>, vector<16xf32>,
    %swap3A_329 = vector.shape_cast %swap3A_328 : vector<16xf32> to vector<16xf32>
    %swap3A_330 = vector.shape_cast %broadcast_in_dim3A_326 : vector<16xf32> to vector<16xf32>
    tpu.vector_store %arg6[%swap3A_327], %swap3A_330 {strides = array<i32>} : memref<1024xf32, #tpu.memory_space<vmem>>, vector<16xf32>,
    %broadcast_in_dim3A_331 = arith.constant 1.000000e+00 : f32
    %broadcast_in_dim3A_332 = vector.broadcast %broadcast_in_dim3A_331 : f32 to vector<16xf32>
    %swap3A_333 = arith.constant 880 : index
    %swap3A_334 = tpu.vector_load %arg6[%swap3A_333] {strides = array<i32>} : memref<1024xf32, #tpu.memory_space<vmem>>, vector<16xf32>,
    %swap3A_335 = vector.shape_cast %swap3A_334 : vector<16xf32> to vector<16xf32>
    %swap3A_336 = vector.shape_cast %broadcast_in_dim3A_332 : vector<16xf32> to vector<16xf32>
    tpu.vector_store %arg6[%swap3A_333], %swap3A_336 {strides = array<i32>} : memref<1024xf32, #tpu.memory_space<vmem>>, vector<16xf32>,
    %broadcast_in_dim3A_337 = arith.constant 1.000000e+00 : f32
    %broadcast_in_dim3A_338 = vector.broadcast %broadcast_in_dim3A_337 : f32 to vector<16xf32>
    %swap3A_339 = arith.constant 896 : index
    %swap3A_340 = tpu.vector_load %arg6[%swap3A_339] {strides = array<i32>} : memref<1024xf32, #tpu.memory_space<vmem>>, vector<16xf32>,
    %swap3A_341 = vector.shape_cast %swap3A_340 : vector<16xf32> to vector<16xf32>
    %swap3A_342 = vector.shape_cast %broadcast_in_dim3A_338 : vector<16xf32> to vector<16xf32>
    tpu.vector_store %arg6[%swap3A_339], %swap3A_342 {strides = array<i32>} : memref<1024xf32, #tpu.memory_space<vmem>>, vector<16xf32>,
    %broadcast_in_dim3A_343 = arith.constant 1.000000e+00 : f32
    %broadcast_in_dim3A_344 = vector.broadcast %broadcast_in_dim3A_343 : f32 to vector<16xf32>
    %swap3A_345 = arith.constant 912 : index
    %swap3A_346 = tpu.vector_load %arg6[%swap3A_345] {strides = array<i32>} : memref<1024xf32, #tpu.memory_space<vmem>>, vector<16xf32>,
    %swap3A_347 = vector.shape_cast %swap3A_346 : vector<16xf32> to vector<16xf32>
    %swap3A_348 = vector.shape_cast %broadcast_in_dim3A_344 : vector<16xf32> to vector<16xf32>
    tpu.vector_store %arg6[%swap3A_345], %swap3A_348 {strides = array<i32>} : memref<1024xf32, #tpu.memory_space<vmem>>, vector<16xf32>,
    %broadcast_in_dim3A_349 = arith.constant 1.000000e+00 : f32
    %broadcast_in_dim3A_350 = vector.broadcast %broadcast_in_dim3A_349 : f32 to vector<16xf32>
    %swap3A_351 = arith.constant 928 : index
    %swap3A_352 = tpu.vector_load %arg6[%swap3A_351] {strides = array<i32>} : memref<1024xf32, #tpu.memory_space<vmem>>, vector<16xf32>,
    %swap3A_353 = vector.shape_cast %swap3A_352 : vector<16xf32> to vector<16xf32>
    %swap3A_354 = vector.shape_cast %broadcast_in_dim3A_350 : vector<16xf32> to vector<16xf32>
    tpu.vector_store %arg6[%swap3A_351], %swap3A_354 {strides = array<i32>} : memref<1024xf32, #tpu.memory_space<vmem>>, vector<16xf32>,
    %broadcast_in_dim3A_355 = arith.constant 1.000000e+00 : f32
    %broadcast_in_dim3A_356 = vector.broadcast %broadcast_in_dim3A_355 : f32 to vector<16xf32>
    %swap3A_357 = arith.constant 944 : index
    %swap3A_358 = tpu.vector_load %arg6[%swap3A_357] {strides = array<i32>} : memref<1024xf32, #tpu.memory_space<vmem>>, vector<16xf32>,
    %swap3A_359 = vector.shape_cast %swap3A_358 : vector<16xf32> to vector<16xf32>
    %swap3A_360 = vector.shape_cast %broadcast_in_dim3A_356 : vector<16xf32> to vector<16xf32>
    tpu.vector_store %arg6[%swap3A_357], %swap3A_360 {strides = array<i32>} : memref<1024xf32, #tpu.memory_space<vmem>>, vector<16xf32>,
    %broadcast_in_dim3A_361 = arith.constant 1.000000e+00 : f32
    %broadcast_in_dim3A_362 = vector.broadcast %broadcast_in_dim3A_361 : f32 to vector<16xf32>
    %swap3A_363 = arith.constant 960 : index
    %swap3A_364 = tpu.vector_load %arg6[%swap3A_363] {strides = array<i32>} : memref<1024xf32, #tpu.memory_space<vmem>>, vector<16xf32>,
    %swap3A_365 = vector.shape_cast %swap3A_364 : vector<16xf32> to vector<16xf32>
    %swap3A_366 = vector.shape_cast %broadcast_in_dim3A_362 : vector<16xf32> to vector<16xf32>
    tpu.vector_store %arg6[%swap3A_363], %swap3A_366 {strides = array<i32>} : memref<1024xf32, #tpu.memory_space<vmem>>, vector<16xf32>,
    %broadcast_in_dim3A_367 = arith.constant 1.000000e+00 : f32
    %broadcast_in_dim3A_368 = vector.broadcast %broadcast_in_dim3A_367 : f32 to vector<16xf32>
    %swap3A_369 = arith.constant 976 : index
    %swap3A_370 = tpu.vector_load %arg6[%swap3A_369] {strides = array<i32>} : memref<1024xf32, #tpu.memory_space<vmem>>, vector<16xf32>,
    %swap3A_371 = vector.shape_cast %swap3A_370 : vector<16xf32> to vector<16xf32>
    %swap3A_372 = vector.shape_cast %broadcast_in_dim3A_368 : vector<16xf32> to vector<16xf32>
    tpu.vector_store %arg6[%swap3A_369], %swap3A_372 {strides = array<i32>} : memref<1024xf32, #tpu.memory_space<vmem>>, vector<16xf32>,
    %broadcast_in_dim3A_373 = arith.constant 1.000000e+00 : f32
    %broadcast_in_dim3A_374 = vector.broadcast %broadcast_in_dim3A_373 : f32 to vector<16xf32>
    %swap3A_375 = arith.constant 992 : index
    %swap3A_376 = tpu.vector_load %arg6[%swap3A_375] {strides = array<i32>} : memref<1024xf32, #tpu.memory_space<vmem>>, vector<16xf32>,
    %swap3A_377 = vector.shape_cast %swap3A_376 : vector<16xf32> to vector<16xf32>
    %swap3A_378 = vector.shape_cast %broadcast_in_dim3A_374 : vector<16xf32> to vector<16xf32>
    tpu.vector_store %arg6[%swap3A_375], %swap3A_378 {strides = array<i32>} : memref<1024xf32, #tpu.memory_space<vmem>>, vector<16xf32>,
    %broadcast_in_dim3A_379 = arith.constant 1.000000e+00 : f32
    %broadcast_in_dim3A_380 = vector.broadcast %broadcast_in_dim3A_379 : f32 to vector<16xf32>
    %swap3A_381 = arith.constant 1008 : index
    %swap3A_382 = tpu.vector_load %arg6[%swap3A_381] {strides = array<i32>} : memref<1024xf32, #tpu.memory_space<vmem>>, vector<16xf32>,
    %swap3A_383 = vector.shape_cast %swap3A_382 : vector<16xf32> to vector<16xf32>
    %swap3A_384 = vector.shape_cast %broadcast_in_dim3A_380 : vector<16xf32> to vector<16xf32>
    tpu.vector_store %arg6[%swap3A_381], %swap3A_384 {strides = array<i32>} : memref<1024xf32, #tpu.memory_space<vmem>>, vector<16xf32>,
    %barrier3A = arith.constant 0 : index
    tpu.barrier barrier_id(%barrier3A)
    %scan3A = arith.constant 0 : i32
    %scan3A_385 = arith.constant 0 : i32
    %scan3A_386 = arith.constant 10 : i32
    %scan3A_387 = arith.addi %scan3A_385, %scan3A_386 : i32
    %scan3A_388 = arith.constant 1 : i32
    scf.for %scan3A_395 = %scan3A_385 to %scan3A_387 step %scan3A_388  : i32 {
      "tpu.region"() ({
        %run_scoped3A = tpu.sem_alloc : memref<!tpu.dma_semaphore, #tpu.memory_space<semaphore_mem>>
        %dma_start3A = arith.constant 0 : i32
        %dma_start3A_396 = tpu.memref_slice %arg5[%scan3A_395, %dma_start3A] : memref<10x1024xi32, #tpu.memory_space<vmem>> -> memref<1x1024xi32, #tpu.memory_space<vmem>>
        %dma_start3A_397 = tpu.memref_squeeze %dma_start3A_396 : memref<1x1024xi32, #tpu.memory_space<vmem>> -> memref<1024xi32, #tpu.memory_space<vmem>>
        %dma_start3A_398 = arith.constant 0 : i32
        %dma_start3A_399 = tpu.memref_slice %arg7[%dma_start3A_398] : memref<10240xf32, #tpu.memory_space<vmem_shared>> -> memref<10240xf32, #tpu.memory_space<vmem_shared>>
        tpu.enqueue_indirect_dma source(%arg6 : memref<1024xf32, #tpu.memory_space<vmem>>) target(%dma_start3A_399 : memref<10240xf32, #tpu.memory_space<vmem_shared>>) offsets(%dma_start3A_397 : memref<1024xi32, #tpu.memory_space<vmem>>) semaphore(%run_scoped3A : memref<!tpu.dma_semaphore, #tpu.memory_space<semaphore_mem>>) {add = true}
        %dma_wait3A = arith.constant 0 : i32
        %dma_wait3A_400 = tpu.memref_slice %arg5[%scan3A_395, %dma_wait3A] : memref<10x1024xi32, #tpu.memory_space<vmem>> -> memref<1x1024xi32, #tpu.memory_space<vmem>>
        %dma_wait3A_401 = tpu.memref_squeeze %dma_wait3A_400 : memref<1x1024xi32, #tpu.memory_space<vmem>> -> memref<1024xi32, #tpu.memory_space<vmem>>
        %dma_wait3A_402 = arith.constant 0 : i32
        %dma_wait3A_403 = tpu.memref_slice %arg7[%dma_wait3A_402] : memref<10240xf32, #tpu.memory_space<vmem_shared>> -> memref<10240xf32, #tpu.memory_space<vmem_shared>>
        tpu.wait_indirect_dma semaphore(%run_scoped3A : memref<!tpu.dma_semaphore, #tpu.memory_space<semaphore_mem>>) src(%arg6 : memref<1024xf32, #tpu.memory_space<vmem>>) dst(%dma_wait3A_403 : memref<10240xf32, #tpu.memory_space<vmem_shared>>)
        tpu.yield
      }) : () -> ()
    }
    %scan3A_389 = arith.constant 10 : i32
    %barrier3A_390 = arith.constant 0 : index
    tpu.barrier barrier_id(%barrier3A_390)
    %mul3A_391 = arith.constant 640 : i32
    %mul3A_392 = arith.muli %arg1, %mul3A_391 : i32
    %mul3A_393 = arith.constant 640 : i32
    %mul3A_394 = arith.muli %arg1, %mul3A_393 : i32
    "tpu.region"() ({
      %run_scoped3A = tpu.sem_alloc : memref<!tpu.dma_semaphore, #tpu.memory_space<semaphore_mem>>
      %dma_start3A = tpu.memref_slice %arg4[%arg0, %mul3A_394] : memref<2x10240xf32, #tpu.memory_space<hbm>> -> memref<1x640xf32, #tpu.memory_space<hbm>>
      %dma_start3A_395 = tpu.memref_squeeze %dma_start3A : memref<1x640xf32, #tpu.memory_space<hbm>> -> memref<640xf32, #tpu.memory_space<hbm>>
      %dma_start3A_396 = tpu.memref_slice %arg7[%mul3A_392] : memref<10240xf32, #tpu.memory_space<vmem_shared>> -> memref<640xf32, #tpu.memory_space<vmem_shared>>
      tpu.enqueue_dma source(%dma_start3A_396 : memref<640xf32, #tpu.memory_space<vmem_shared>>) target(%dma_start3A_395 : memref<640xf32, #tpu.memory_space<hbm>>) target_semaphore(%run_scoped3A : memref<!tpu.dma_semaphore, #tpu.memory_space<semaphore_mem>>)
      %dma_wait3A = tpu.memref_slice %arg4[%arg0, %mul3A_394] : memref<2x10240xf32, #tpu.memory_space<hbm>> -> memref<1x640xf32, #tpu.memory_space<hbm>>
      %dma_wait3A_397 = tpu.memref_squeeze %dma_wait3A : memref<1x640xf32, #tpu.memory_space<hbm>> -> memref<640xf32, #tpu.memory_space<hbm>>
      %dma_wait3A_398 = tpu.memref_slice %arg7[%mul3A_392] : memref<10240xf32, #tpu.memory_space<vmem_shared>> -> memref<640xf32, #tpu.memory_space<vmem_shared>>
      tpu.wait_dma2 semaphore(%run_scoped3A : memref<!tpu.dma_semaphore, #tpu.memory_space<semaphore_mem>>) src(%dma_wait3A_398 : memref<640xf32, #tpu.memory_space<vmem_shared>>) dst(%dma_wait3A_397 : memref<640xf32, #tpu.memory_space<hbm>>)
      tpu.yield
    }) : () -> ()
    return
  }
}

#map = affine_map<(d0, d1) -> (0, 0)>
#map1 = affine_map<(d0, d1) -> (0, 0, 0, 0)>
#map2 = affine_map<(d0, d1) -> (0, 0, 0)>
module attributes {stable_mosaic.version = 14 : i64} {
  func.func @body(%arg0: i32, %arg1: i32, %arg2: memref<10240x128xf32, #tpu.memory_space<hbm>>, %arg3: memref<2x16x96x128xi32, #tpu.memory_space<hbm>>, %arg4: memref<2x16x80x128xi32, #tpu.memory_space<hbm>>, %arg5: memref<10240x128xf32, #tpu.memory_space<hbm>>, %arg6: memref<2x10240x128xf32, #tpu.memory_space<hbm>>, %arg7: memref<48x128xi32, #tpu.memory_space<vmem>>, %arg8: memref<40x128xi32, #tpu.memory_space<vmem>>, %arg9: memref<128x128xf32, #tpu.memory_space<vmem>>, %arg10: memref<128x128xf32, #tpu.memory_space<vmem>>, %arg11: memref<10240x128xf32, #tpu.memory_space<vmem_shared>>, %arg12: memref<!tpu.dma_semaphore, #tpu.memory_space<semaphore_mem>>, %arg13: memref<!tpu.dma_semaphore, #tpu.memory_space<semaphore_mem>>) attributes {dimension_semantics = [#tpu.dimension_semantics<core_parallel>, #tpu.dimension_semantics<subcore_parallel>], iteration_bounds = array<i64: 2, 16>, scalar_prefetch = 0 : i64, scratch_operands = 7 : i64, tpu.core_type = #tpu.core_type<sc_vector_subcore>, window_params = [{transform_indices = #map}, {transform_indices = #map1}, {transform_indices = #map1}, {transform_indices = #map}, {transform_indices = #map2}]} {
    %mul3A = arith.constant 640 : i32
    %mul3A_0 = arith.muli %arg1, %mul3A : i32
    %mul3A_1 = arith.constant 640 : i32
    %mul3A_2 = arith.muli %arg1, %mul3A_1 : i32
    "tpu.region"() ({
      %run_scoped3A = tpu.sem_alloc : memref<!tpu.dma_semaphore, #tpu.memory_space<semaphore_mem>>
      %dma_start3A_73 = arith.constant 0 : i32
      %dma_start3A_74 = tpu.memref_slice %arg11[%mul3A_2, %dma_start3A_73] : memref<10240x128xf32, #tpu.memory_space<vmem_shared>> -> memref<640x128xf32, #tpu.memory_space<vmem_shared>>
      %dma_start3A_75 = arith.constant 0 : i32
      %dma_start3A_76 = tpu.memref_slice %arg5[%mul3A_0, %dma_start3A_75] : memref<10240x128xf32, #tpu.memory_space<hbm>> -> memref<640x128xf32, #tpu.memory_space<hbm>>
      tpu.enqueue_dma source(%dma_start3A_76 : memref<640x128xf32, #tpu.memory_space<hbm>>) target(%dma_start3A_74 : memref<640x128xf32, #tpu.memory_space<vmem_shared>>) target_semaphore(%run_scoped3A : memref<!tpu.dma_semaphore, #tpu.memory_space<semaphore_mem>>)
      %dma_wait3A_77 = arith.constant 0 : i32
      %dma_wait3A_78 = tpu.memref_slice %arg11[%mul3A_2, %dma_wait3A_77] : memref<10240x128xf32, #tpu.memory_space<vmem_shared>> -> memref<640x128xf32, #tpu.memory_space<vmem_shared>>
      %dma_wait3A_79 = arith.constant 0 : i32
      %dma_wait3A_80 = tpu.memref_slice %arg5[%mul3A_0, %dma_wait3A_79] : memref<10240x128xf32, #tpu.memory_space<hbm>> -> memref<640x128xf32, #tpu.memory_space<hbm>>
      tpu.wait_dma2 semaphore(%run_scoped3A : memref<!tpu.dma_semaphore, #tpu.memory_space<semaphore_mem>>) src(%dma_wait3A_80 : memref<640x128xf32, #tpu.memory_space<hbm>>) dst(%dma_wait3A_78 : memref<640x128xf32, #tpu.memory_space<vmem_shared>>)
      tpu.yield
    }) : () -> ()
    %barrier3A = arith.constant 0 : index
    tpu.barrier barrier_id(%barrier3A)
    "tpu.region"() ({
      %run_scoped3A = tpu.sem_alloc : memref<!tpu.dma_semaphore, #tpu.memory_space<semaphore_mem>>
      %dma_start3A_73 = arith.constant 0 : i32
      %dma_start3A_74 = arith.constant 0 : i32
      %dma_start3A_75 = tpu.memref_slice %arg3[%arg0, %arg1, %dma_start3A_73, %dma_start3A_74] : memref<2x16x96x128xi32, #tpu.memory_space<hbm>> -> memref<1x1x48x128xi32, #tpu.memory_space<hbm>>
      %dma_start3A_76 = tpu.memref_squeeze %dma_start3A_75 : memref<1x1x48x128xi32, #tpu.memory_space<hbm>> -> memref<48x128xi32, #tpu.memory_space<hbm>>
      %dma_start3A_77 = arith.constant 0 : i32
      %dma_start3A_78 = arith.constant 0 : i32
      %dma_start3A_79 = tpu.memref_slice %arg3[%arg0, %arg1, %dma_start3A_77, %dma_start3A_78] : memref<2x16x96x128xi32, #tpu.memory_space<hbm>> -> memref<1x1x48x128xi32, #tpu.memory_space<hbm>>
      %dma_start3A_80 = tpu.memref_squeeze %dma_start3A_79 : memref<1x1x48x128xi32, #tpu.memory_space<hbm>> -> memref<48x128xi32, #tpu.memory_space<hbm>>
      tpu.enqueue_dma source(%dma_start3A_80 : memref<48x128xi32, #tpu.memory_space<hbm>>) target(%arg7 : memref<48x128xi32, #tpu.memory_space<vmem>>) target_semaphore(%run_scoped3A : memref<!tpu.dma_semaphore, #tpu.memory_space<semaphore_mem>>)
      %dma_wait3A_81 = arith.constant 0 : i32
      %dma_wait3A_82 = arith.constant 0 : i32
      %dma_wait3A_83 = tpu.memref_slice %arg3[%arg0, %arg1, %dma_wait3A_81, %dma_wait3A_82] : memref<2x16x96x128xi32, #tpu.memory_space<hbm>> -> memref<1x1x48x128xi32, #tpu.memory_space<hbm>>
      %dma_wait3A_84 = tpu.memref_squeeze %dma_wait3A_83 : memref<1x1x48x128xi32, #tpu.memory_space<hbm>> -> memref<48x128xi32, #tpu.memory_space<hbm>>
      %dma_wait3A_85 = arith.constant 0 : i32
      %dma_wait3A_86 = arith.constant 0 : i32
      %dma_wait3A_87 = tpu.memref_slice %arg3[%arg0, %arg1, %dma_wait3A_85, %dma_wait3A_86] : memref<2x16x96x128xi32, #tpu.memory_space<hbm>> -> memref<1x1x48x128xi32, #tpu.memory_space<hbm>>
      %dma_wait3A_88 = tpu.memref_squeeze %dma_wait3A_87 : memref<1x1x48x128xi32, #tpu.memory_space<hbm>> -> memref<48x128xi32, #tpu.memory_space<hbm>>
      tpu.wait_dma2 semaphore(%run_scoped3A : memref<!tpu.dma_semaphore, #tpu.memory_space<semaphore_mem>>) src(%dma_wait3A_88 : memref<48x128xi32, #tpu.memory_space<hbm>>) dst(%arg7 : memref<48x128xi32, #tpu.memory_space<vmem>>)
      tpu.yield
    }) : () -> ()
    "tpu.region"() ({
      %run_scoped3A = tpu.sem_alloc : memref<!tpu.dma_semaphore, #tpu.memory_space<semaphore_mem>>
      %dma_start3A_73 = arith.constant 0 : i32
      %dma_start3A_74 = arith.constant 0 : i32
      %dma_start3A_75 = tpu.memref_slice %arg4[%arg0, %arg1, %dma_start3A_73, %dma_start3A_74] : memref<2x16x80x128xi32, #tpu.memory_space<hbm>> -> memref<1x1x40x128xi32, #tpu.memory_space<hbm>>
      %dma_start3A_76 = tpu.memref_squeeze %dma_start3A_75 : memref<1x1x40x128xi32, #tpu.memory_space<hbm>> -> memref<40x128xi32, #tpu.memory_space<hbm>>
      %dma_start3A_77 = arith.constant 0 : i32
      %dma_start3A_78 = arith.constant 0 : i32
      %dma_start3A_79 = tpu.memref_slice %arg4[%arg0, %arg1, %dma_start3A_77, %dma_start3A_78] : memref<2x16x80x128xi32, #tpu.memory_space<hbm>> -> memref<1x1x40x128xi32, #tpu.memory_space<hbm>>
      %dma_start3A_80 = tpu.memref_squeeze %dma_start3A_79 : memref<1x1x40x128xi32, #tpu.memory_space<hbm>> -> memref<40x128xi32, #tpu.memory_space<hbm>>
      tpu.enqueue_dma source(%dma_start3A_80 : memref<40x128xi32, #tpu.memory_space<hbm>>) target(%arg8 : memref<40x128xi32, #tpu.memory_space<vmem>>) target_semaphore(%run_scoped3A : memref<!tpu.dma_semaphore, #tpu.memory_space<semaphore_mem>>)
      %dma_wait3A_81 = arith.constant 0 : i32
      %dma_wait3A_82 = arith.constant 0 : i32
      %dma_wait3A_83 = tpu.memref_slice %arg4[%arg0, %arg1, %dma_wait3A_81, %dma_wait3A_82] : memref<2x16x80x128xi32, #tpu.memory_space<hbm>> -> memref<1x1x40x128xi32, #tpu.memory_space<hbm>>
      %dma_wait3A_84 = tpu.memref_squeeze %dma_wait3A_83 : memref<1x1x40x128xi32, #tpu.memory_space<hbm>> -> memref<40x128xi32, #tpu.memory_space<hbm>>
      %dma_wait3A_85 = arith.constant 0 : i32
      %dma_wait3A_86 = arith.constant 0 : i32
      %dma_wait3A_87 = tpu.memref_slice %arg4[%arg0, %arg1, %dma_wait3A_85, %dma_wait3A_86] : memref<2x16x80x128xi32, #tpu.memory_space<hbm>> -> memref<1x1x40x128xi32, #tpu.memory_space<hbm>>
      %dma_wait3A_88 = tpu.memref_squeeze %dma_wait3A_87 : memref<1x1x40x128xi32, #tpu.memory_space<hbm>> -> memref<40x128xi32, #tpu.memory_space<hbm>>
      tpu.wait_dma2 semaphore(%run_scoped3A : memref<!tpu.dma_semaphore, #tpu.memory_space<semaphore_mem>>) src(%dma_wait3A_88 : memref<40x128xi32, #tpu.memory_space<hbm>>) dst(%arg8 : memref<40x128xi32, #tpu.memory_space<vmem>>)
      tpu.yield
    }) : () -> ()
    %dma_start3A = arith.constant 0 : i32
    %dma_start3A_3 = arith.constant 0 : i32
    %dma_start3A_4 = tpu.memref_slice %arg7[%dma_start3A, %dma_start3A_3] : memref<48x128xi32, #tpu.memory_space<vmem>> -> memref<1x128xi32, #tpu.memory_space<vmem>>
    %dma_start3A_5 = tpu.memref_squeeze %dma_start3A_4 : memref<1x128xi32, #tpu.memory_space<vmem>> -> memref<128xi32, #tpu.memory_space<vmem>>
    %dma_start3A_6 = arith.constant 0 : i32
    %dma_start3A_7 = arith.constant 0 : i32
    %dma_start3A_8 = tpu.memref_slice %arg2[%dma_start3A_6, %dma_start3A_7] : memref<10240x128xf32, #tpu.memory_space<hbm>> -> memref<10240x128xf32, #tpu.memory_space<hbm>>
    tpu.enqueue_indirect_dma source(%dma_start3A_8 : memref<10240x128xf32, #tpu.memory_space<hbm>>) target(%arg9 : memref<128x128xf32, #tpu.memory_space<vmem>>) offsets(%dma_start3A_5 : memref<128xi32, #tpu.memory_space<vmem>>) semaphore(%arg12 : memref<!tpu.dma_semaphore, #tpu.memory_space<semaphore_mem>>)
    %dma_start3A_9 = arith.constant 1 : i32
    %dma_start3A_10 = arith.constant 0 : i32
    %dma_start3A_11 = tpu.memref_slice %arg7[%dma_start3A_9, %dma_start3A_10] : memref<48x128xi32, #tpu.memory_space<vmem>> -> memref<1x128xi32, #tpu.memory_space<vmem>>
    %dma_start3A_12 = tpu.memref_squeeze %dma_start3A_11 : memref<1x128xi32, #tpu.memory_space<vmem>> -> memref<128xi32, #tpu.memory_space<vmem>>
    %dma_start3A_13 = arith.constant 0 : i32
    %dma_start3A_14 = arith.constant 0 : i32
    %dma_start3A_15 = tpu.memref_slice %arg2[%dma_start3A_13, %dma_start3A_14] : memref<10240x128xf32, #tpu.memory_space<hbm>> -> memref<10240x128xf32, #tpu.memory_space<hbm>>
    tpu.enqueue_indirect_dma source(%dma_start3A_15 : memref<10240x128xf32, #tpu.memory_space<hbm>>) target(%arg10 : memref<128x128xf32, #tpu.memory_space<vmem>>) offsets(%dma_start3A_12 : memref<128xi32, #tpu.memory_space<vmem>>) semaphore(%arg13 : memref<!tpu.dma_semaphore, #tpu.memory_space<semaphore_mem>>)
    %scan3A = arith.constant 0 : i32
    %scan3A_16 = arith.constant 0 : i32
    %scan3A_17 = arith.constant 20 : i32
    %scan3A_18 = arith.addi %scan3A_16, %scan3A_17 : i32
    %scan3A_19 = arith.constant 1 : i32
    scf.for %scan3A_73 = %scan3A_16 to %scan3A_18 step %scan3A_19  : i32 {
      %mul3A_74 = arith.constant 2 : i32
      %mul3A_75 = arith.muli %mul3A_74, %scan3A_73 : i32
      %dma_wait3A_76 = arith.constant 0 : i32
      %dma_wait3A_77 = arith.constant 0 : i32
      %dma_wait3A_78 = tpu.memref_slice %arg7[%dma_wait3A_76, %dma_wait3A_77] : memref<48x128xi32, #tpu.memory_space<vmem>> -> memref<1x128xi32, #tpu.memory_space<vmem>>
      %dma_wait3A_79 = tpu.memref_squeeze %dma_wait3A_78 : memref<1x128xi32, #tpu.memory_space<vmem>> -> memref<128xi32, #tpu.memory_space<vmem>>
      %dma_wait3A_80 = arith.constant 0 : i32
      %dma_wait3A_81 = arith.constant 0 : i32
      %dma_wait3A_82 = tpu.memref_slice %arg2[%dma_wait3A_80, %dma_wait3A_81] : memref<10240x128xf32, #tpu.memory_space<hbm>> -> memref<10240x128xf32, #tpu.memory_space<hbm>>
      tpu.wait_indirect_dma semaphore(%arg12 : memref<!tpu.dma_semaphore, #tpu.memory_space<semaphore_mem>>) src(%dma_wait3A_82 : memref<10240x128xf32, #tpu.memory_space<hbm>>) dst(%arg9 : memref<128x128xf32, #tpu.memory_space<vmem>>)
      "tpu.region"() ({
        %run_scoped3A = tpu.sem_alloc : memref<!tpu.dma_semaphore, #tpu.memory_space<semaphore_mem>>
        %dma_start3A_107 = arith.constant 0 : i32
        %dma_start3A_108 = tpu.memref_slice %arg8[%mul3A_75, %dma_start3A_107] : memref<40x128xi32, #tpu.memory_space<vmem>> -> memref<1x128xi32, #tpu.memory_space<vmem>>
        %dma_start3A_109 = tpu.memref_squeeze %dma_start3A_108 : memref<1x128xi32, #tpu.memory_space<vmem>> -> memref<128xi32, #tpu.memory_space<vmem>>
        %dma_start3A_110 = arith.constant 0 : i32
        %dma_start3A_111 = arith.constant 0 : i32
        %dma_start3A_112 = tpu.memref_slice %arg11[%dma_start3A_110, %dma_start3A_111] : memref<10240x128xf32, #tpu.memory_space<vmem_shared>> -> memref<10240x128xf32, #tpu.memory_space<vmem_shared>>
        tpu.enqueue_indirect_dma source(%arg9 : memref<128x128xf32, #tpu.memory_space<vmem>>) target(%dma_start3A_112 : memref<10240x128xf32, #tpu.memory_space<vmem_shared>>) offsets(%dma_start3A_109 : memref<128xi32, #tpu.memory_space<vmem>>) semaphore(%run_scoped3A : memref<!tpu.dma_semaphore, #tpu.memory_space<semaphore_mem>>) {add = true}
        %dma_wait3A_113 = arith.constant 0 : i32
        %dma_wait3A_114 = tpu.memref_slice %arg8[%mul3A_75, %dma_wait3A_113] : memref<40x128xi32, #tpu.memory_space<vmem>> -> memref<1x128xi32, #tpu.memory_space<vmem>>
        %dma_wait3A_115 = tpu.memref_squeeze %dma_wait3A_114 : memref<1x128xi32, #tpu.memory_space<vmem>> -> memref<128xi32, #tpu.memory_space<vmem>>
        %dma_wait3A_116 = arith.constant 0 : i32
        %dma_wait3A_117 = arith.constant 0 : i32
        %dma_wait3A_118 = tpu.memref_slice %arg11[%dma_wait3A_116, %dma_wait3A_117] : memref<10240x128xf32, #tpu.memory_space<vmem_shared>> -> memref<10240x128xf32, #tpu.memory_space<vmem_shared>>
        tpu.wait_indirect_dma semaphore(%run_scoped3A : memref<!tpu.dma_semaphore, #tpu.memory_space<semaphore_mem>>) src(%arg9 : memref<128x128xf32, #tpu.memory_space<vmem>>) dst(%dma_wait3A_118 : memref<10240x128xf32, #tpu.memory_space<vmem_shared>>)
        tpu.yield
      }) : () -> ()
      %add3A = arith.constant 2 : i32
      %add3A_83 = arith.addi %mul3A_75, %add3A : i32
      %dma_start3A_84 = arith.constant 0 : i32
      %dma_start3A_85 = tpu.memref_slice %arg7[%add3A_83, %dma_start3A_84] : memref<48x128xi32, #tpu.memory_space<vmem>> -> memref<1x128xi32, #tpu.memory_space<vmem>>
      %dma_start3A_86 = tpu.memref_squeeze %dma_start3A_85 : memref<1x128xi32, #tpu.memory_space<vmem>> -> memref<128xi32, #tpu.memory_space<vmem>>
      %dma_start3A_87 = arith.constant 0 : i32
      %dma_start3A_88 = arith.constant 0 : i32
      %dma_start3A_89 = tpu.memref_slice %arg2[%dma_start3A_87, %dma_start3A_88] : memref<10240x128xf32, #tpu.memory_space<hbm>> -> memref<10240x128xf32, #tpu.memory_space<hbm>>
      tpu.enqueue_indirect_dma source(%dma_start3A_89 : memref<10240x128xf32, #tpu.memory_space<hbm>>) target(%arg9 : memref<128x128xf32, #tpu.memory_space<vmem>>) offsets(%dma_start3A_86 : memref<128xi32, #tpu.memory_space<vmem>>) semaphore(%arg12 : memref<!tpu.dma_semaphore, #tpu.memory_space<semaphore_mem>>)
      %dma_wait3A_90 = arith.constant 1 : i32
      %dma_wait3A_91 = arith.constant 0 : i32
      %dma_wait3A_92 = tpu.memref_slice %arg7[%dma_wait3A_90, %dma_wait3A_91] : memref<48x128xi32, #tpu.memory_space<vmem>> -> memref<1x128xi32, #tpu.memory_space<vmem>>
      %dma_wait3A_93 = tpu.memref_squeeze %dma_wait3A_92 : memref<1x128xi32, #tpu.memory_space<vmem>> -> memref<128xi32, #tpu.memory_space<vmem>>
      %dma_wait3A_94 = arith.constant 0 : i32
      %dma_wait3A_95 = arith.constant 0 : i32
      %dma_wait3A_96 = tpu.memref_slice %arg2[%dma_wait3A_94, %dma_wait3A_95] : memref<10240x128xf32, #tpu.memory_space<hbm>> -> memref<10240x128xf32, #tpu.memory_space<hbm>>
      tpu.wait_indirect_dma semaphore(%arg13 : memref<!tpu.dma_semaphore, #tpu.memory_space<semaphore_mem>>) src(%dma_wait3A_96 : memref<10240x128xf32, #tpu.memory_space<hbm>>) dst(%arg10 : memref<128x128xf32, #tpu.memory_space<vmem>>)
      %add3A_97 = arith.constant 1 : i32
      %add3A_98 = arith.addi %mul3A_75, %add3A_97 : i32
      "tpu.region"() ({
        %run_scoped3A = tpu.sem_alloc : memref<!tpu.dma_semaphore, #tpu.memory_space<semaphore_mem>>
        %dma_start3A_107 = arith.constant 0 : i32
        %dma_start3A_108 = tpu.memref_slice %arg8[%add3A_98, %dma_start3A_107] : memref<40x128xi32, #tpu.memory_space<vmem>> -> memref<1x128xi32, #tpu.memory_space<vmem>>
        %dma_start3A_109 = tpu.memref_squeeze %dma_start3A_108 : memref<1x128xi32, #tpu.memory_space<vmem>> -> memref<128xi32, #tpu.memory_space<vmem>>
        %dma_start3A_110 = arith.constant 0 : i32
        %dma_start3A_111 = arith.constant 0 : i32
        %dma_start3A_112 = tpu.memref_slice %arg11[%dma_start3A_110, %dma_start3A_111] : memref<10240x128xf32, #tpu.memory_space<vmem_shared>> -> memref<10240x128xf32, #tpu.memory_space<vmem_shared>>
        tpu.enqueue_indirect_dma source(%arg10 : memref<128x128xf32, #tpu.memory_space<vmem>>) target(%dma_start3A_112 : memref<10240x128xf32, #tpu.memory_space<vmem_shared>>) offsets(%dma_start3A_109 : memref<128xi32, #tpu.memory_space<vmem>>) semaphore(%run_scoped3A : memref<!tpu.dma_semaphore, #tpu.memory_space<semaphore_mem>>) {add = true}
        %dma_wait3A_113 = arith.constant 0 : i32
        %dma_wait3A_114 = tpu.memref_slice %arg8[%add3A_98, %dma_wait3A_113] : memref<40x128xi32, #tpu.memory_space<vmem>> -> memref<1x128xi32, #tpu.memory_space<vmem>>
        %dma_wait3A_115 = tpu.memref_squeeze %dma_wait3A_114 : memref<1x128xi32, #tpu.memory_space<vmem>> -> memref<128xi32, #tpu.memory_space<vmem>>
        %dma_wait3A_116 = arith.constant 0 : i32
        %dma_wait3A_117 = arith.constant 0 : i32
        %dma_wait3A_118 = tpu.memref_slice %arg11[%dma_wait3A_116, %dma_wait3A_117] : memref<10240x128xf32, #tpu.memory_space<vmem_shared>> -> memref<10240x128xf32, #tpu.memory_space<vmem_shared>>
        tpu.wait_indirect_dma semaphore(%run_scoped3A : memref<!tpu.dma_semaphore, #tpu.memory_space<semaphore_mem>>) src(%arg10 : memref<128x128xf32, #tpu.memory_space<vmem>>) dst(%dma_wait3A_118 : memref<10240x128xf32, #tpu.memory_space<vmem_shared>>)
        tpu.yield
      }) : () -> ()
      %add3A_99 = arith.constant 3 : i32
      %add3A_100 = arith.addi %mul3A_75, %add3A_99 : i32
      %dma_start3A_101 = arith.constant 0 : i32
      %dma_start3A_102 = tpu.memref_slice %arg7[%add3A_100, %dma_start3A_101] : memref<48x128xi32, #tpu.memory_space<vmem>> -> memref<1x128xi32, #tpu.memory_space<vmem>>
      %dma_start3A_103 = tpu.memref_squeeze %dma_start3A_102 : memref<1x128xi32, #tpu.memory_space<vmem>> -> memref<128xi32, #tpu.memory_space<vmem>>
      %dma_start3A_104 = arith.constant 0 : i32
      %dma_start3A_105 = arith.constant 0 : i32
      %dma_start3A_106 = tpu.memref_slice %arg2[%dma_start3A_104, %dma_start3A_105] : memref<10240x128xf32, #tpu.memory_space<hbm>> -> memref<10240x128xf32, #tpu.memory_space<hbm>>
      tpu.enqueue_indirect_dma source(%dma_start3A_106 : memref<10240x128xf32, #tpu.memory_space<hbm>>) target(%arg10 : memref<128x128xf32, #tpu.memory_space<vmem>>) offsets(%dma_start3A_103 : memref<128xi32, #tpu.memory_space<vmem>>) semaphore(%arg13 : memref<!tpu.dma_semaphore, #tpu.memory_space<semaphore_mem>>)
    }
    %scan3A_20 = arith.constant 20 : i32
    %dma_wait3A = arith.constant 0 : i32
    %dma_wait3A_21 = arith.constant 0 : i32
    %dma_wait3A_22 = tpu.memref_slice %arg7[%dma_wait3A, %dma_wait3A_21] : memref<48x128xi32, #tpu.memory_space<vmem>> -> memref<1x128xi32, #tpu.memory_space<vmem>>
    %dma_wait3A_23 = tpu.memref_squeeze %dma_wait3A_22 : memref<1x128xi32, #tpu.memory_space<vmem>> -> memref<128xi32, #tpu.memory_space<vmem>>
    %dma_wait3A_24 = arith.constant 0 : i32
    %dma_wait3A_25 = arith.constant 0 : i32
    %dma_wait3A_26 = tpu.memref_slice %arg2[%dma_wait3A_24, %dma_wait3A_25] : memref<10240x128xf32, #tpu.memory_space<hbm>> -> memref<10240x128xf32, #tpu.memory_space<hbm>>
    tpu.wait_indirect_dma semaphore(%arg12 : memref<!tpu.dma_semaphore, #tpu.memory_space<semaphore_mem>>) src(%dma_wait3A_26 : memref<10240x128xf32, #tpu.memory_space<hbm>>) dst(%arg9 : memref<128x128xf32, #tpu.memory_space<vmem>>)
    %dma_wait3A_27 = arith.constant 1 : i32
    %dma_wait3A_28 = arith.constant 0 : i32
    %dma_wait3A_29 = tpu.memref_slice %arg7[%dma_wait3A_27, %dma_wait3A_28] : memref<48x128xi32, #tpu.memory_space<vmem>> -> memref<1x128xi32, #tpu.memory_space<vmem>>
    %dma_wait3A_30 = tpu.memref_squeeze %dma_wait3A_29 : memref<1x128xi32, #tpu.memory_space<vmem>> -> memref<128xi32, #tpu.memory_space<vmem>>
    %dma_wait3A_31 = arith.constant 0 : i32
    %dma_wait3A_32 = arith.constant 0 : i32
    %dma_wait3A_33 = tpu.memref_slice %arg2[%dma_wait3A_31, %dma_wait3A_32] : memref<10240x128xf32, #tpu.memory_space<hbm>> -> memref<10240x128xf32, #tpu.memory_space<hbm>>
    tpu.wait_indirect_dma semaphore(%arg13 : memref<!tpu.dma_semaphore, #tpu.memory_space<semaphore_mem>>) src(%dma_wait3A_33 : memref<10240x128xf32, #tpu.memory_space<hbm>>) dst(%arg10 : memref<128x128xf32, #tpu.memory_space<vmem>>)
    "tpu.region"() ({
      %run_scoped3A = tpu.sem_alloc : memref<!tpu.dma_semaphore, #tpu.memory_space<semaphore_mem>>
      %dma_start3A_73 = arith.constant 40 : i32
      %dma_start3A_74 = arith.constant 0 : i32
      %dma_start3A_75 = tpu.memref_slice %arg3[%arg0, %arg1, %dma_start3A_73, %dma_start3A_74] : memref<2x16x96x128xi32, #tpu.memory_space<hbm>> -> memref<1x1x48x128xi32, #tpu.memory_space<hbm>>
      %dma_start3A_76 = tpu.memref_squeeze %dma_start3A_75 : memref<1x1x48x128xi32, #tpu.memory_space<hbm>> -> memref<48x128xi32, #tpu.memory_space<hbm>>
      %dma_start3A_77 = arith.constant 40 : i32
      %dma_start3A_78 = arith.constant 0 : i32
      %dma_start3A_79 = tpu.memref_slice %arg3[%arg0, %arg1, %dma_start3A_77, %dma_start3A_78] : memref<2x16x96x128xi32, #tpu.memory_space<hbm>> -> memref<1x1x48x128xi32, #tpu.memory_space<hbm>>
      %dma_start3A_80 = tpu.memref_squeeze %dma_start3A_79 : memref<1x1x48x128xi32, #tpu.memory_space<hbm>> -> memref<48x128xi32, #tpu.memory_space<hbm>>
      tpu.enqueue_dma source(%dma_start3A_80 : memref<48x128xi32, #tpu.memory_space<hbm>>) target(%arg7 : memref<48x128xi32, #tpu.memory_space<vmem>>) target_semaphore(%run_scoped3A : memref<!tpu.dma_semaphore, #tpu.memory_space<semaphore_mem>>)
      %dma_wait3A_81 = arith.constant 40 : i32
      %dma_wait3A_82 = arith.constant 0 : i32
      %dma_wait3A_83 = tpu.memref_slice %arg3[%arg0, %arg1, %dma_wait3A_81, %dma_wait3A_82] : memref<2x16x96x128xi32, #tpu.memory_space<hbm>> -> memref<1x1x48x128xi32, #tpu.memory_space<hbm>>
      %dma_wait3A_84 = tpu.memref_squeeze %dma_wait3A_83 : memref<1x1x48x128xi32, #tpu.memory_space<hbm>> -> memref<48x128xi32, #tpu.memory_space<hbm>>
      %dma_wait3A_85 = arith.constant 40 : i32
      %dma_wait3A_86 = arith.constant 0 : i32
      %dma_wait3A_87 = tpu.memref_slice %arg3[%arg0, %arg1, %dma_wait3A_85, %dma_wait3A_86] : memref<2x16x96x128xi32, #tpu.memory_space<hbm>> -> memref<1x1x48x128xi32, #tpu.memory_space<hbm>>
      %dma_wait3A_88 = tpu.memref_squeeze %dma_wait3A_87 : memref<1x1x48x128xi32, #tpu.memory_space<hbm>> -> memref<48x128xi32, #tpu.memory_space<hbm>>
      tpu.wait_dma2 semaphore(%run_scoped3A : memref<!tpu.dma_semaphore, #tpu.memory_space<semaphore_mem>>) src(%dma_wait3A_88 : memref<48x128xi32, #tpu.memory_space<hbm>>) dst(%arg7 : memref<48x128xi32, #tpu.memory_space<vmem>>)
      tpu.yield
    }) : () -> ()
    "tpu.region"() ({
      %run_scoped3A = tpu.sem_alloc : memref<!tpu.dma_semaphore, #tpu.memory_space<semaphore_mem>>
      %dma_start3A_73 = arith.constant 40 : i32
      %dma_start3A_74 = arith.constant 0 : i32
      %dma_start3A_75 = tpu.memref_slice %arg4[%arg0, %arg1, %dma_start3A_73, %dma_start3A_74] : memref<2x16x80x128xi32, #tpu.memory_space<hbm>> -> memref<1x1x40x128xi32, #tpu.memory_space<hbm>>
      %dma_start3A_76 = tpu.memref_squeeze %dma_start3A_75 : memref<1x1x40x128xi32, #tpu.memory_space<hbm>> -> memref<40x128xi32, #tpu.memory_space<hbm>>
      %dma_start3A_77 = arith.constant 40 : i32
      %dma_start3A_78 = arith.constant 0 : i32
      %dma_start3A_79 = tpu.memref_slice %arg4[%arg0, %arg1, %dma_start3A_77, %dma_start3A_78] : memref<2x16x80x128xi32, #tpu.memory_space<hbm>> -> memref<1x1x40x128xi32, #tpu.memory_space<hbm>>
      %dma_start3A_80 = tpu.memref_squeeze %dma_start3A_79 : memref<1x1x40x128xi32, #tpu.memory_space<hbm>> -> memref<40x128xi32, #tpu.memory_space<hbm>>
      tpu.enqueue_dma source(%dma_start3A_80 : memref<40x128xi32, #tpu.memory_space<hbm>>) target(%arg8 : memref<40x128xi32, #tpu.memory_space<vmem>>) target_semaphore(%run_scoped3A : memref<!tpu.dma_semaphore, #tpu.memory_space<semaphore_mem>>)
      %dma_wait3A_81 = arith.constant 40 : i32
      %dma_wait3A_82 = arith.constant 0 : i32
      %dma_wait3A_83 = tpu.memref_slice %arg4[%arg0, %arg1, %dma_wait3A_81, %dma_wait3A_82] : memref<2x16x80x128xi32, #tpu.memory_space<hbm>> -> memref<1x1x40x128xi32, #tpu.memory_space<hbm>>
      %dma_wait3A_84 = tpu.memref_squeeze %dma_wait3A_83 : memref<1x1x40x128xi32, #tpu.memory_space<hbm>> -> memref<40x128xi32, #tpu.memory_space<hbm>>
      %dma_wait3A_85 = arith.constant 40 : i32
      %dma_wait3A_86 = arith.constant 0 : i32
      %dma_wait3A_87 = tpu.memref_slice %arg4[%arg0, %arg1, %dma_wait3A_85, %dma_wait3A_86] : memref<2x16x80x128xi32, #tpu.memory_space<hbm>> -> memref<1x1x40x128xi32, #tpu.memory_space<hbm>>
      %dma_wait3A_88 = tpu.memref_squeeze %dma_wait3A_87 : memref<1x1x40x128xi32, #tpu.memory_space<hbm>> -> memref<40x128xi32, #tpu.memory_space<hbm>>
      tpu.wait_dma2 semaphore(%run_scoped3A : memref<!tpu.dma_semaphore, #tpu.memory_space<semaphore_mem>>) src(%dma_wait3A_88 : memref<40x128xi32, #tpu.memory_space<hbm>>) dst(%arg8 : memref<40x128xi32, #tpu.memory_space<vmem>>)
      tpu.yield
    }) : () -> ()
    %dma_start3A_34 = arith.constant 0 : i32
    %dma_start3A_35 = arith.constant 0 : i32
    %dma_start3A_36 = tpu.memref_slice %arg7[%dma_start3A_34, %dma_start3A_35] : memref<48x128xi32, #tpu.memory_space<vmem>> -> memref<1x128xi32, #tpu.memory_space<vmem>>
    %dma_start3A_37 = tpu.memref_squeeze %dma_start3A_36 : memref<1x128xi32, #tpu.memory_space<vmem>> -> memref<128xi32, #tpu.memory_space<vmem>>
    %dma_start3A_38 = arith.constant 0 : i32
    %dma_start3A_39 = arith.constant 0 : i32
    %dma_start3A_40 = tpu.memref_slice %arg2[%dma_start3A_38, %dma_start3A_39] : memref<10240x128xf32, #tpu.memory_space<hbm>> -> memref<10240x128xf32, #tpu.memory_space<hbm>>
    tpu.enqueue_indirect_dma source(%dma_start3A_40 : memref<10240x128xf32, #tpu.memory_space<hbm>>) target(%arg9 : memref<128x128xf32, #tpu.memory_space<vmem>>) offsets(%dma_start3A_37 : memref<128xi32, #tpu.memory_space<vmem>>) semaphore(%arg12 : memref<!tpu.dma_semaphore, #tpu.memory_space<semaphore_mem>>)
    %dma_start3A_41 = arith.constant 1 : i32
    %dma_start3A_42 = arith.constant 0 : i32
    %dma_start3A_43 = tpu.memref_slice %arg7[%dma_start3A_41, %dma_start3A_42] : memref<48x128xi32, #tpu.memory_space<vmem>> -> memref<1x128xi32, #tpu.memory_space<vmem>>
    %dma_start3A_44 = tpu.memref_squeeze %dma_start3A_43 : memref<1x128xi32, #tpu.memory_space<vmem>> -> memref<128xi32, #tpu.memory_space<vmem>>
    %dma_start3A_45 = arith.constant 0 : i32
    %dma_start3A_46 = arith.constant 0 : i32
    %dma_start3A_47 = tpu.memref_slice %arg2[%dma_start3A_45, %dma_start3A_46] : memref<10240x128xf32, #tpu.memory_space<hbm>> -> memref<10240x128xf32, #tpu.memory_space<hbm>>
    tpu.enqueue_indirect_dma source(%dma_start3A_47 : memref<10240x128xf32, #tpu.memory_space<hbm>>) target(%arg10 : memref<128x128xf32, #tpu.memory_space<vmem>>) offsets(%dma_start3A_44 : memref<128xi32, #tpu.memory_space<vmem>>) semaphore(%arg13 : memref<!tpu.dma_semaphore, #tpu.memory_space<semaphore_mem>>)
    %scan3A_48 = arith.constant 0 : i32
    %scan3A_49 = arith.constant 0 : i32
    %scan3A_50 = arith.constant 20 : i32
    %scan3A_51 = arith.addi %scan3A_49, %scan3A_50 : i32
    %scan3A_52 = arith.constant 1 : i32
    scf.for %scan3A_73 = %scan3A_49 to %scan3A_51 step %scan3A_52  : i32 {
      %mul3A_74 = arith.constant 2 : i32
      %mul3A_75 = arith.muli %mul3A_74, %scan3A_73 : i32
      %dma_wait3A_76 = arith.constant 0 : i32
      %dma_wait3A_77 = arith.constant 0 : i32
      %dma_wait3A_78 = tpu.memref_slice %arg7[%dma_wait3A_76, %dma_wait3A_77] : memref<48x128xi32, #tpu.memory_space<vmem>> -> memref<1x128xi32, #tpu.memory_space<vmem>>
      %dma_wait3A_79 = tpu.memref_squeeze %dma_wait3A_78 : memref<1x128xi32, #tpu.memory_space<vmem>> -> memref<128xi32, #tpu.memory_space<vmem>>
      %dma_wait3A_80 = arith.constant 0 : i32
      %dma_wait3A_81 = arith.constant 0 : i32
      %dma_wait3A_82 = tpu.memref_slice %arg2[%dma_wait3A_80, %dma_wait3A_81] : memref<10240x128xf32, #tpu.memory_space<hbm>> -> memref<10240x128xf32, #tpu.memory_space<hbm>>
      tpu.wait_indirect_dma semaphore(%arg12 : memref<!tpu.dma_semaphore, #tpu.memory_space<semaphore_mem>>) src(%dma_wait3A_82 : memref<10240x128xf32, #tpu.memory_space<hbm>>) dst(%arg9 : memref<128x128xf32, #tpu.memory_space<vmem>>)
      "tpu.region"() ({
        %run_scoped3A = tpu.sem_alloc : memref<!tpu.dma_semaphore, #tpu.memory_space<semaphore_mem>>
        %dma_start3A_107 = arith.constant 0 : i32
        %dma_start3A_108 = tpu.memref_slice %arg8[%mul3A_75, %dma_start3A_107] : memref<40x128xi32, #tpu.memory_space<vmem>> -> memref<1x128xi32, #tpu.memory_space<vmem>>
        %dma_start3A_109 = tpu.memref_squeeze %dma_start3A_108 : memref<1x128xi32, #tpu.memory_space<vmem>> -> memref<128xi32, #tpu.memory_space<vmem>>
        %dma_start3A_110 = arith.constant 0 : i32
        %dma_start3A_111 = arith.constant 0 : i32
        %dma_start3A_112 = tpu.memref_slice %arg11[%dma_start3A_110, %dma_start3A_111] : memref<10240x128xf32, #tpu.memory_space<vmem_shared>> -> memref<10240x128xf32, #tpu.memory_space<vmem_shared>>
        tpu.enqueue_indirect_dma source(%arg9 : memref<128x128xf32, #tpu.memory_space<vmem>>) target(%dma_start3A_112 : memref<10240x128xf32, #tpu.memory_space<vmem_shared>>) offsets(%dma_start3A_109 : memref<128xi32, #tpu.memory_space<vmem>>) semaphore(%run_scoped3A : memref<!tpu.dma_semaphore, #tpu.memory_space<semaphore_mem>>) {add = true}
        %dma_wait3A_113 = arith.constant 0 : i32
        %dma_wait3A_114 = tpu.memref_slice %arg8[%mul3A_75, %dma_wait3A_113] : memref<40x128xi32, #tpu.memory_space<vmem>> -> memref<1x128xi32, #tpu.memory_space<vmem>>
        %dma_wait3A_115 = tpu.memref_squeeze %dma_wait3A_114 : memref<1x128xi32, #tpu.memory_space<vmem>> -> memref<128xi32, #tpu.memory_space<vmem>>
        %dma_wait3A_116 = arith.constant 0 : i32
        %dma_wait3A_117 = arith.constant 0 : i32
        %dma_wait3A_118 = tpu.memref_slice %arg11[%dma_wait3A_116, %dma_wait3A_117] : memref<10240x128xf32, #tpu.memory_space<vmem_shared>> -> memref<10240x128xf32, #tpu.memory_space<vmem_shared>>
        tpu.wait_indirect_dma semaphore(%run_scoped3A : memref<!tpu.dma_semaphore, #tpu.memory_space<semaphore_mem>>) src(%arg9 : memref<128x128xf32, #tpu.memory_space<vmem>>) dst(%dma_wait3A_118 : memref<10240x128xf32, #tpu.memory_space<vmem_shared>>)
        tpu.yield
      }) : () -> ()
      %add3A = arith.constant 2 : i32
      %add3A_83 = arith.addi %mul3A_75, %add3A : i32
      %dma_start3A_84 = arith.constant 0 : i32
      %dma_start3A_85 = tpu.memref_slice %arg7[%add3A_83, %dma_start3A_84] : memref<48x128xi32, #tpu.memory_space<vmem>> -> memref<1x128xi32, #tpu.memory_space<vmem>>
      %dma_start3A_86 = tpu.memref_squeeze %dma_start3A_85 : memref<1x128xi32, #tpu.memory_space<vmem>> -> memref<128xi32, #tpu.memory_space<vmem>>
      %dma_start3A_87 = arith.constant 0 : i32
      %dma_start3A_88 = arith.constant 0 : i32
      %dma_start3A_89 = tpu.memref_slice %arg2[%dma_start3A_87, %dma_start3A_88] : memref<10240x128xf32, #tpu.memory_space<hbm>> -> memref<10240x128xf32, #tpu.memory_space<hbm>>
      tpu.enqueue_indirect_dma source(%dma_start3A_89 : memref<10240x128xf32, #tpu.memory_space<hbm>>) target(%arg9 : memref<128x128xf32, #tpu.memory_space<vmem>>) offsets(%dma_start3A_86 : memref<128xi32, #tpu.memory_space<vmem>>) semaphore(%arg12 : memref<!tpu.dma_semaphore, #tpu.memory_space<semaphore_mem>>)
      %dma_wait3A_90 = arith.constant 1 : i32
      %dma_wait3A_91 = arith.constant 0 : i32
      %dma_wait3A_92 = tpu.memref_slice %arg7[%dma_wait3A_90, %dma_wait3A_91] : memref<48x128xi32, #tpu.memory_space<vmem>> -> memref<1x128xi32, #tpu.memory_space<vmem>>
      %dma_wait3A_93 = tpu.memref_squeeze %dma_wait3A_92 : memref<1x128xi32, #tpu.memory_space<vmem>> -> memref<128xi32, #tpu.memory_space<vmem>>
      %dma_wait3A_94 = arith.constant 0 : i32
      %dma_wait3A_95 = arith.constant 0 : i32
      %dma_wait3A_96 = tpu.memref_slice %arg2[%dma_wait3A_94, %dma_wait3A_95] : memref<10240x128xf32, #tpu.memory_space<hbm>> -> memref<10240x128xf32, #tpu.memory_space<hbm>>
      tpu.wait_indirect_dma semaphore(%arg13 : memref<!tpu.dma_semaphore, #tpu.memory_space<semaphore_mem>>) src(%dma_wait3A_96 : memref<10240x128xf32, #tpu.memory_space<hbm>>) dst(%arg10 : memref<128x128xf32, #tpu.memory_space<vmem>>)
      %add3A_97 = arith.constant 1 : i32
      %add3A_98 = arith.addi %mul3A_75, %add3A_97 : i32
      "tpu.region"() ({
        %run_scoped3A = tpu.sem_alloc : memref<!tpu.dma_semaphore, #tpu.memory_space<semaphore_mem>>
        %dma_start3A_107 = arith.constant 0 : i32
        %dma_start3A_108 = tpu.memref_slice %arg8[%add3A_98, %dma_start3A_107] : memref<40x128xi32, #tpu.memory_space<vmem>> -> memref<1x128xi32, #tpu.memory_space<vmem>>
        %dma_start3A_109 = tpu.memref_squeeze %dma_start3A_108 : memref<1x128xi32, #tpu.memory_space<vmem>> -> memref<128xi32, #tpu.memory_space<vmem>>
        %dma_start3A_110 = arith.constant 0 : i32
        %dma_start3A_111 = arith.constant 0 : i32
        %dma_start3A_112 = tpu.memref_slice %arg11[%dma_start3A_110, %dma_start3A_111] : memref<10240x128xf32, #tpu.memory_space<vmem_shared>> -> memref<10240x128xf32, #tpu.memory_space<vmem_shared>>
        tpu.enqueue_indirect_dma source(%arg10 : memref<128x128xf32, #tpu.memory_space<vmem>>) target(%dma_start3A_112 : memref<10240x128xf32, #tpu.memory_space<vmem_shared>>) offsets(%dma_start3A_109 : memref<128xi32, #tpu.memory_space<vmem>>) semaphore(%run_scoped3A : memref<!tpu.dma_semaphore, #tpu.memory_space<semaphore_mem>>) {add = true}
        %dma_wait3A_113 = arith.constant 0 : i32
        %dma_wait3A_114 = tpu.memref_slice %arg8[%add3A_98, %dma_wait3A_113] : memref<40x128xi32, #tpu.memory_space<vmem>> -> memref<1x128xi32, #tpu.memory_space<vmem>>
        %dma_wait3A_115 = tpu.memref_squeeze %dma_wait3A_114 : memref<1x128xi32, #tpu.memory_space<vmem>> -> memref<128xi32, #tpu.memory_space<vmem>>
        %dma_wait3A_116 = arith.constant 0 : i32
        %dma_wait3A_117 = arith.constant 0 : i32
        %dma_wait3A_118 = tpu.memref_slice %arg11[%dma_wait3A_116, %dma_wait3A_117] : memref<10240x128xf32, #tpu.memory_space<vmem_shared>> -> memref<10240x128xf32, #tpu.memory_space<vmem_shared>>
        tpu.wait_indirect_dma semaphore(%run_scoped3A : memref<!tpu.dma_semaphore, #tpu.memory_space<semaphore_mem>>) src(%arg10 : memref<128x128xf32, #tpu.memory_space<vmem>>) dst(%dma_wait3A_118 : memref<10240x128xf32, #tpu.memory_space<vmem_shared>>)
        tpu.yield
      }) : () -> ()
      %add3A_99 = arith.constant 3 : i32
      %add3A_100 = arith.addi %mul3A_75, %add3A_99 : i32
      %dma_start3A_101 = arith.constant 0 : i32
      %dma_start3A_102 = tpu.memref_slice %arg7[%add3A_100, %dma_start3A_101] : memref<48x128xi32, #tpu.memory_space<vmem>> -> memref<1x128xi32, #tpu.memory_space<vmem>>
      %dma_start3A_103 = tpu.memref_squeeze %dma_start3A_102 : memref<1x128xi32, #tpu.memory_space<vmem>> -> memref<128xi32, #tpu.memory_space<vmem>>
      %dma_start3A_104 = arith.constant 0 : i32
      %dma_start3A_105 = arith.constant 0 : i32
      %dma_start3A_106 = tpu.memref_slice %arg2[%dma_start3A_104, %dma_start3A_105] : memref<10240x128xf32, #tpu.memory_space<hbm>> -> memref<10240x128xf32, #tpu.memory_space<hbm>>
      tpu.enqueue_indirect_dma source(%dma_start3A_106 : memref<10240x128xf32, #tpu.memory_space<hbm>>) target(%arg10 : memref<128x128xf32, #tpu.memory_space<vmem>>) offsets(%dma_start3A_103 : memref<128xi32, #tpu.memory_space<vmem>>) semaphore(%arg13 : memref<!tpu.dma_semaphore, #tpu.memory_space<semaphore_mem>>)
    }
    %scan3A_53 = arith.constant 20 : i32
    %dma_wait3A_54 = arith.constant 0 : i32
    %dma_wait3A_55 = arith.constant 0 : i32
    %dma_wait3A_56 = tpu.memref_slice %arg7[%dma_wait3A_54, %dma_wait3A_55] : memref<48x128xi32, #tpu.memory_space<vmem>> -> memref<1x128xi32, #tpu.memory_space<vmem>>
    %dma_wait3A_57 = tpu.memref_squeeze %dma_wait3A_56 : memref<1x128xi32, #tpu.memory_space<vmem>> -> memref<128xi32, #tpu.memory_space<vmem>>
    %dma_wait3A_58 = arith.constant 0 : i32
    %dma_wait3A_59 = arith.constant 0 : i32
    %dma_wait3A_60 = tpu.memref_slice %arg2[%dma_wait3A_58, %dma_wait3A_59] : memref<10240x128xf32, #tpu.memory_space<hbm>> -> memref<10240x128xf32, #tpu.memory_space<hbm>>
    tpu.wait_indirect_dma semaphore(%arg12 : memref<!tpu.dma_semaphore, #tpu.memory_space<semaphore_mem>>) src(%dma_wait3A_60 : memref<10240x128xf32, #tpu.memory_space<hbm>>) dst(%arg9 : memref<128x128xf32, #tpu.memory_space<vmem>>)
    %dma_wait3A_61 = arith.constant 1 : i32
    %dma_wait3A_62 = arith.constant 0 : i32
    %dma_wait3A_63 = tpu.memref_slice %arg7[%dma_wait3A_61, %dma_wait3A_62] : memref<48x128xi32, #tpu.memory_space<vmem>> -> memref<1x128xi32, #tpu.memory_space<vmem>>
    %dma_wait3A_64 = tpu.memref_squeeze %dma_wait3A_63 : memref<1x128xi32, #tpu.memory_space<vmem>> -> memref<128xi32, #tpu.memory_space<vmem>>
    %dma_wait3A_65 = arith.constant 0 : i32
    %dma_wait3A_66 = arith.constant 0 : i32
    %dma_wait3A_67 = tpu.memref_slice %arg2[%dma_wait3A_65, %dma_wait3A_66] : memref<10240x128xf32, #tpu.memory_space<hbm>> -> memref<10240x128xf32, #tpu.memory_space<hbm>>
    tpu.wait_indirect_dma semaphore(%arg13 : memref<!tpu.dma_semaphore, #tpu.memory_space<semaphore_mem>>) src(%dma_wait3A_67 : memref<10240x128xf32, #tpu.memory_space<hbm>>) dst(%arg10 : memref<128x128xf32, #tpu.memory_space<vmem>>)
    %barrier3A_68 = arith.constant 0 : index
    tpu.barrier barrier_id(%barrier3A_68)
    %mul3A_69 = arith.constant 640 : i32
    %mul3A_70 = arith.muli %arg1, %mul3A_69 : i32
    %mul3A_71 = arith.constant 640 : i32
    %mul3A_72 = arith.muli %arg1, %mul3A_71 : i32
    "tpu.region"() ({
      %run_scoped3A = tpu.sem_alloc : memref<!tpu.dma_semaphore, #tpu.memory_space<semaphore_mem>>
      %dma_start3A_73 = arith.constant 0 : i32
      %dma_start3A_74 = tpu.memref_slice %arg6[%arg0, %mul3A_72, %dma_start3A_73] : memref<2x10240x128xf32, #tpu.memory_space<hbm>> -> memref<1x640x128xf32, #tpu.memory_space<hbm>>
      %dma_start3A_75 = tpu.memref_squeeze %dma_start3A_74 : memref<1x640x128xf32, #tpu.memory_space<hbm>> -> memref<640x128xf32, #tpu.memory_space<hbm>>
      %dma_start3A_76 = arith.constant 0 : i32
      %dma_start3A_77 = tpu.memref_slice %arg11[%mul3A_70, %dma_start3A_76] : memref<10240x128xf32, #tpu.memory_space<vmem_shared>> -> memref<640x128xf32, #tpu.memory_space<vmem_shared>>
      tpu.enqueue_dma source(%dma_start3A_77 : memref<640x128xf32, #tpu.memory_space<vmem_shared>>) target(%dma_start3A_75 : memref<640x128xf32, #tpu.memory_space<hbm>>) target_semaphore(%run_scoped3A : memref<!tpu.dma_semaphore, #tpu.memory_space<semaphore_mem>>)
      %dma_wait3A_78 = arith.constant 0 : i32
      %dma_wait3A_79 = tpu.memref_slice %arg6[%arg0, %mul3A_72, %dma_wait3A_78] : memref<2x10240x128xf32, #tpu.memory_space<hbm>> -> memref<1x640x128xf32, #tpu.memory_space<hbm>>
      %dma_wait3A_80 = tpu.memref_squeeze %dma_wait3A_79 : memref<1x640x128xf32, #tpu.memory_space<hbm>> -> memref<640x128xf32, #tpu.memory_space<hbm>>
      %dma_wait3A_81 = arith.constant 0 : i32
      %dma_wait3A_82 = tpu.memref_slice %arg11[%mul3A_70, %dma_wait3A_81] : memref<10240x128xf32, #tpu.memory_space<vmem_shared>> -> memref<640x128xf32, #tpu.memory_space<vmem_shared>>
      tpu.wait_dma2 semaphore(%run_scoped3A : memref<!tpu.dma_semaphore, #tpu.memory_space<semaphore_mem>>) src(%dma_wait3A_82 : memref<640x128xf32, #tpu.memory_space<vmem_shared>>) dst(%dma_wait3A_80 : memref<640x128xf32, #tpu.memory_space<hbm>>)
      tpu.yield
    }) : () -> ()
    return
  }
}

module attributes {stable_mosaic.version = 14 : i64} {
  func.func @_tc_b_body(%arg0: i32, %arg1: memref<2x5120x128xf32, #tpu.memory_space<vmem>>, %arg2: memref<5120x128xf32, #tpu.memory_space<vmem>>, %arg3: memref<5120x1xf32, #tpu.memory_space<vmem>>, %arg4: memref<1x128xf32, #tpu.memory_space<vmem>>, %arg5: memref<128x128xf32, #tpu.memory_space<vmem>>, %arg6: memref<5120x128xf32, #tpu.memory_space<vmem>>) attributes {dimension_semantics = [#tpu.dimension_semantics<arbitrary>], iteration_bounds = array<i64: 2>, scalar_prefetch = 0 : i64, scratch_operands = 0 : i64, tpu.core_type = #tpu.core_type<tc>, window_params = [{transform_indices = @transform_0, window_bounds = array<i64: 2, 5120, 128>}, {transform_indices = @transform_1, window_bounds = array<i64: 5120, 128>}, {transform_indices = @transform_2, window_bounds = array<i64: 5120, 1>}, {pipeline_mode = #tpu.pipeline_mode<synchronous>, transform_indices = @transform_3, window_bounds = array<i64: 1, 128>}, {pipeline_mode = #tpu.pipeline_mode<synchronous>, transform_indices = @transform_4, window_bounds = array<i64: 128, 128>}, {transform_indices = @transform_5, window_bounds = array<i64: 5120, 128>}]} {
    %get3A = arith.constant 0 : index
    %get3A_0 = arith.constant 0 : index
    %get3A_1 = vector.load %arg3[%get3A, %get3A_0] : memref<5120x1xf32, #tpu.memory_space<vmem>>, vector<5120x1xf32>
    %get3A_2 = arith.constant 0 : index
    %get3A_3 = arith.constant 0 : index
    %get3A_4 = arith.constant 0 : index
    %get3A_5 = vector.load %arg1[%get3A_2, %get3A_3, %get3A_4] : memref<2x5120x128xf32, #tpu.memory_space<vmem>>, vector<1x5120x128xf32>
    %get3A_6 = vector.shape_cast %get3A_5 : vector<1x5120x128xf32> to vector<5120x128xf32>
    %get3A_7 = arith.constant 1 : index
    %get3A_8 = arith.constant 0 : index
    %get3A_9 = arith.constant 0 : index
    %get3A_10 = vector.load %arg1[%get3A_7, %get3A_8, %get3A_9] : memref<2x5120x128xf32, #tpu.memory_space<vmem>>, vector<1x5120x128xf32>
    %get3A_11 = vector.shape_cast %get3A_10 : vector<1x5120x128xf32> to vector<5120x128xf32>
    %add3A = arith.addf %get3A_6, %get3A_11 : vector<5120x128xf32>
    %get3A_12 = arith.constant 0 : index
    %get3A_13 = arith.constant 0 : index
    %get3A_14 = vector.load %arg2[%get3A_12, %get3A_13] : memref<5120x128xf32, #tpu.memory_space<vmem>>, vector<5120x128xf32>
    %add3A_15 = arith.addf %add3A, %get3A_14 : vector<5120x128xf32>
    %mul3A = vector.broadcast %get3A_1 : vector<5120x1xf32> to vector<5120x128xf32>
    %mul3A_16 = arith.mulf %mul3A, %add3A_15 : vector<5120x128xf32>
    %get3A_17 = arith.constant 0 : index
    %get3A_18 = arith.constant 0 : index
    %get3A_19 = vector.load %arg4[%get3A_17, %get3A_18] : memref<1x128xf32, #tpu.memory_space<vmem>>, vector<1x128xf32>
    %add3A_20 = vector.broadcast %get3A_19 : vector<1x128xf32> to vector<5120x128xf32>
    %add3A_21 = arith.addf %mul3A_16, %add3A_20 : vector<5120x128xf32>
    %max3A = arith.constant 0.000000e+00 : f32
    %max3A_22 = vector.broadcast %max3A : f32 to vector<5120x128xf32>
    %max3A_23 = arith.maximumf %add3A_21, %max3A_22 : vector<5120x128xf32>
    %get3A_24 = arith.constant 0 : index
    %get3A_25 = arith.constant 0 : index
    %get3A_26 = vector.load %arg5[%get3A_24, %get3A_25] : memref<128x128xf32, #tpu.memory_space<vmem>>, vector<128x128xf32>
    %dot_general3A = arith.constant dense<0.000000e+00> : vector<5120x128xf32>
    %dot_general3A_27 = tpu.matmul %max3A_23, %get3A_26, %dot_general3A {dimension_numbers = #tpu.dot_dimension_numbers<[1], [0], [0], [1], [0, 0, 1, 1], [], []>, transpose_lhs_hint = false} : vector<5120x128xf32>, vector<128x128xf32>, vector<5120x128xf32> -> vector<5120x128xf32>
    %mul3A_28 = vector.broadcast %get3A_1 : vector<5120x1xf32> to vector<5120x128xf32>
    %mul3A_29 = arith.mulf %dot_general3A_27, %mul3A_28 : vector<5120x128xf32>
    %swap3A = arith.constant 0 : index
    %swap3A_30 = arith.constant 0 : index
    %swap3A_31 = vector.load %arg6[%swap3A, %swap3A_30] : memref<5120x128xf32, #tpu.memory_space<vmem>>, vector<5120x128xf32>
    tpu.vector_store %arg6[%swap3A, %swap3A_30], %mul3A_29 {strides = array<i32>} : memref<5120x128xf32, #tpu.memory_space<vmem>>, vector<5120x128xf32>,
    return
  }
  func.func @transform_0(%arg0: i32) -> (i32, i32, i32) {
    %c0_i32 = arith.constant 0 : i32
    %c0_i32_0 = arith.constant 0 : i32
    %c0_i32_1 = arith.constant 0 : i32
    return %c0_i32, %arg0, %c0_i32_0 : i32, i32, i32
  }
  func.func @transform_1(%arg0: i32) -> (i32, i32) {
    %c0_i32 = arith.constant 0 : i32
    %c0_i32_0 = arith.constant 0 : i32
    return %arg0, %c0_i32 : i32, i32
  }
  func.func @transform_2(%arg0: i32) -> (i32, i32) {
    %c0_i32 = arith.constant 0 : i32
    %c0_i32_0 = arith.constant 0 : i32
    return %arg0, %c0_i32 : i32, i32
  }
  func.func @transform_3(%arg0: i32) -> (i32, i32) {
    %c0_i32 = arith.constant 0 : i32
    %c0_i32_0 = arith.constant 0 : i32
    %c0_i32_1 = arith.constant 0 : i32
    return %c0_i32, %c0_i32_0 : i32, i32
  }
  func.func @transform_4(%arg0: i32) -> (i32, i32) {
    %c0_i32 = arith.constant 0 : i32
    %c0_i32_0 = arith.constant 0 : i32
    %c0_i32_1 = arith.constant 0 : i32
    return %c0_i32, %c0_i32_0 : i32, i32
  }
  func.func @transform_5(%arg0: i32) -> (i32, i32) {
    %c0_i32 = arith.constant 0 : i32
    %c0_i32_0 = arith.constant 0 : i32
    return %arg0, %c0_i32 : i32, i32
  }
}

module attributes {stable_mosaic.version = 14 : i64} {
  func.func @_tc_a_body(%arg0: i32, %arg1: memref<2x5120xf32, #tpu.memory_space<vmem>>, %arg2: memref<5120x128xf32, #tpu.memory_space<vmem>>, %arg3: memref<128x128xf32, #tpu.memory_space<vmem>>, %arg4: memref<5120x128xf32, #tpu.memory_space<vmem>>, %arg5: memref<5120x1xf32, #tpu.memory_space<vmem>>, %arg6: memref<5120x1xf32, #tpu.memory_space<vmem>>) attributes {dimension_semantics = [#tpu.dimension_semantics<arbitrary>], iteration_bounds = array<i64: 2>, scalar_prefetch = 0 : i64, scratch_operands = 0 : i64, tpu.core_type = #tpu.core_type<tc>, window_params = [{transform_indices = @transform_0, window_bounds = array<i64: 2, 5120>}, {transform_indices = @transform_1, window_bounds = array<i64: 5120, 128>}, {pipeline_mode = #tpu.pipeline_mode<synchronous>, transform_indices = @transform_2, window_bounds = array<i64: 128, 128>}, {transform_indices = @transform_3, window_bounds = array<i64: 5120, 128>}, {transform_indices = @transform_4, window_bounds = array<i64: 5120, 1>}, {transform_indices = @transform_5, window_bounds = array<i64: 5120, 1>}]} {
    %get3A = arith.constant 0 : index
    %get3A_0 = arith.constant 0 : index
    %get3A_1 = vector.load %arg1[%get3A, %get3A_0] : memref<2x5120xf32, #tpu.memory_space<vmem>>, vector<1x5120xf32>
    %get3A_2 = vector.shape_cast %get3A_1 : vector<1x5120xf32> to vector<5120xf32>
    %get3A_3 = arith.constant 1 : index
    %get3A_4 = arith.constant 0 : index
    %get3A_5 = vector.load %arg1[%get3A_3, %get3A_4] : memref<2x5120xf32, #tpu.memory_space<vmem>>, vector<1x5120xf32>
    %get3A_6 = vector.shape_cast %get3A_5 : vector<1x5120xf32> to vector<5120xf32>
    %add3A = arith.addf %get3A_2, %get3A_6 : vector<5120xf32>
    %add3A_7 = arith.constant 1.000000e+00 : f32
    %add3A_8 = vector.broadcast %add3A_7 : f32 to vector<5120xf32>
    %add3A_9 = arith.addf %add3A, %add3A_8 : vector<5120xf32>
    %rsqrt3A = math.rsqrt %add3A_9 : vector<5120xf32>
    %get3A_10 = arith.constant 0 : index
    %get3A_11 = arith.constant 0 : index
    %get3A_12 = vector.load %arg2[%get3A_10, %get3A_11] : memref<5120x128xf32, #tpu.memory_space<vmem>>, vector<5120x128xf32>
    %get3A_13 = arith.constant 0 : index
    %get3A_14 = arith.constant 0 : index
    %get3A_15 = vector.load %arg3[%get3A_13, %get3A_14] : memref<128x128xf32, #tpu.memory_space<vmem>>, vector<128x128xf32>
    %dot_general3A = arith.constant dense<0.000000e+00> : vector<5120x128xf32>
    %dot_general3A_16 = tpu.matmul %get3A_12, %get3A_15, %dot_general3A {dimension_numbers = #tpu.dot_dimension_numbers<[1], [0], [0], [1], [0, 0, 1, 1], [], []>, transpose_lhs_hint = false} : vector<5120x128xf32>, vector<128x128xf32>, vector<5120x128xf32> -> vector<5120x128xf32>
    %broadcast_in_dim3A = vector.shape_cast %rsqrt3A : vector<5120xf32> to vector<5120x1xf32>
    %mul3A = vector.broadcast %broadcast_in_dim3A : vector<5120x1xf32> to vector<5120x128xf32>
    %mul3A_17 = arith.mulf %dot_general3A_16, %mul3A : vector<5120x128xf32>
    %swap3A = arith.constant 0 : index
    %swap3A_18 = arith.constant 0 : index
    %swap3A_19 = vector.load %arg4[%swap3A, %swap3A_18] : memref<5120x128xf32, #tpu.memory_space<vmem>>, vector<5120x128xf32>
    tpu.vector_store %arg4[%swap3A, %swap3A_18], %mul3A_17 {strides = array<i32>} : memref<5120x128xf32, #tpu.memory_space<vmem>>, vector<5120x128xf32>,
    %broadcast_in_dim3A_20 = vector.shape_cast %rsqrt3A : vector<5120xf32> to vector<5120x1xf32>
    %swap3A_21 = arith.constant 0 : index
    %swap3A_22 = arith.constant 0 : index
    %swap3A_23 = vector.load %arg5[%swap3A_21, %swap3A_22] : memref<5120x1xf32, #tpu.memory_space<vmem>>, vector<5120x1xf32>
    tpu.vector_store %arg5[%swap3A_21, %swap3A_22], %broadcast_in_dim3A_20 {strides = array<i32>} : memref<5120x1xf32, #tpu.memory_space<vmem>>, vector<5120x1xf32>,
    %broadcast_in_dim3A_24 = vector.shape_cast %add3A : vector<5120xf32> to vector<5120x1xf32>
    %swap3A_25 = arith.constant 0 : index
    %swap3A_26 = arith.constant 0 : index
    %swap3A_27 = vector.load %arg6[%swap3A_25, %swap3A_26] : memref<5120x1xf32, #tpu.memory_space<vmem>>, vector<5120x1xf32>
    tpu.vector_store %arg6[%swap3A_25, %swap3A_26], %broadcast_in_dim3A_24 {strides = array<i32>} : memref<5120x1xf32, #tpu.memory_space<vmem>>, vector<5120x1xf32>,
    return
  }
  func.func @transform_0(%arg0: i32) -> (i32, i32) {
    %c0_i32 = arith.constant 0 : i32
    %c0_i32_0 = arith.constant 0 : i32
    return %c0_i32, %arg0 : i32, i32
  }
  func.func @transform_1(%arg0: i32) -> (i32, i32) {
    %c0_i32 = arith.constant 0 : i32
    %c0_i32_0 = arith.constant 0 : i32
    return %arg0, %c0_i32 : i32, i32
  }
  func.func @transform_2(%arg0: i32) -> (i32, i32) {
    %c0_i32 = arith.constant 0 : i32
    %c0_i32_0 = arith.constant 0 : i32
    %c0_i32_1 = arith.constant 0 : i32
    return %c0_i32, %c0_i32_0 : i32, i32
  }
  func.func @transform_3(%arg0: i32) -> (i32, i32) {
    %c0_i32 = arith.constant 0 : i32
    %c0_i32_0 = arith.constant 0 : i32
    return %arg0, %c0_i32 : i32, i32
  }
  func.func @transform_4(%arg0: i32) -> (i32, i32) {
    %c0_i32 = arith.constant 0 : i32
    %c0_i32_0 = arith.constant 0 : i32
    return %arg0, %c0_i32 : i32, i32
  }
  func.func @transform_5(%arg0: i32) -> (i32, i32) {
    %c0_i32 = arith.constant 0 : i32
    %c0_i32_0 = arith.constant 0 : i32
    return %arg0, %c0_i32 : i32, i32
  }
}

module attributes {stable_mosaic.version = 14 : i64} {
  func.func @_tc_c_body(%arg0: i32, %arg1: memref<2x5120x128xf32, #tpu.memory_space<vmem>>, %arg2: memref<5120x128xf32, #tpu.memory_space<vmem>>, %arg3: memref<5120x1xf32, #tpu.memory_space<vmem>>, %arg4: memref<5120x1xf32, #tpu.memory_space<vmem>>, %arg5: memref<1x128xf32, #tpu.memory_space<vmem>>, %arg6: memref<128x8xf32, #tpu.memory_space<vmem>>, %arg7: memref<16x8xf32, #tpu.memory_space<vmem>>, %arg8: memref<16x16x128xf32, #tpu.memory_space<vmem>>, %arg9: memref<16x16x16xf32, #tpu.memory_space<vmem>>, %arg10: memref<1x1xf32, #tpu.memory_space<vmem>>, %arg11: memref<5120x16xf32, #tpu.memory_space<vmem>>) attributes {dimension_semantics = [#tpu.dimension_semantics<arbitrary>], iteration_bounds = array<i64: 2>, scalar_prefetch = 0 : i64, scratch_operands = 0 : i64, tpu.core_type = #tpu.core_type<tc>, window_params = [{transform_indices = @transform_0, window_bounds = array<i64: 2, 5120, 128>}, {transform_indices = @transform_1, window_bounds = array<i64: 5120, 128>}, {transform_indices = @transform_2, window_bounds = array<i64: 5120, 1>}, {transform_indices = @transform_3, window_bounds = array<i64: 5120, 1>}, {pipeline_mode = #tpu.pipeline_mode<synchronous>, transform_indices = @transform_4, window_bounds = array<i64: 1, 128>}, {pipeline_mode = #tpu.pipeline_mode<synchronous>, transform_indices = @transform_5, window_bounds = array<i64: 128, 8>}, {pipeline_mode = #tpu.pipeline_mode<synchronous>, transform_indices = @transform_6, window_bounds = array<i64: 16, 8>}, {pipeline_mode = #tpu.pipeline_mode<synchronous>, transform_indices = @transform_7, window_bounds = array<i64: 16, 16, 128>}, {pipeline_mode = #tpu.pipeline_mode<synchronous>, transform_indices = @transform_8, window_bounds = array<i64: 16, 16, 16>}, {pipeline_mode = #tpu.pipeline_mode<synchronous>, transform_indices = @transform_9, window_bounds = array<i64: 1, 1>}, {transform_indices = @transform_10, window_bounds = array<i64: 5120, 16>}]} {
    %get3A = arith.constant 0 : index
    %get3A_0 = arith.constant 0 : index
    %get3A_1 = vector.load %arg3[%get3A, %get3A_0] : memref<5120x1xf32, #tpu.memory_space<vmem>>, vector<5120x1xf32>
    %get3A_2 = arith.constant 0 : index
    %get3A_3 = arith.constant 0 : index
    %get3A_4 = arith.constant 0 : index
    %get3A_5 = vector.load %arg1[%get3A_2, %get3A_3, %get3A_4] : memref<2x5120x128xf32, #tpu.memory_space<vmem>>, vector<1x5120x128xf32>
    %get3A_6 = vector.shape_cast %get3A_5 : vector<1x5120x128xf32> to vector<5120x128xf32>
    %get3A_7 = arith.constant 1 : index
    %get3A_8 = arith.constant 0 : index
    %get3A_9 = arith.constant 0 : index
    %get3A_10 = vector.load %arg1[%get3A_7, %get3A_8, %get3A_9] : memref<2x5120x128xf32, #tpu.memory_space<vmem>>, vector<1x5120x128xf32>
    %get3A_11 = vector.shape_cast %get3A_10 : vector<1x5120x128xf32> to vector<5120x128xf32>
    %add3A = arith.addf %get3A_6, %get3A_11 : vector<5120x128xf32>
    %get3A_12 = arith.constant 0 : index
    %get3A_13 = arith.constant 0 : index
    %get3A_14 = vector.load %arg2[%get3A_12, %get3A_13] : memref<5120x128xf32, #tpu.memory_space<vmem>>, vector<5120x128xf32>
    %add3A_15 = arith.addf %add3A, %get3A_14 : vector<5120x128xf32>
    %mul3A = vector.broadcast %get3A_1 : vector<5120x1xf32> to vector<5120x128xf32>
    %mul3A_16 = arith.mulf %mul3A, %add3A_15 : vector<5120x128xf32>
    %get3A_17 = arith.constant 0 : index
    %get3A_18 = arith.constant 0 : index
    %get3A_19 = vector.load %arg5[%get3A_17, %get3A_18] : memref<1x128xf32, #tpu.memory_space<vmem>>, vector<1x128xf32>
    %add3A_20 = vector.broadcast %get3A_19 : vector<1x128xf32> to vector<5120x128xf32>
    %add3A_21 = arith.addf %mul3A_16, %add3A_20 : vector<5120x128xf32>
    %max3A = arith.constant 0.000000e+00 : f32
    %max3A_22 = vector.broadcast %max3A : f32 to vector<5120x128xf32>
    %max3A_23 = arith.maximumf %add3A_21, %max3A_22 : vector<5120x128xf32>
    %get3A_24 = arith.constant 0 : index
    %get3A_25 = arith.constant 0 : index
    %get3A_26 = arith.constant 0 : index
    %get3A_27 = vector.load %arg8[%get3A_24, %get3A_25, %get3A_26] : memref<16x16x128xf32, #tpu.memory_space<vmem>>, vector<16x16x128xf32>
    %get3A_28 = arith.constant 0 : index
    %get3A_29 = arith.constant 0 : index
    %get3A_30 = arith.constant 0 : index
    %get3A_31 = vector.load %arg9[%get3A_28, %get3A_29, %get3A_30] : memref<16x16x16xf32, #tpu.memory_space<vmem>>, vector<16x16x16xf32>
    %mul3A_32 = arith.mulf %get3A_27, %get3A_27 : vector<16x16x128xf32>
    %reduce_sum3A = arith.constant dense<0.000000e+00> : vector<16x16xf32>
    %reduce_sum3A_33 = vector.multi_reduction <add>, %mul3A_32, %reduce_sum3A [2] : vector<16x16x128xf32> to vector<16x16xf32>
    %reduce_sum3A_34 = arith.constant dense<0.000000e+00> : vector<16xf32>
    %reduce_sum3A_35 = vector.multi_reduction <add>, %reduce_sum3A_33, %reduce_sum3A_34 [1] : vector<16x16xf32> to vector<16xf32>
    %div3A = arith.constant 1.600000e+01 : f32
    %div3A_36 = vector.broadcast %div3A : f32 to vector<16xf32>
    %div3A_37 = arith.divf %reduce_sum3A_35, %div3A_36 : vector<16xf32>
    %reduce_sum3A_38 = arith.constant dense<0.000000e+00> : vector<16x128xf32>
    %reduce_sum3A_39 = vector.multi_reduction <add>, %get3A_27, %reduce_sum3A_38 [1] : vector<16x16x128xf32> to vector<16x128xf32>
    %div3A_40 = arith.constant 1.600000e+01 : f32
    %div3A_41 = vector.broadcast %div3A_40 : f32 to vector<16x128xf32>
    %div3A_42 = arith.divf %reduce_sum3A_39, %div3A_41 : vector<16x128xf32>
    %reduce_sum3A_43 = arith.constant dense<0.000000e+00> : vector<16x16xf32>
    %reduce_sum3A_44 = vector.multi_reduction <add>, %get3A_31, %reduce_sum3A_43 [2] : vector<16x16x16xf32> to vector<16x16xf32>
    %reduce_sum3A_45 = arith.constant dense<0.000000e+00> : vector<16xf32>
    %reduce_sum3A_46 = vector.multi_reduction <add>, %reduce_sum3A_44, %reduce_sum3A_45 [1] : vector<16x16xf32> to vector<16xf32>
    %div3A_47 = arith.constant 1.600000e+01 : f32
    %div3A_48 = vector.broadcast %div3A_47 : f32 to vector<16xf32>
    %div3A_49 = arith.divf %reduce_sum3A_46, %div3A_48 : vector<16xf32>
    %get3A_50 = arith.constant 0 : index
    %get3A_51 = arith.constant 0 : index
    %get3A_52 = vector.load %arg10[%get3A_50, %get3A_51] : memref<1x1xf32, #tpu.memory_space<vmem>>, vector<1x1xf32>
    %get3A_53 = vector.extract %get3A_52[0, 0] : f32 from vector<1x1xf32>
    %neg3A = arith.constant 0.000000e+00 : f32
    %neg3A_54 = arith.subf %neg3A, %get3A_53 : f32
    %exp3A = math.exp %neg3A_54 : f32
    %add3A_55 = arith.constant 1.000000e+00 : f32
    %add3A_56 = arith.addf %add3A_55, %exp3A : f32
    %div3A_57 = arith.constant 1.000000e+00 : f32
    %div3A_58 = arith.divf %div3A_57, %add3A_56 : f32
    %mul3A_59 = arith.mulf %max3A_23, %max3A_23 : vector<5120x128xf32>
    %reduce_sum3A_60 = arith.constant dense<0.000000e+00> : vector<5120xf32>
    %reduce_sum3A_61 = vector.multi_reduction <add>, %mul3A_59, %reduce_sum3A_60 [1] : vector<5120x128xf32> to vector<5120xf32>
    %dot_general3A = arith.constant dense<0.000000e+00> : vector<5120x16xf32>
    %dot_general3A_62 = tpu.matmul %max3A_23, %div3A_42, %dot_general3A {dimension_numbers = #tpu.dot_dimension_numbers<[1], [1], [0], [0], [0, 0, 1, 0], [], []>, transpose_lhs_hint = false} : vector<5120x128xf32>, vector<16x128xf32>, vector<5120x16xf32> -> vector<5120x16xf32>
    %broadcast_in_dim3A = vector.shape_cast %reduce_sum3A_61 : vector<5120xf32> to vector<5120x1xf32>
    %broadcast_in_dim3A_63 = vector.shape_cast %div3A_37 : vector<16xf32> to vector<1x16xf32>
    %add3A_64 = vector.broadcast %broadcast_in_dim3A : vector<5120x1xf32> to vector<5120x16xf32>
    %add3A_65 = vector.broadcast %broadcast_in_dim3A_63 : vector<1x16xf32> to vector<5120x16xf32>
    %add3A_66 = arith.addf %add3A_64, %add3A_65 : vector<5120x16xf32>
    %mul3A_67 = arith.constant 2.000000e+00 : f32
    %mul3A_68 = vector.broadcast %mul3A_67 : f32 to vector<5120x16xf32>
    %mul3A_69 = arith.mulf %mul3A_68, %dot_general3A_62 : vector<5120x16xf32>
    %sub3A = arith.subf %add3A_66, %mul3A_69 : vector<5120x16xf32>
    %get3A_70 = arith.constant 0 : index
    %get3A_71 = arith.constant 0 : index
    %get3A_72 = vector.load %arg4[%get3A_70, %get3A_71] : memref<5120x1xf32, #tpu.memory_space<vmem>>, vector<5120x1xf32>
    %broadcast_in_dim3A_73 = vector.shape_cast %div3A_49 : vector<16xf32> to vector<1x16xf32>
    %sub3A_74 = vector.broadcast %get3A_72 : vector<5120x1xf32> to vector<5120x16xf32>
    %sub3A_75 = vector.broadcast %broadcast_in_dim3A_73 : vector<1x16xf32> to vector<5120x16xf32>
    %sub3A_76 = arith.subf %sub3A_74, %sub3A_75 : vector<5120x16xf32>
    %integer_pow3A = arith.mulf %sub3A_76, %sub3A_76 : vector<5120x16xf32>
    %mul3A_77 = vector.broadcast %div3A_58 : f32 to vector<5120x16xf32>
    %mul3A_78 = arith.mulf %mul3A_77, %sub3A : vector<5120x16xf32>
    %sub3A_79 = arith.constant 1.000000e+00 : f32
    %sub3A_80 = arith.subf %sub3A_79, %div3A_58 : f32
    %mul3A_81 = vector.broadcast %sub3A_80 : f32 to vector<5120x16xf32>
    %mul3A_82 = arith.mulf %mul3A_81, %integer_pow3A : vector<5120x16xf32>
    %add3A_83 = arith.addf %mul3A_78, %mul3A_82 : vector<5120x16xf32>
    %get3A_84 = arith.constant 0 : index
    %get3A_85 = arith.constant 0 : index
    %get3A_86 = vector.load %arg6[%get3A_84, %get3A_85] : memref<128x8xf32, #tpu.memory_space<vmem>>, vector<128x8xf32>
    %dot_general3A_87 = arith.constant dense<0.000000e+00> : vector<5120x8xf32>
    %dot_general3A_88 = tpu.matmul %max3A_23, %get3A_86, %dot_general3A_87 {dimension_numbers = #tpu.dot_dimension_numbers<[1], [0], [0], [1], [0, 0, 1, 1], [], []>, transpose_lhs_hint = false} : vector<5120x128xf32>, vector<128x8xf32>, vector<5120x8xf32> -> vector<5120x8xf32>
    %get3A_89 = arith.constant 0 : index
    %get3A_90 = arith.constant 0 : index
    %get3A_91 = vector.load %arg7[%get3A_89, %get3A_90] : memref<16x8xf32, #tpu.memory_space<vmem>>, vector<16x8xf32>
    %dot_general3A_92 = arith.constant dense<0.000000e+00> : vector<5120x8xf32>
    %dot_general3A_93 = tpu.matmul %add3A_83, %get3A_91, %dot_general3A_92 {dimension_numbers = #tpu.dot_dimension_numbers<[1], [0], [0], [1], [0, 0, 1, 1], [], []>, transpose_lhs_hint = false} : vector<5120x16xf32>, vector<16x8xf32>, vector<5120x8xf32> -> vector<5120x8xf32>
    %add3A_94 = arith.addf %dot_general3A_88, %dot_general3A_93 : vector<5120x8xf32>
    %broadcast_in_dim3A_95 = arith.constant 0.000000e+00 : f32
    %broadcast_in_dim3A_96 = vector.broadcast %broadcast_in_dim3A_95 : f32 to vector<5120x8xf32>
    %concatenate3A = tpu.concatenate %add3A_94, %broadcast_in_dim3A_96 in 1 : vector<5120x8xf32>, vector<5120x8xf32> -> vector<5120x16xf32>
    %mul3A_97 = vector.broadcast %get3A_1 : vector<5120x1xf32> to vector<5120x16xf32>
    %mul3A_98 = arith.mulf %concatenate3A, %mul3A_97 : vector<5120x16xf32>
    %swap3A = arith.constant 0 : index
    %swap3A_99 = arith.constant 0 : index
    %swap3A_100 = vector.load %arg11[%swap3A, %swap3A_99] : memref<5120x16xf32, #tpu.memory_space<vmem>>, vector<5120x16xf32>
    tpu.vector_store %arg11[%swap3A, %swap3A_99], %mul3A_98 {strides = array<i32>} : memref<5120x16xf32, #tpu.memory_space<vmem>>, vector<5120x16xf32>,
    return
  }
  func.func @transform_0(%arg0: i32) -> (i32, i32, i32) {
    %c0_i32 = arith.constant 0 : i32
    %c0_i32_0 = arith.constant 0 : i32
    %c0_i32_1 = arith.constant 0 : i32
    return %c0_i32, %arg0, %c0_i32_0 : i32, i32, i32
  }
  func.func @transform_1(%arg0: i32) -> (i32, i32) {
    %c0_i32 = arith.constant 0 : i32
    %c0_i32_0 = arith.constant 0 : i32
    return %arg0, %c0_i32 : i32, i32
  }
  func.func @transform_2(%arg0: i32) -> (i32, i32) {
    %c0_i32 = arith.constant 0 : i32
    %c0_i32_0 = arith.constant 0 : i32
    return %arg0, %c0_i32 : i32, i32
  }
  func.func @transform_3(%arg0: i32) -> (i32, i32) {
    %c0_i32 = arith.constant 0 : i32
    %c0_i32_0 = arith.constant 0 : i32
    return %arg0, %c0_i32 : i32, i32
  }
  func.func @transform_4(%arg0: i32) -> (i32, i32) {
    %c0_i32 = arith.constant 0 : i32
    %c0_i32_0 = arith.constant 0 : i32
    %c0_i32_1 = arith.constant 0 : i32
    return %c0_i32, %c0_i32_0 : i32, i32
  }
  func.func @transform_5(%arg0: i32) -> (i32, i32) {
    %c0_i32 = arith.constant 0 : i32
    %c0_i32_0 = arith.constant 0 : i32
    %c0_i32_1 = arith.constant 0 : i32
    return %c0_i32, %c0_i32_0 : i32, i32
  }
  func.func @transform_6(%arg0: i32) -> (i32, i32) {
    %c0_i32 = arith.constant 0 : i32
    %c0_i32_0 = arith.constant 0 : i32
    %c0_i32_1 = arith.constant 0 : i32
    return %c0_i32, %c0_i32_0 : i32, i32
  }
  func.func @transform_7(%arg0: i32) -> (i32, i32, i32) {
    %c0_i32 = arith.constant 0 : i32
    %c0_i32_0 = arith.constant 0 : i32
    %c0_i32_1 = arith.constant 0 : i32
    %c0_i32_2 = arith.constant 0 : i32
    return %c0_i32, %c0_i32_0, %c0_i32_1 : i32, i32, i32
  }
  func.func @transform_8(%arg0: i32) -> (i32, i32, i32) {
    %c0_i32 = arith.constant 0 : i32
    %c0_i32_0 = arith.constant 0 : i32
    %c0_i32_1 = arith.constant 0 : i32
    %c0_i32_2 = arith.constant 0 : i32
    return %c0_i32, %c0_i32_0, %c0_i32_1 : i32, i32, i32
  }
  func.func @transform_9(%arg0: i32) -> (i32, i32) {
    %c0_i32 = arith.constant 0 : i32
    %c0_i32_0 = arith.constant 0 : i32
    %c0_i32_1 = arith.constant 0 : i32
    return %c0_i32, %c0_i32_0 : i32, i32
  }
  func.func @transform_10(%arg0: i32) -> (i32, i32) {
    %c0_i32 = arith.constant 0 : i32
    %c0_i32_0 = arith.constant 0 : i32
    return %arg0, %c0_i32 : i32, i32
  }
}

module attributes {stable_mosaic.version = 14 : i64} {
  func.func @_tc_d_body(%arg0: i32, %arg1: memref<2x5120x16xf32, #tpu.memory_space<vmem>>, %arg2: memref<5120x16xf32, #tpu.memory_space<vmem>>, %arg3: memref<5120x1xf32, #tpu.memory_space<vmem>>, %arg4: memref<1x16xf32, #tpu.memory_space<vmem>>, %arg5: memref<5120x16xf32, #tpu.memory_space<vmem>>) attributes {dimension_semantics = [#tpu.dimension_semantics<arbitrary>], iteration_bounds = array<i64: 2>, scalar_prefetch = 0 : i64, scratch_operands = 0 : i64, tpu.core_type = #tpu.core_type<tc>, window_params = [{transform_indices = @transform_0, window_bounds = array<i64: 2, 5120, 16>}, {transform_indices = @transform_1, window_bounds = array<i64: 5120, 16>}, {transform_indices = @transform_2, window_bounds = array<i64: 5120, 1>}, {pipeline_mode = #tpu.pipeline_mode<synchronous>, transform_indices = @transform_3, window_bounds = array<i64: 1, 16>}, {transform_indices = @transform_4, window_bounds = array<i64: 5120, 16>}]} {
    %get3A = arith.constant 0 : index
    %get3A_0 = arith.constant 0 : index
    %get3A_1 = arith.constant 0 : index
    %get3A_2 = vector.load %arg1[%get3A, %get3A_0, %get3A_1] : memref<2x5120x16xf32, #tpu.memory_space<vmem>>, vector<1x5120x16xf32>
    %get3A_3 = vector.shape_cast %get3A_2 : vector<1x5120x16xf32> to vector<5120x16xf32>
    %get3A_4 = arith.constant 1 : index
    %get3A_5 = arith.constant 0 : index
    %get3A_6 = arith.constant 0 : index
    %get3A_7 = vector.load %arg1[%get3A_4, %get3A_5, %get3A_6] : memref<2x5120x16xf32, #tpu.memory_space<vmem>>, vector<1x5120x16xf32>
    %get3A_8 = vector.shape_cast %get3A_7 : vector<1x5120x16xf32> to vector<5120x16xf32>
    %add3A = arith.addf %get3A_3, %get3A_8 : vector<5120x16xf32>
    %get3A_9 = arith.constant 0 : index
    %get3A_10 = arith.constant 0 : index
    %get3A_11 = vector.load %arg3[%get3A_9, %get3A_10] : memref<5120x1xf32, #tpu.memory_space<vmem>>, vector<5120x1xf32>
    %get3A_12 = arith.constant 0 : index
    %get3A_13 = arith.constant 0 : index
    %get3A_14 = vector.load %arg2[%get3A_12, %get3A_13] : memref<5120x16xf32, #tpu.memory_space<vmem>>, vector<5120x16xf32>
    %add3A_15 = arith.addf %add3A, %get3A_14 : vector<5120x16xf32>
    %mul3A = vector.broadcast %get3A_11 : vector<5120x1xf32> to vector<5120x16xf32>
    %mul3A_16 = arith.mulf %mul3A, %add3A_15 : vector<5120x16xf32>
    %get3A_17 = arith.constant 0 : index
    %get3A_18 = arith.constant 0 : index
    %get3A_19 = vector.load %arg4[%get3A_17, %get3A_18] : memref<1x16xf32, #tpu.memory_space<vmem>>, vector<1x16xf32>
    %add3A_20 = vector.broadcast %get3A_19 : vector<1x16xf32> to vector<5120x16xf32>
    %add3A_21 = arith.addf %mul3A_16, %add3A_20 : vector<5120x16xf32>
    %swap3A = arith.constant 0 : index
    %swap3A_22 = arith.constant 0 : index
    %swap3A_23 = vector.load %arg5[%swap3A, %swap3A_22] : memref<5120x16xf32, #tpu.memory_space<vmem>>, vector<5120x16xf32>
    tpu.vector_store %arg5[%swap3A, %swap3A_22], %add3A_21 {strides = array<i32>} : memref<5120x16xf32, #tpu.memory_space<vmem>>, vector<5120x16xf32>,
    return
  }
  func.func @transform_0(%arg0: i32) -> (i32, i32, i32) {
    %c0_i32 = arith.constant 0 : i32
    %c0_i32_0 = arith.constant 0 : i32
    %c0_i32_1 = arith.constant 0 : i32
    return %c0_i32, %arg0, %c0_i32_0 : i32, i32, i32
  }
  func.func @transform_1(%arg0: i32) -> (i32, i32) {
    %c0_i32 = arith.constant 0 : i32
    %c0_i32_0 = arith.constant 0 : i32
    return %arg0, %c0_i32 : i32, i32
  }
  func.func @transform_2(%arg0: i32) -> (i32, i32) {
    %c0_i32 = arith.constant 0 : i32
    %c0_i32_0 = arith.constant 0 : i32
    return %arg0, %c0_i32 : i32, i32
  }
  func.func @transform_3(%arg0: i32) -> (i32, i32) {
    %c0_i32 = arith.constant 0 : i32
    %c0_i32_0 = arith.constant 0 : i32
    %c0_i32_1 = arith.constant 0 : i32
    return %c0_i32, %c0_i32_0 : i32, i32
  }
  func.func @transform_4(%arg0: i32) -> (i32, i32) {
    %c0_i32 = arith.constant 0 : i32
    %c0_i32_0 = arith.constant 0 : i32
    return %arg0, %c0_i32 : i32, i32
  }
}

</mosaic_0001>

<sc_bundles>
// kernel: kernel.10.cloned.1.call-start
scs
__scs_entry_jumppad:
0x0: {  	(pc) =	sbr.rel $0x88, $3  }
0x1: {  	(tag) =	ssettag $0x0;
	lr =	simm.s32 $0x1  }
0x2: {  	[smem:$0x3F96] =	sst lr;
	_ =	strace $0xD0000000  }
0x3: {  	_ = 	snop  }
0x4: {  	_ = 	snop  }
0x5: {  	_ = 	snop  }
0x6: {  	_ = 	snop  }
0x7: {  	_ = 	snop  }
__scs_overlays_trampoline_lowered:
0x8: {  	[smem:$0x3FA5] =	sst s0  }
0x9: {  	[smem:$0x3FA6] =	sst s1  }
0xa: {  	[smem:$0x3FA7] =	sst s2  }
0xb: {  	[smem:$0x3FA8] =	sst s3  }
0xc: {  	[smem:$0x3FA9] =	sst s4  }
0xd: {  	[smem:$0x3FAA] =	sst s5  }
0xe: {  	[smem:$0x3FAB] =	sst s6  }
0xf: {  	[smem:$0x3FAC] =	sst s7  }
0x10: {  	[smem:$0x3FAD] =	sst s8  }
0x11: {  	[smem:$0x3FAE] =	sst s9;
	s0 =	simm.s32 @!p0 $0x0  }
0x12: {  	s1 =	sld [smem:$0x3F94];
	s0 =	simm.s32 @p0 $0x1  }
0x13: {  	[smem:$0x3FAF] =	sst s0;
	s0 =	simm.s32 @!p1 $0x0  }
0x14: {  	s2 =	sld [smem:$0x3F93];
	s0 =	simm.s32 @p1 $0x1  }
0x15: {  	[smem:$0x3FB0] =	sst s0;
	s0 =	simm.s32 @!p2 $0x0  }
0x16: {  	s3 =	sld [smem:$0x3FDB];
	s0 =	simm.s32 @p2 $0x1  }
0x17: {  	s4 =	simm.s32 $0x1BF5;
	[smem:$0x3FB2] =	sst s0  }
0x18: {  	s0 =	sld [smem:$0x3F95];
	_ =	swait.ge [sflag:s4], $0x0  }
0x19: {  	s7 =	sld [smem:$0x3F96]  }
0x1a: {  	s8 =	sadd.s32 $0xFFFFE003, lr  }
0x1b: {  	s9 =	sadd.s32 $0xFFFFFEF7, lr;
	s5 =	simm.s32 $0xFFFFFFFF;
	p2 =	slt.u32 s8, $0xFFFFF086  }
0x1c: {  	p1 =	slt.u32 s9, $0xF7A;
	s5 =	simm.s32 @!p2 $0x0  }
0x1d: {  	s5 =	simm.s32 @p1 $0x1;
	p0 =	seq.s32 s7, s2  }
0x1e: {  	s7 =	smul.u32 @!p0 $0xF7A, s2;
	p2 =	seq.s32 @!p0 s5, $0x0  }
0x1f: {  	s9 =	smul.u32 $0xF7A, s1;
	s8 =	simm.s32 @!p0 $0x1BF5;
	p2 =	por !p2, p0  }
0x20: {  	[sflag:s8] =	ssyncset.s32 @!p0 $0xFFFFF086;
	s6 =	sadd.s32 @!p0 s3, s7;
	s7 =	simm.s32 @!p0 $0x108  }
0x21: {  	s3 =	sadd.s32 s3, s9;
	s6 =	sadd.s32 @!p0 $0x88, s6;
	s7 =	simm.s32 @p2 $0x1082  }
0x22: {  	[simem:s7], [sflag:s8] =	dma.local @!p0 [hbm:s6], $0xF7A  }
0x23: {  	s9 =	sor.u32 $0xD0000000, s2;
	s6 =	simm.s32 $0x108;
	_ =	swait.ge @!p0 [sflag:s8], $0x0  }
0x24: {  	s3 =	sadd.s32 $0x88, s3;
	s6 =	simm.s32 @!p1 $0x1082;
	[sflag:s4] =	ssyncset.s32 $0xFFFFF086  }
0x25: {  	[simem:s6], [sflag:s4] =	dma.local [hbm:s3], $0xF7A  }
0x26: {  	[smem:$0x3F96] =	sst s1;
	(tag) =	ssettag s2;
	_ =	strace s9  }
0x27: {  	s1 =	sld [smem:$0x3FA6]  }
0x28: {  	s2 =	sld [smem:$0x3FA7]  }
0x29: {  	s4 =	sld [smem:$0x3FA9]  }
0x2a: {  	p0 =	seq.s32 s5, $0x0;
	s5 =	sld [smem:$0x3FAA]  }
0x2b: {  	s6 =	sld [smem:$0x3FAB]  }
0x2c: {  	s7 =	sld [smem:$0x3FAC]  }
0x2d: {  	s3 =	simm.s32 $0x108;
	s8 =	sld [smem:$0x3FAD]  }
0x2e: {  	s3 =	simm.s32 @!p0 $0x1082;
	s9 =	sld [smem:$0x3FAE]  }
0x2f: {  	lr =	sadd.s32 s0, s3;
	s0 =	sld [smem:$0x3FA5]  }
0x30: {  	s3 =	sld [smem:$0x3FA8]  }
0x31: {  	[smem:$0x3FB1] =	sst s10  }
0x32: {  	s10 =	sld [smem:$0x3FAF];
	_ =	sdelay $0x3  }
0x33: {  	p0 =	seq.s32 s10, $0x1;
	s10 =	sld [smem:$0x3FB1];
	_ =	sdelay $0x3  }
0x34: {  	[smem:$0x3FB1] =	sst s10  }
0x35: {  	s10 =	sld [smem:$0x3FB0];
	_ =	sdelay $0x3  }
0x36: {  	p1 =	seq.s32 s10, $0x1;
	s10 =	sld [smem:$0x3FB1];
	_ =	sdelay $0x3  }
0x37: {  	[smem:$0x3FB1] =	sst s10  }
0x38: {  	s10 =	sld [smem:$0x3FB2]  }
0x39: {  	_ = 	snop;
	(pc) =	sbr.ind lr, $3  }
0x3a: {  	_ = 	snop  }
0x3b: {  	_ = 	snop  }
0x3c: {  	p2 =	seq.s32 s10, $0x1;
	s10 =	sld [smem:$0x3FB1]  }
0x3d: {  	_ =	shalt  }
0x3e: {  	_ =	shalt  }
0x3f: {  	_ =	shalt  }
0x40: {  	_ =	shalt  }
0x41: {  	_ =	shalt  }
0x42: {  	_ =	shalt  }
0x43: {  	_ =	shalt  }
0x44: {  	_ =	shalt  }
0x45: {  	_ =	shalt  }
0x46: {  	_ =	shalt  }
0x47: {  	_ =	shalt  }
0x48: {  	_ =	shalt  }
0x49: {  	_ =	shalt  }
0x4a: {  	_ =	shalt  }
0x4b: {  	_ =	shalt  }
0x4c: {  	_ =	shalt  }
0x4d: {  	_ =	shalt  }
0x4e: {  	_ =	shalt  }
0x4f: {  	_ =	shalt  }
0x50: {  	_ =	shalt  }
0x51: {  	_ =	shalt  }
0x52: {  	_ =	shalt  }
0x53: {  	_ =	shalt  }
0x54: {  	_ =	shalt  }
0x55: {  	_ =	shalt  }
0x56: {  	_ =	shalt  }
0x57: {  	_ =	shalt  }
0x58: {  	_ =	shalt  }
0x59: {  	_ =	shalt  }
0x5a: {  	_ =	shalt  }
0x5b: {  	_ =	shalt  }
0x5c: {  	_ =	shalt  }
0x5d: {  	_ =	shalt  }
0x5e: {  	_ =	shalt  }
0x5f: {  	_ =	shalt  }
0x60: {  	_ =	shalt  }
0x61: {  	_ =	shalt  }
0x62: {  	_ =	shalt  }
0x63: {  	_ =	shalt  }
0x64: {  	_ =	shalt  }
0x65: {  	_ =	shalt  }
0x66: {  	_ =	shalt  }
0x67: {  	_ =	shalt  }
0x68: {  	_ =	shalt  }
0x69: {  	_ =	shalt  }
0x6a: {  	_ =	shalt  }
0x6b: {  	_ =	shalt  }
0x6c: {  	_ =	shalt  }
0x6d: {  	_ =	shalt  }
0x6e: {  	_ =	shalt  }
0x6f: {  	_ =	shalt  }
0x70: {  	_ =	shalt  }
0x71: {  	_ =	shalt  }
0x72: {  	_ =	shalt  }
0x73: {  	_ =	shalt  }
0x74: {  	_ =	shalt  }
0x75: {  	_ =	shalt  }
0x76: {  	_ =	shalt  }
0x77: {  	_ =	shalt  }
0x78: {  	_ =	shalt  }
0x79: {  	_ =	shalt  }
0x7a: {  	_ =	shalt  }
0x7b: {  	_ =	shalt  }
0x7c: {  	_ =	shalt  }
0x7d: {  	_ =	shalt  }
0x7e: {  	_ =	shalt  }
0x7f: {  	_ =	shalt  }
0x80: {  	_ =	shalt  }
0x81: {  	_ =	shalt  }
0x82: {  	_ =	shalt  }
0x83: {  	_ =	shalt  }
0x84: {  	_ =	shalt  }
0x85: {  	_ =	shalt  }
0x86: {  	_ =	shalt  }
0x87: {  	_ =	shalt  }
.Lfunc_end0:
.L_simem_size_0:
called_computation_lowered:
.L_overlay_start_0:
0x88: {  	s2 =	sld [smem:$0x3FD9]  }
0x89: {  	s3 =	sld [smem:$0x3FFE];
	_ =	sdelay $0x1  }
0x8a: {  	s1 =	srdreg.scid  }
0x8b: {  	s0 =	sand.u32 $0x1, s1  }
0x8c: {  	s17 =	sshll.u32 s0, $0xA;
	s2 =	sadd.s32 s3, s2  }
0x8d: {  	s2 =	sadd.s32 s2, s17  }
0x8e: {  	[smem:$0x3FBD] =	sst s2  }
0x8f: {  	_ = 	snop  }
0x90: {  	s2 =	sld [smem:$0x3FD0];
	(tm) =	ssettm $0x1  }
0x91: {  	s18 =	sld [smem:$0x3FFB];
	_ =	sdelay $0x3  }
0x92: {  	_ =	strace s18  }
0x93: {  	s3 =	sld [smem:$0x3FFC];
	_ =	sdelay $0x3  }
0x94: {  	_ =	strace s3  }
0x95: {  	s3 =	sld [smem:$0x3FFD];
	_ =	sdelay $0x3  }
0x96: {  	_ =	strace s3  }
0x97: {  	_ =	strace $0x8FFFFFFF  }
0x98: {  	s19 =	sld [smem:$0x3FDB];
	_ =	sdelay $0x1  }
0x99: {  	s4 =	simm.s32 $_scs_section_size  }
0x9a: {  	s5 =	simm.s32 $_size__tile_overlayer_lowered;
	s6 =	simm.s32 $_tile_overlayer_lowered  }
0x9b: {  	s22 =	simm.s32 $0x1BFF;
	s21 =	sshll.u32 s6, $0x1;
	s3 =	sadd.s32 s4, s19  }
0x9c: {  	s7 =	simm.s32 $0x0;
	s20 =	sshll.u32 s5, $0x1;
	s5 =	sadd.s32 s21, s3  }
0x9d: {  	[timem:s7], [sflag:s22] =	dma.local [hbm:s5], s20  }
0x9e: {  	_ =	swait.ge [sflag:s22], s20  }
0x9f: {  	s4 =	ssub.s32 $0x0, s20;
	[sflag:s22] =	ssyncset.done $0x0  }
0xa0: {  	[sflag:s22] =	ssyncadd.s32 s4;
	_ =	sdelay $0x1  }
0xa1: {  	s23 =	simm.s32 $0x1B8B  }
0xa2: {  	_ =	swait.ge [sflag:s23], $0x1  }
0xa3: {  	[sflag:s23] =	ssyncset.done $0x0  }
0xa4: {  	s25 =	simm.s32 $0x1B8E;
	s24 =	sld [smem:$0x3FFE];
	[sflag:s23] =	ssyncadd.s32 $0xFFFFFFFF  }
0xa5: {  	s26 =	simm.s32 $execute0_lowered;
	[smem:$0x3FD2] =	sst s25  }
0xa6: {  	s5 =	sshll.u32 s26, $0x1;
	_ =	strace $0x80000046;
	[dreg:$0x1] =	wrdreg $0xFFFFFFFF  }
0xa7: {  	s28 =	simm.s32 $_size_execute0_lowered;
	s3 =	sadd.s32 s3, s5;
	[dreg:$0x0] =	wrdreg $0x0  }
0xa8: {  	s5 =	sshll.u32 s28, $0x1;
	[dreg:$0x2] =	wrdreg s3  }
0xa9: {  	[dreg:$0x3] =	wrdreg s5  }
0xaa: {  	[dreg:$0x4] =	wrdreg $0xC0  }
0xab: {  	_ =	task [dreg:s7], $0x5FFFF  }
0xac: {  	[dreg:$0x1] =	wrdreg $0xFFFFFFFF  }
0xad: {  	[dreg:$0x0] =	wrdreg $0x60  }
0xae: {  	[dreg:$0x2] =	wrdreg s24  }
0xaf: {  	[dreg:$0x3] =	wrdreg s2  }
0xb0: {  	[dreg:$0x4] =	wrdreg $0x2C000  }
0xb1: {  	[dreg:$0x5] =	wrdreg $0x9  }
0xb2: {  	_ =	task.clear_ibuf [dreg:s7], $0x6FFFF;
	_ =	strace $0x90000046  }
0xb3: {  	s29 =	simm.s32 $0x9;
	_ =	strace $0x80000048  }
0xb4: {  	_ =	swait.ge [sflag:s29], $0x1  }
0xb5: {  	[sflag:s29] =	ssyncadd.s32 $0xFFFFFFFF  }
0xb6: {  	_ =	strace $0x90000048  }
0xb7: {  	_ =	sfence  }
0xb8: {  	s30 =	sld [smem:$0x0];
	_ =	sdelay $0x2  }
0xb9: {  	s31 =	sshll.u32 s1, $0xD;
	s1 =	sshrl.u32 s1, $0x2  }
0xba: {  	s3 =	sand.u32 $0x4000, s31;
	s1 =	sadd.s32 s1, s30  }
0xbb: {  	s0 =	sor.u32 s3, s0;
	s1 =	sshll.u32 s1, $0x11  }
0xbc: {  	s0 =	sor.u32 s1, s0  }
0xbd: {  	s0 =	sadd.s32 $0x8F2B, s0  }
0xbe: {  	[sflag:s0] =	ssyncadd.remote.s32 $0x1  }
0xbf: {  	_ =	sfence.sel $0xFFFF  }
0xc0: {  	[dreg:$0x0] =	wrdreg $0xFFFFFFFF;
	(pc) =	sbr.abs _section_cstart, $3  }
0xc1: {  	[dreg:$0x1] =	wrdreg $0xFFFFFFFF  }
0xc2: {  	_ =	task.clear_ibuf [dreg:s7], $0x2FFFF;
	_ =	strace $0x9FFFFFFF  }
0xc3: {  	(tm) =	ssettm $0x7FFFFFFF  }
tec
execute0_lowered:
.L_overlay_start_1:
0x0: {  	(tag) =	ssettag $0x1  }
0x1: {  	s4 =	rddreg [dreg:$0x0]  }
0x2: {  	s6 =	rddreg [dreg:$0x1]  }
0x3: {  	s0 =	srdreg.scid;
	s2 =	rddreg [dreg:$0x2]  }
0x4: {  	s1 =	rddreg [dreg:$0x3];
	s3 =	simm.s32 $0x0;
	s13 =	simm.s32 $0x800  }
0x5: {  	s14 =	simm.s32 $0xC00;
	s15 =	simm.s32 $0x1000;
	s5 =	sand.u32 $0x1, s0  }
0x6: {  	s16 =	simm.s32 $0x1400;
	s0 =	stileid.u32;
	s7 =	smul.u32 $0x28000, s5  }
0x7: {  	s17 =	simm.s32 $0x1800;
	s18 =	simm.s32 $0x1C00;
	s8 =	smul.u32 $0x2800, s0  }
0x8: {  	s19 =	simm.s32 $0x2000;
	s20 =	simm.s32 $0x2400;
	s28 =	smul.u32 $0x280, s0  }
0x9: {  	[smem:$0x7FF] =	sst s3;
	s9 =	smul.u32 $0x2800, s5;
	s5 =	ssub.s32 $0x2, s5  }
0xa: {  	_ =	strace $0x80000047;
	s31 =	sshll.u32 s0, $0x6;
	s29 =	sshrl.u32 s5, $0x1  }
0xb: {  	s7 =	sadd.s32 s8, s7;
	s10 =	sshrl.u32 s28, $0x3;
	s9 =	sadd.s32 s28, s9  }
0xc: {  	s11 =	ssub.s32 s5, s29;
	s12 =	sadd.s32 s28, s2;
	s8 =	simm.s32 $0x1  }
0xd: {  	s7 =	sshrl.u32 s7, $0x3;
	s10 =	sadd.s32 s10, s4;
	s30 =	sshrl.u32 s9, $0x3  }
0xe: {  	s9 =	sor.u32 $0x1C01, s31;
	s7 =	sadd.s32 s7, s4;
	s5 =	sadd.s32 $0xD200, s10  }
0xf: {  	s6 =	sadd.s32 s6, s30;
	s10 =	sshrl.u32 s12, $0x3;
	s12 =	simm.s32 $0x2800  }
0x10: {  	v0 =	vimm.f32 $1.000000000e+00;
	s4 =	sadd.s32 $0x3200, s7;
	s7 =	smax.u32 s11, $0x1;
	s11 =	simm.s32 $0x400  }
.LBB2_1:
0x11: {  	[tilespmem:s3], [sflag:$0x1] =	stream.linear.gather [hbm4b:s4+s3], $0x2800, $0x38;
	[tilespmem:$0x2E80] =	vst v63  }
0x12: {  	_ =	swait.ge [sflag:s8], $0x2800  }
0x13: {  	[sflag:s8] =	ssyncset.done $0x0  }
0x14: {  	[sflag:s8] =	ssyncadd.s32 $0xFFFFD800  }
0x15: {  	[spmem:s10], [sflag:s9] =	dma.local [hbm:s5], $0x50  }
0x16: {  	_ =	swait.ge [sflag:s8], $0x50  }
0x17: {  	[sflag:s8] =	ssyncset.done $0x0  }
0x18: {  	[sflag:s8] =	ssyncadd.s32 $0xFFFFFFB0  }
0x19: {  	[tilespmem:$0x2800] =	vst v0  }
0x1a: {  	[tilespmem:$0x2810] =	vst v0  }
0x1b: {  	[tilespmem:$0x2820] =	vst v0  }
0x1c: {  	[tilespmem:$0x2830] =	vst v0  }
0x1d: {  	[tilespmem:$0x2840] =	vst v0  }
0x1e: {  	[tilespmem:$0x2850] =	vst v0  }
0x1f: {  	[tilespmem:$0x2860] =	vst v0  }
0x20: {  	[tilespmem:$0x2870] =	vst v0  }
0x21: {  	[tilespmem:$0x2880] =	vst v0  }
0x22: {  	[tilespmem:$0x2890] =	vst v0  }
0x23: {  	[tilespmem:$0x28A0] =	vst v0  }
0x24: {  	[tilespmem:$0x28B0] =	vst v0  }
0x25: {  	[tilespmem:$0x28C0] =	vst v0  }
0x26: {  	[tilespmem:$0x28D0] =	vst v0  }
0x27: {  	[tilespmem:$0x28E0] =	vst v0  }
0x28: {  	[tilespmem:$0x28F0] =	vst v0  }
0x29: {  	[tilespmem:$0x2900] =	vst v0  }
0x2a: {  	[tilespmem:$0x2910] =	vst v0  }
0x2b: {  	[tilespmem:$0x2920] =	vst v0  }
0x2c: {  	[tilespmem:$0x2930] =	vst v0  }
0x2d: {  	[tilespmem:$0x2940] =	vst v0  }
0x2e: {  	[tilespmem:$0x2950] =	vst v0  }
0x2f: {  	[tilespmem:$0x2960] =	vst v0  }
0x30: {  	[tilespmem:$0x2970] =	vst v0  }
0x31: {  	[tilespmem:$0x2980] =	vst v0  }
0x32: {  	[tilespmem:$0x2990] =	vst v0  }
0x33: {  	[tilespmem:$0x29A0] =	vst v0  }
0x34: {  	[tilespmem:$0x29B0] =	vst v0  }
0x35: {  	[tilespmem:$0x29C0] =	vst v0  }
0x36: {  	[tilespmem:$0x29D0] =	vst v0  }
0x37: {  	[tilespmem:$0x29E0] =	vst v0  }
0x38: {  	[tilespmem:$0x29F0] =	vst v0  }
0x39: {  	[tilespmem:$0x2A00] =	vst v0  }
0x3a: {  	[tilespmem:$0x2A10] =	vst v0  }
0x3b: {  	[tilespmem:$0x2A20] =	vst v0  }
0x3c: {  	[tilespmem:$0x2A30] =	vst v0  }
0x3d: {  	[tilespmem:$0x2A40] =	vst v0  }
0x3e: {  	[tilespmem:$0x2A50] =	vst v0  }
0x3f: {  	[tilespmem:$0x2A60] =	vst v0  }
0x40: {  	[tilespmem:$0x2A70] =	vst v0  }
0x41: {  	[tilespmem:$0x2A80] =	vst v0  }
0x42: {  	[tilespmem:$0x2A90] =	vst v0  }
0x43: {  	[tilespmem:$0x2AA0] =	vst v0  }
0x44: {  	[tilespmem:$0x2AB0] =	vst v0  }
0x45: {  	[tilespmem:$0x2AC0] =	vst v0  }
0x46: {  	[tilespmem:$0x2AD0] =	vst v0  }
0x47: {  	[tilespmem:$0x2AE0] =	vst v0  }
0x48: {  	[tilespmem:$0x2AF0] =	vst v0  }
0x49: {  	[tilespmem:$0x2B00] =	vst v0  }
0x4a: {  	[tilespmem:$0x2B10] =	vst v0  }
0x4b: {  	[tilespmem:$0x2B20] =	vst v0  }
0x4c: {  	[tilespmem:$0x2B30] =	vst v0  }
0x4d: {  	[tilespmem:$0x2B40] =	vst v0  }
0x4e: {  	[tilespmem:$0x2B50] =	vst v0  }
0x4f: {  	[tilespmem:$0x2B60] =	vst v0  }
0x50: {  	[tilespmem:$0x2B70] =	vst v0  }
0x51: {  	[tilespmem:$0x2B80] =	vst v0  }
0x52: {  	[tilespmem:$0x2B90] =	vst v0  }
0x53: {  	[tilespmem:$0x2BA0] =	vst v0  }
0x54: {  	[tilespmem:$0x2BB0] =	vst v0  }
0x55: {  	[tilespmem:$0x2BC0] =	vst v0  }
0x56: {  	[tilespmem:$0x2BD0] =	vst v0  }
0x57: {  	[tilespmem:$0x2BE0] =	vst v0  }
0x58: {  	[tilespmem:$0x2BF0] =	vst v0  }
0x59: {  	[bflag:$0x0] =	sbarrier.arrive $0xFFFF  }
0x5a: {  	[spmem:s2] =	stream.indirect.scatter.add.f32 [tilespmem:s12], [sflag:$0x1], $0x1, s3, s11, $0xb8;
	[tilespmem:$0x2E80] =	vst v63  }
0x5b: {  	_ =	swait.ge [sflag:s8], $0x400  }
0x5c: {  	[sflag:s8] =	ssyncset.done $0x0  }
0x5d: {  	[sflag:s8] =	ssyncadd.s32 $0xFFFFFC00  }
0x5e: {  	[spmem:s2] =	stream.indirect.scatter.add.f32 [tilespmem:s12], [sflag:$0x1], $0x1, s11, s11, $0xb8;
	[tilespmem:$0x2E80] =	vst v63  }
0x5f: {  	_ =	swait.ge [sflag:s8], $0x400  }
0x60: {  	[sflag:s8] =	ssyncset.done $0x0  }
0x61: {  	[sflag:s8] =	ssyncadd.s32 $0xFFFFFC00  }
0x62: {  	[spmem:s2] =	stream.indirect.scatter.add.f32 [tilespmem:s12], [sflag:$0x1], $0x1, s13, s11, $0xb8;
	[tilespmem:$0x2E80] =	vst v63  }
0x63: {  	_ =	swait.ge [sflag:s8], $0x400  }
0x64: {  	[sflag:s8] =	ssyncset.done $0x0  }
0x65: {  	[sflag:s8] =	ssyncadd.s32 $0xFFFFFC00  }
0x66: {  	[spmem:s2] =	stream.indirect.scatter.add.f32 [tilespmem:s12], [sflag:$0x1], $0x1, s14, s11, $0xb8;
	[tilespmem:$0x2E80] =	vst v63  }
0x67: {  	_ =	swait.ge [sflag:s8], $0x400  }
0x68: {  	[sflag:s8] =	ssyncset.done $0x0  }
0x69: {  	[sflag:s8] =	ssyncadd.s32 $0xFFFFFC00  }
0x6a: {  	[spmem:s2] =	stream.indirect.scatter.add.f32 [tilespmem:s12], [sflag:$0x1], $0x1, s15, s11, $0xb8;
	[tilespmem:$0x2E80] =	vst v63  }
0x6b: {  	_ =	swait.ge [sflag:s8], $0x400  }
0x6c: {  	[sflag:s8] =	ssyncset.done $0x0  }
0x6d: {  	[sflag:s8] =	ssyncadd.s32 $0xFFFFFC00  }
0x6e: {  	[spmem:s2] =	stream.indirect.scatter.add.f32 [tilespmem:s12], [sflag:$0x1], $0x1, s16, s11, $0xb8;
	[tilespmem:$0x2E80] =	vst v63  }
0x6f: {  	_ =	swait.ge [sflag:s8], $0x400  }
0x70: {  	[sflag:s8] =	ssyncset.done $0x0  }
0x71: {  	[sflag:s8] =	ssyncadd.s32 $0xFFFFFC00  }
0x72: {  	[spmem:s2] =	stream.indirect.scatter.add.f32 [tilespmem:s12], [sflag:$0x1], $0x1, s17, s11, $0xb8;
	[tilespmem:$0x2E80] =	vst v63  }
0x73: {  	_ =	swait.ge [sflag:s8], $0x400  }
0x74: {  	[sflag:s8] =	ssyncset.done $0x0  }
0x75: {  	[sflag:s8] =	ssyncadd.s32 $0xFFFFFC00  }
0x76: {  	[spmem:s2] =	stream.indirect.scatter.add.f32 [tilespmem:s12], [sflag:$0x1], $0x1, s18, s11, $0xb8;
	[tilespmem:$0x2E80] =	vst v63  }
0x77: {  	_ =	swait.ge [sflag:s8], $0x400  }
0x78: {  	[sflag:s8] =	ssyncset.done $0x0  }
0x79: {  	[sflag:s8] =	ssyncadd.s32 $0xFFFFFC00  }
0x7a: {  	[spmem:s2] =	stream.indirect.scatter.add.f32 [tilespmem:s12], [sflag:$0x1], $0x1, s19, s11, $0xb8;
	[tilespmem:$0x2E80] =	vst v63  }
0x7b: {  	_ =	swait.ge [sflag:s8], $0x400  }
0x7c: {  	[sflag:s8] =	ssyncset.done $0x0  }
0x7d: {  	[sflag:s8] =	ssyncadd.s32 $0xFFFFFC00  }
0x7e: {  	[spmem:s2] =	stream.indirect.scatter.add.f32 [tilespmem:s12], [sflag:$0x1], $0x1, s20, s11, $0xb8;
	[tilespmem:$0x2E80] =	vst v63  }
0x7f: {  	_ =	swait.ge [sflag:s8], $0x400  }
0x80: {  	[sflag:s8] =	ssyncset.done $0x0  }
0x81: {  	p0 =	sne.s32 s7, $0x1;
	[sflag:s8] =	ssyncadd.s32 $0xFFFFFC00  }
.Ltmp0:
0x82: {  	[bflag:$0x0] =	sbarrier.arrive $0xFFFF;
	(pc) =	sbr.rel @p0 .LBB2_1-.Ltmp0, $4  }
0x83: {  	[hbm:s6], [sflag:s9] =	dma.local [spmem:s10], $0x50  }
0x84: {  	_ =	swait.ge [sflag:s8], $0x50  }
0x85: {  	[sflag:s8] =	ssyncset.done $0x0  }
0x86: {  	s7 =	sadd.s32 $0xFFFFFFFF, s7;
	[sflag:s8] =	ssyncadd.s32 $0xFFFFFFB0  }
0x87: {  	_ =	sfence.sel $0x180000  }
0x88: {  	[bflag:$0x0] =	sbarrier.arrive $0xFFFF  }
0x89: {  	p0 =	sne.s32 s0, $0x0;
	_ =	strace $0x90000047  }
0x8a: {  	s0 =	sadd.s32 @!p0 $0x100000, s1;
	[bflag:$0x2] =	sbarrier.arrive $0xFFFF  }
0x8b: {  	[sflag:s0] =	ssyncadd.tile.s32 @!p0 $0x1;
	_ =	shalt  }
.Lfunc_end2:
_tile_overlayer_lowered:
.L_overlay_start_2:
0x8c: {  	(tag) =	ssettag $0x2  }
0x8d: {  	s0 =	rddreg [dreg:$0x0];
	s2 =	stileid.u32  }
0x8e: {  	s1 =	rddreg [dreg:$0x1];
	p0 =	sne.s32 s2, $0x0  }
0x8f: {  	s3 =	rddreg [dreg:$0x2];
	[bflag:$0x3] =	sbarrier.arrive $0xFFFF;
	s2 =	simm.s32 @!p0 $0x1C01  }
0x90: {  	[timem:s3], [sflag:s2] =	dma.local @!p0 [hbm:s0], s1  }
0x91: {  	s0 =	simm.s32 @!p0 $0x1  }
0x92: {  	_ =	swait.ge @!p0 [sflag:s0], s1  }
0x93: {  	s1 =	ssub.s32 @!p0 $0x0, s1;
	[sflag:s0] =	ssyncset.done @!p0 $0x0  }
0x94: {  	[sflag:s0] =	ssyncadd.s32 @!p0 s1  }
0x95: {  	[bflag:$0x3] =	sbarrier.arrive $0xFFFF  }
0x96: {  	_ =	shalt  }

// kernel: kernel.13.cloned.1.call-start
scs
__scs_entry_jumppad:
0x0: {  	(pc) =	sbr.rel $0x88, $3  }
0x1: {  	(tag) =	ssettag $0x0;
	lr =	simm.s32 $0x1  }
0x2: {  	[smem:$0x3F96] =	sst lr;
	_ =	strace $0xD0000000  }
0x3: {  	_ = 	snop  }
0x4: {  	_ = 	snop  }
0x5: {  	_ = 	snop  }
0x6: {  	_ = 	snop  }
0x7: {  	_ = 	snop  }
__scs_overlays_trampoline_lowered:
0x8: {  	[smem:$0x3FA5] =	sst s0  }
0x9: {  	[smem:$0x3FA6] =	sst s1  }
0xa: {  	[smem:$0x3FA7] =	sst s2  }
0xb: {  	[smem:$0x3FA8] =	sst s3  }
0xc: {  	[smem:$0x3FA9] =	sst s4  }
0xd: {  	[smem:$0x3FAA] =	sst s5  }
0xe: {  	[smem:$0x3FAB] =	sst s6  }
0xf: {  	[smem:$0x3FAC] =	sst s7  }
0x10: {  	[smem:$0x3FAD] =	sst s8  }
0x11: {  	[smem:$0x3FAE] =	sst s9;
	s0 =	simm.s32 @!p0 $0x0  }
0x12: {  	s1 =	sld [smem:$0x3F94];
	s0 =	simm.s32 @p0 $0x1  }
0x13: {  	[smem:$0x3FAF] =	sst s0;
	s0 =	simm.s32 @!p1 $0x0  }
0x14: {  	s2 =	sld [smem:$0x3F93];
	s0 =	simm.s32 @p1 $0x1  }
0x15: {  	[smem:$0x3FB0] =	sst s0;
	s0 =	simm.s32 @!p2 $0x0  }
0x16: {  	s3 =	sld [smem:$0x3FDB];
	s0 =	simm.s32 @p2 $0x1  }
0x17: {  	s4 =	simm.s32 $0x1BF5;
	[smem:$0x3FB2] =	sst s0  }
0x18: {  	s0 =	sld [smem:$0x3F95];
	_ =	swait.ge [sflag:s4], $0x0  }
0x19: {  	s7 =	sld [smem:$0x3F96]  }
0x1a: {  	s8 =	sadd.s32 $0xFFFFE003, lr  }
0x1b: {  	s9 =	sadd.s32 $0xFFFFFEF7, lr;
	s5 =	simm.s32 $0xFFFFFFFF;
	p2 =	slt.u32 s8, $0xFFFFF086  }
0x1c: {  	p1 =	slt.u32 s9, $0xF7A;
	s5 =	simm.s32 @!p2 $0x0  }
0x1d: {  	s5 =	simm.s32 @p1 $0x1;
	p0 =	seq.s32 s7, s2  }
0x1e: {  	s7 =	smul.u32 @!p0 $0xF7A, s2;
	p2 =	seq.s32 @!p0 s5, $0x0  }
0x1f: {  	s9 =	smul.u32 $0xF7A, s1;
	s8 =	simm.s32 @!p0 $0x1BF5;
	p2 =	por !p2, p0  }
0x20: {  	[sflag:s8] =	ssyncset.s32 @!p0 $0xFFFFF086;
	s6 =	sadd.s32 @!p0 s3, s7;
	s7 =	simm.s32 @!p0 $0x108  }
0x21: {  	s3 =	sadd.s32 s3, s9;
	s6 =	sadd.s32 @!p0 $0x88, s6;
	s7 =	simm.s32 @p2 $0x1082  }
0x22: {  	[simem:s7], [sflag:s8] =	dma.local @!p0 [hbm:s6], $0xF7A  }
0x23: {  	s9 =	sor.u32 $0xD0000000, s2;
	s6 =	simm.s32 $0x108;
	_ =	swait.ge @!p0 [sflag:s8], $0x0  }
0x24: {  	s3 =	sadd.s32 $0x88, s3;
	s6 =	simm.s32 @!p1 $0x1082;
	[sflag:s4] =	ssyncset.s32 $0xFFFFF086  }
0x25: {  	[simem:s6], [sflag:s4] =	dma.local [hbm:s3], $0xF7A  }
0x26: {  	[smem:$0x3F96] =	sst s1;
	(tag) =	ssettag s2;
	_ =	strace s9  }
0x27: {  	s1 =	sld [smem:$0x3FA6]  }
0x28: {  	s2 =	sld [smem:$0x3FA7]  }
0x29: {  	s4 =	sld [smem:$0x3FA9]  }
0x2a: {  	p0 =	seq.s32 s5, $0x0;
	s5 =	sld [smem:$0x3FAA]  }
0x2b: {  	s6 =	sld [smem:$0x3FAB]  }
0x2c: {  	s7 =	sld [smem:$0x3FAC]  }
0x2d: {  	s3 =	simm.s32 $0x108;
	s8 =	sld [smem:$0x3FAD]  }
0x2e: {  	s3 =	simm.s32 @!p0 $0x1082;
	s9 =	sld [smem:$0x3FAE]  }
0x2f: {  	lr =	sadd.s32 s0, s3;
	s0 =	sld [smem:$0x3FA5]  }
0x30: {  	s3 =	sld [smem:$0x3FA8]  }
0x31: {  	[smem:$0x3FB1] =	sst s10  }
0x32: {  	s10 =	sld [smem:$0x3FAF];
	_ =	sdelay $0x3  }
0x33: {  	p0 =	seq.s32 s10, $0x1;
	s10 =	sld [smem:$0x3FB1];
	_ =	sdelay $0x3  }
0x34: {  	[smem:$0x3FB1] =	sst s10  }
0x35: {  	s10 =	sld [smem:$0x3FB0];
	_ =	sdelay $0x3  }
0x36: {  	p1 =	seq.s32 s10, $0x1;
	s10 =	sld [smem:$0x3FB1];
	_ =	sdelay $0x3  }
0x37: {  	[smem:$0x3FB1] =	sst s10  }
0x38: {  	s10 =	sld [smem:$0x3FB2]  }
0x39: {  	_ = 	snop;
	(pc) =	sbr.ind lr, $3  }
0x3a: {  	_ = 	snop  }
0x3b: {  	_ = 	snop  }
0x3c: {  	p2 =	seq.s32 s10, $0x1;
	s10 =	sld [smem:$0x3FB1]  }
0x3d: {  	_ =	shalt  }
0x3e: {  	_ =	shalt  }
0x3f: {  	_ =	shalt  }
0x40: {  	_ =	shalt  }
0x41: {  	_ =	shalt  }
0x42: {  	_ =	shalt  }
0x43: {  	_ =	shalt  }
0x44: {  	_ =	shalt  }
0x45: {  	_ =	shalt  }
0x46: {  	_ =	shalt  }
0x47: {  	_ =	shalt  }
0x48: {  	_ =	shalt  }
0x49: {  	_ =	shalt  }
0x4a: {  	_ =	shalt  }
0x4b: {  	_ =	shalt  }
0x4c: {  	_ =	shalt  }
0x4d: {  	_ =	shalt  }
0x4e: {  	_ =	shalt  }
0x4f: {  	_ =	shalt  }
0x50: {  	_ =	shalt  }
0x51: {  	_ =	shalt  }
0x52: {  	_ =	shalt  }
0x53: {  	_ =	shalt  }
0x54: {  	_ =	shalt  }
0x55: {  	_ =	shalt  }
0x56: {  	_ =	shalt  }
0x57: {  	_ =	shalt  }
0x58: {  	_ =	shalt  }
0x59: {  	_ =	shalt  }
0x5a: {  	_ =	shalt  }
0x5b: {  	_ =	shalt  }
0x5c: {  	_ =	shalt  }
0x5d: {  	_ =	shalt  }
0x5e: {  	_ =	shalt  }
0x5f: {  	_ =	shalt  }
0x60: {  	_ =	shalt  }
0x61: {  	_ =	shalt  }
0x62: {  	_ =	shalt  }
0x63: {  	_ =	shalt  }
0x64: {  	_ =	shalt  }
0x65: {  	_ =	shalt  }
0x66: {  	_ =	shalt  }
0x67: {  	_ =	shalt  }
0x68: {  	_ =	shalt  }
0x69: {  	_ =	shalt  }
0x6a: {  	_ =	shalt  }
0x6b: {  	_ =	shalt  }
0x6c: {  	_ =	shalt  }
0x6d: {  	_ =	shalt  }
0x6e: {  	_ =	shalt  }
0x6f: {  	_ =	shalt  }
0x70: {  	_ =	shalt  }
0x71: {  	_ =	shalt  }
0x72: {  	_ =	shalt  }
0x73: {  	_ =	shalt  }
0x74: {  	_ =	shalt  }
0x75: {  	_ =	shalt  }
0x76: {  	_ =	shalt  }
0x77: {  	_ =	shalt  }
0x78: {  	_ =	shalt  }
0x79: {  	_ =	shalt  }
0x7a: {  	_ =	shalt  }
0x7b: {  	_ =	shalt  }
0x7c: {  	_ =	shalt  }
0x7d: {  	_ =	shalt  }
0x7e: {  	_ =	shalt  }
0x7f: {  	_ =	shalt  }
0x80: {  	_ =	shalt  }
0x81: {  	_ =	shalt  }
0x82: {  	_ =	shalt  }
0x83: {  	_ =	shalt  }
0x84: {  	_ =	shalt  }
0x85: {  	_ =	shalt  }
0x86: {  	_ =	shalt  }
0x87: {  	_ =	shalt  }
.Lfunc_end0:
.L_simem_size_0:
called_computation.1_lowered:
.L_overlay_start_0:
0x88: {  	s2 =	sld [smem:$0x3FD9]  }
0x89: {  	s3 =	sld [smem:$0x3FFE];
	_ =	sdelay $0x1  }
0x8a: {  	s1 =	srdreg.scid  }
0x8b: {  	s0 =	sand.u32 $0x1, s1  }
0x8c: {  	s16 =	sshll.u32 s0, $0xA;
	s2 =	sadd.s32 s3, s2  }
0x8d: {  	s2 =	sadd.s32 s2, s16  }
0x8e: {  	[smem:$0x3FBD] =	sst s2  }
0x8f: {  	_ = 	snop  }
0x90: {  	(tm) =	ssettm $0x1  }
0x91: {  	s17 =	sld [smem:$0x3FFB];
	_ =	sdelay $0x3  }
0x92: {  	_ =	strace s17  }
0x93: {  	s2 =	sld [smem:$0x3FFC];
	_ =	sdelay $0x3  }
0x94: {  	_ =	strace s2  }
0x95: {  	s2 =	sld [smem:$0x3FFD];
	_ =	sdelay $0x3  }
0x96: {  	_ =	strace s2  }
0x97: {  	_ =	strace $0x8FFFFFFF  }
0x98: {  	s18 =	sld [smem:$0x3FDB];
	_ =	sdelay $0x1  }
0x99: {  	s19 =	simm.s32 $_scs_section_size  }
0x9a: {  	s4 =	simm.s32 $_size__tile_overlayer_lowered;
	s5 =	simm.s32 $_tile_overlayer_lowered  }
0x9b: {  	s22 =	simm.s32 $0x1BFF;
	s21 =	sshll.u32 s5, $0x1;
	s2 =	sadd.s32 s19, s18  }
0x9c: {  	s6 =	simm.s32 $0x0;
	s20 =	sshll.u32 s4, $0x1;
	s4 =	sadd.s32 s21, s2  }
0x9d: {  	[timem:s6], [sflag:s22] =	dma.local [hbm:s4], s20  }
0x9e: {  	_ =	swait.ge [sflag:s22], s20  }
0x9f: {  	s3 =	ssub.s32 $0x0, s20;
	[sflag:s22] =	ssyncset.done $0x0  }
0xa0: {  	[sflag:s22] =	ssyncadd.s32 s3;
	_ =	sdelay $0x1  }
0xa1: {  	s23 =	simm.s32 $0x1B8B  }
0xa2: {  	_ =	swait.ge [sflag:s23], $0x1  }
0xa3: {  	[sflag:s23] =	ssyncset.done $0x0  }
0xa4: {  	s25 =	simm.s32 $0x1B8E;
	s24 =	sld [smem:$0x3FFE];
	[sflag:s23] =	ssyncadd.s32 $0xFFFFFFFF  }
0xa5: {  	s26 =	simm.s32 $execute0_lowered;
	[smem:$0x3FD2] =	sst s25  }
0xa6: {  	s4 =	sshll.u32 s26, $0x1;
	_ =	strace $0x80000049;
	[dreg:$0x1] =	wrdreg $0xFFFFFFFF  }
0xa7: {  	s28 =	simm.s32 $_size_execute0_lowered;
	s2 =	sadd.s32 s2, s4;
	[dreg:$0x0] =	wrdreg $0x0  }
0xa8: {  	s4 =	sshll.u32 s28, $0x1;
	[dreg:$0x2] =	wrdreg s2  }
0xa9: {  	[dreg:$0x3] =	wrdreg s4  }
0xaa: {  	[dreg:$0x4] =	wrdreg $0xC0  }
0xab: {  	_ =	task [dreg:s6], $0x5FFFF  }
0xac: {  	[dreg:$0x1] =	wrdreg $0xFFFFFFFF  }
0xad: {  	[dreg:$0x0] =	wrdreg $0x60  }
0xae: {  	[dreg:$0x2] =	wrdreg s24  }
0xaf: {  	[dreg:$0x3] =	wrdreg $0xAC000  }
0xb0: {  	[dreg:$0x4] =	wrdreg $0x9  }
0xb1: {  	_ =	task.clear_ibuf [dreg:s6], $0x5FFFF;
	_ =	strace $0x90000049  }
0xb2: {  	s29 =	simm.s32 $0x9;
	_ =	strace $0x8000004B  }
0xb3: {  	_ =	swait.ge [sflag:s29], $0x1  }
0xb4: {  	[sflag:s29] =	ssyncadd.s32 $0xFFFFFFFF  }
0xb5: {  	_ =	strace $0x9000004B  }
0xb6: {  	_ =	sfence  }
0xb7: {  	s30 =	sld [smem:$0x0];
	_ =	sdelay $0x2  }
0xb8: {  	s31 =	sshll.u32 s1, $0xD;
	s1 =	sshrl.u32 s1, $0x2  }
0xb9: {  	s3 =	sand.u32 $0x4000, s31;
	s1 =	sadd.s32 s1, s30  }
0xba: {  	s0 =	sor.u32 s3, s0;
	s1 =	sshll.u32 s1, $0x11  }
0xbb: {  	s0 =	sor.u32 s1, s0  }
0xbc: {  	s0 =	sadd.s32 $0x8F2B, s0  }
0xbd: {  	[sflag:s0] =	ssyncadd.remote.s32 $0x1  }
0xbe: {  	_ =	sfence.sel $0xFFFF  }
0xbf: {  	[dreg:$0x0] =	wrdreg $0xFFFFFFFF;
	(pc) =	sbr.abs _section_cstart, $3  }
0xc0: {  	[dreg:$0x1] =	wrdreg $0xFFFFFFFF  }
0xc1: {  	_ =	task.clear_ibuf [dreg:s6], $0x2FFFF;
	_ =	strace $0x9FFFFFFF  }
0xc2: {  	(tm) =	ssettm $0x7FFFFFFF  }
0xc3: {  	_ =	shalt  }
tec
execute0_lowered:
.L_overlay_start_1:
0x0: {  	(tag) =	ssettag $0x1  }
0x1: {  	s0 =	srdreg.scid;
	s5 =	rddreg [dreg:$0x0]  }
0x2: {  	s2 =	rddreg [dreg:$0x1];
	s6 =	sand.u32 $0x1, s0  }
0x3: {  	s0 =	stileid.u32;
	s4 =	smul.u32 $0x30000, s6  }
0x4: {  	s1 =	rddreg [dreg:$0x2];
	s3 =	simm.s32 $0x0;
	s7 =	smul.u32 $0x3000, s0  }
0x5: {  	s15 =	simm.s32 $0x1800;
	s16 =	simm.s32 $0x80;
	s8 =	smul.u32 $0x28000, s6  }
0x6: {  	s17 =	simm.s32 $0x2C00;
	s18 =	simm.s32 $0x6C00;
	s9 =	smul.u32 $0x2800, s0  }
0x7: {  	s19 =	simm.s32 $0x1;
	s20 =	simm.s32 $0x2;
	s24 =	smul.u32 $0x14000, s0  }
0x8: {  	s21 =	simm.s32 $0x0;
	[smem:$0x7FF] =	sst s3;
	s25 =	smul.u32 $0x140000, s6  }
0x9: {  	_ =	strace $0x8000004A;
	s6 =	ssub.s32 $0x2, s6;
	s28 =	smul.u32 $0x50000, s0  }
0xa: {  	s31 =	sshll.u32 s0, $0x6;
	s29 =	sshrl.u32 s6, $0x1;
	s4 =	sadd.s32 s7, s4  }
0xb: {  	s8 =	sadd.s32 s9, s8;
	s26 =	sshrl.u32 s24, $0x3;
	s7 =	sadd.s32 s24, s25  }
0xc: {  	s13 =	ssub.s32 s6, s29;
	s30 =	sshrl.u32 s28, $0x2;
	s6 =	sor.u32 $0x1C03, s31  }
0xd: {  	s10 =	sshrl.u32 s4, $0x3;
	s4 =	sadd.s32 $0x19800, s5;
	s8 =	sshrl.u32 s8, $0x3  }
0xe: {  	s7 =	sshrl.u32 s7, $0x3;
	s14 =	sadd.s32 s30, s2;
	s10 =	sadd.s32 s10, s5  }
0xf: {  	s11 =	sadd.s32 s8, s5;
	s8 =	sadd.s32 s26, s5;
	s12 =	sadd.s32 s7, s5  }
0x10: {  	s5 =	sadd.s32 $0x41800, s8;
	s7 =	sadd.s32 $0xD800, s10;
	s8 =	sadd.s32 $0x3200, s11  }
0x11: {  	s9 =	sadd.s32 $0xDA80, s10;
	s10 =	sadd.s32 $0x3480, s11;
	s11 =	sadd.s32 $0x69800, s12  }
0x12: {  	s12 =	smax.u32 s13, $0x1;
	s13 =	sshrl.u32 s14, $0x3;
	s14 =	simm.s32 $0x3  }
.LBB2_1:
0x13: {  	[spmem:s13], [sflag:s6] =	dma.local [hbm:s5], $0x2800  }
0x14: {  	_ =	swait.ge [sflag:s14], $0x2800  }
0x15: {  	[sflag:s14] =	ssyncset.done $0x0  }
0x16: {  	[sflag:s14] =	ssyncadd.s32 $0xFFFFD800  }
0x17: {  	[bflag:$0x0] =	sbarrier.arrive $0xFFFF  }
0x18: {  	[tilespmem:s3], [sflag:$0x3] =	stream.linear.gather [hbm4b:s7+s3], $0x1800, $0x38;
	[tilespmem:$0x1EC00] =	vst v63  }
0x19: {  	_ =	swait.ge [sflag:s14], $0x1800  }
0x1a: {  	[sflag:s14] =	ssyncset.done $0x0  }
0x1b: {  	[sflag:s14] =	ssyncadd.s32 $0xFFFFE800  }
0x1c: {  	[tilespmem:s15], [sflag:$0x3] =	stream.linear.gather [hbm4b:s8+s3], $0x1400, $0x38;
	[tilespmem:$0x1EC00] =	vst v63  }
0x1d: {  	_ =	swait.ge [sflag:s14], $0x1400  }
0x1e: {  	[sflag:s14] =	ssyncset.done $0x0  }
0x1f: {  	[sflag:s14] =	ssyncadd.s32 $0xFFFFEC00  }
0x20: {  	[tilespmem:s17], [sflag:$0x1] =	stream.indirect.gather [hbm4b:s4+s16], $0x80, s3, s16, $0xb8;
	[tilespmem:$0x1EC00] =	vst v63  }
0x21: {  	_ = 	snop  }
0x22: {  	[tilespmem:s18], [sflag:$0x2] =	stream.indirect.gather [hbm4b:s4+s16], $0x80, s16, s16, $0xb8;
	[tilespmem:$0x1EC00] =	vst v63  }
0x23: {  	_ =	swait.ge [sflag:s19], $0x4000  }
0x24: {  	[sflag:s19] =	ssyncset.done $0x0  }
0x25: {  	s22 =	simm.s32 $0x1800;
	[sflag:s19] =	ssyncadd.s32 $0xFFFFC000  }
0x26: {  	[spmem:s2] =	stream.indirect.scatter.add.f32 [tilespmem:s17], [sflag:$0x3], $0x80, s22, s16, $0xb8;
	[tilespmem:$0x1EC00] =	vst v63  }
0x27: {  	_ =	swait.ge [sflag:s14], $0x4000  }
0x28: {  	[sflag:s14] =	ssyncset.done $0x0  }
0x29: {  	s30 =	simm.s32 $0x100;
	[sflag:s14] =	ssyncadd.s32 $0xFFFFC000  }
0x2a: {  	[tilespmem:s17], [sflag:$0x1] =	stream.indirect.gather [hbm4b:s4+s16], $0x80, s30, s16, $0xb8;
	[tilespmem:$0x1EC00] =	vst v63  }
0x2b: {  	_ =	swait.ge [sflag:s20], $0x4000  }
0x2c: {  	[sflag:s20] =	ssyncset.done $0x0  }
0x2d: {  	s31 =	simm.s32 $0x1880;
	[sflag:s20] =	ssyncadd.s32 $0xFFFFC000  }
0x2e: {  	[spmem:s2] =	stream.indirect.scatter.add.f32 [tilespmem:s18], [sflag:$0x3], $0x80, s31, s16, $0xb8;
	[tilespmem:$0x1EC00] =	vst v63  }
0x2f: {  	_ =	swait.ge [sflag:s14], $0x4000  }
0x30: {  	[sflag:s14] =	ssyncset.done $0x0  }
0x31: {  	s23 =	simm.s32 $0x180;
	s22 =	simm.s32 $0x400;
	[sflag:s14] =	ssyncadd.s32 $0xFFFFC000  }
.LBB2_2:
0x32: {  	[tilespmem:s18], [sflag:$0x2] =	stream.indirect.gather [hbm4b:s4+s16], $0x80, s23, s16, $0xb8;
	[tilespmem:$0x1EC00] =	vst v63  }
0x33: {  	s23 =	smov.u32 s22  }
0x34: {  	p0 =	sne.s32 s22, $0x4C00;
	s22 =	sadd.s32 $0x400, s22;
	_ =	swait.ge [sflag:s19], $0x4000  }
0x35: {  	s23 =	sshra.s32 s23, $0x2;
	[sflag:s19] =	ssyncset.done $0x0  }
0x36: {  	s24 =	sadd.s32 $0x1800, s23;
	[sflag:s19] =	ssyncadd.s32 $0xFFFFC000  }
0x37: {  	[spmem:s2] =	stream.indirect.scatter.add.f32 [tilespmem:s17], [sflag:$0x3], $0x80, s24, s16, $0xb8;
	[tilespmem:$0x1EC00] =	vst v63  }
0x38: {  	_ =	swait.ge [sflag:s14], $0x4000  }
0x39: {  	[sflag:s14] =	ssyncset.done $0x0  }
0x3a: {  	s24 =	sadd.s32 $0x100, s23;
	[sflag:s14] =	ssyncadd.s32 $0xFFFFC000  }
0x3b: {  	[tilespmem:s17], [sflag:$0x1] =	stream.indirect.gather [hbm4b:s4+s16], $0x80, s24, s16, $0xb8;
	[tilespmem:$0x1EC00] =	vst v63  }
0x3c: {  	_ =	swait.ge [sflag:s20], $0x4000  }
0x3d: {  	[sflag:s20] =	ssyncset.done $0x0  }
.Ltmp0:
0x3e: {  	s24 =	sadd.s32 $0x1880, s23;
	[sflag:s20] =	ssyncadd.s32 $0xFFFFC000;
	(pc) =	sbr.rel @p0 .LBB2_2-.Ltmp0, $4  }
0x3f: {  	[spmem:s2] =	stream.indirect.scatter.add.f32 [tilespmem:s18], [sflag:$0x3], $0x80, s24, s16, $0xb8;
	[tilespmem:$0x1EC00] =	vst v63  }
0x40: {  	_ =	swait.ge [sflag:s14], $0x4000  }
0x41: {  	[sflag:s14] =	ssyncset.done $0x0  }
0x42: {  	s23 =	sadd.s32 $0x180, s23;
	[sflag:s14] =	ssyncadd.s32 $0xFFFFC000  }
0x43: {  	[tilespmem:s18], [sflag:$0x2] =	stream.indirect.gather [hbm4b:s4+s16], $0x80, s23, s16, $0xb8;
	[tilespmem:$0x1EC00] =	vst v63  }
0x44: {  	_ =	swait.ge [sflag:s19], $0x4000  }
0x45: {  	[sflag:s19] =	ssyncset.done $0x0  }
0x46: {  	[sflag:s19] =	ssyncadd.s32 $0xFFFFC000  }
0x47: {  	_ =	swait.ge [sflag:s20], $0x4000  }
0x48: {  	[sflag:s20] =	ssyncset.done $0x0  }
0x49: {  	s22 =	simm.s32 $0x0;
	[sflag:s20] =	ssyncadd.s32 $0xFFFFC000  }
0x4a: {  	[tilespmem:s22], [sflag:$0x3] =	stream.linear.gather [hbm4b:s9+s22], $0x1800, $0x38;
	[tilespmem:$0x1EC00] =	vst v63  }
0x4b: {  	_ =	swait.ge [sflag:s14], $0x1800  }
0x4c: {  	[sflag:s14] =	ssyncset.done $0x0  }
0x4d: {  	[sflag:s14] =	ssyncadd.s32 $0xFFFFE800  }
0x4e: {  	[tilespmem:s15], [sflag:$0x3] =	stream.linear.gather [hbm4b:s10+s22], $0x1400, $0x38;
	[tilespmem:$0x1EC00] =	vst v63  }
0x4f: {  	_ =	swait.ge [sflag:s14], $0x1400  }
0x50: {  	[sflag:s14] =	ssyncset.done $0x0  }
0x51: {  	[sflag:s14] =	ssyncadd.s32 $0xFFFFEC00  }
0x52: {  	[tilespmem:s17], [sflag:$0x1] =	stream.indirect.gather [hbm4b:s4+s16], $0x80, s22, s16, $0xb8;
	[tilespmem:$0x1EC00] =	vst v63  }
0x53: {  	_ = 	snop  }
0x54: {  	[tilespmem:s18], [sflag:$0x2] =	stream.indirect.gather [hbm4b:s4+s16], $0x80, s16, s16, $0xb8;
	[tilespmem:$0x1EC00] =	vst v63  }
0x55: {  	_ =	swait.ge [sflag:s19], $0x4000  }
0x56: {  	[sflag:s19] =	ssyncset.done $0x0  }
0x57: {  	s29 =	simm.s32 $0x1800;
	[sflag:s19] =	ssyncadd.s32 $0xFFFFC000  }
0x58: {  	[spmem:s2] =	stream.indirect.scatter.add.f32 [tilespmem:s17], [sflag:$0x3], $0x80, s29, s16, $0xb8;
	[tilespmem:$0x1EC00] =	vst v63  }
0x59: {  	_ =	swait.ge [sflag:s14], $0x4000  }
0x5a: {  	[sflag:s14] =	ssyncset.done $0x0  }
0x5b: {  	s30 =	simm.s32 $0x100;
	[sflag:s14] =	ssyncadd.s32 $0xFFFFC000  }
0x5c: {  	[tilespmem:s17], [sflag:$0x1] =	stream.indirect.gather [hbm4b:s4+s16], $0x80, s30, s16, $0xb8;
	[tilespmem:$0x1EC00] =	vst v63  }
0x5d: {  	_ =	swait.ge [sflag:s20], $0x4000  }
0x5e: {  	[sflag:s20] =	ssyncset.done $0x0  }
0x5f: {  	s31 =	simm.s32 $0x1880;
	[sflag:s20] =	ssyncadd.s32 $0xFFFFC000  }
0x60: {  	[spmem:s2] =	stream.indirect.scatter.add.f32 [tilespmem:s18], [sflag:$0x3], $0x80, s31, s16, $0xb8;
	[tilespmem:$0x1EC00] =	vst v63  }
0x61: {  	_ =	swait.ge [sflag:s14], $0x4000  }
0x62: {  	[sflag:s14] =	ssyncset.done $0x0  }
0x63: {  	s23 =	simm.s32 $0x180;
	s22 =	simm.s32 $0x400;
	[sflag:s14] =	ssyncadd.s32 $0xFFFFC000  }
.LBB2_4:
0x64: {  	[tilespmem:s18], [sflag:$0x2] =	stream.indirect.gather [hbm4b:s4+s16], $0x80, s23, s16, $0xb8;
	[tilespmem:$0x1EC00] =	vst v63  }
0x65: {  	s23 =	smov.u32 s22  }
0x66: {  	p0 =	sne.s32 s22, $0x4C00;
	s22 =	sadd.s32 $0x400, s22;
	_ =	swait.ge [sflag:s19], $0x4000  }
0x67: {  	s23 =	sshra.s32 s23, $0x2;
	[sflag:s19] =	ssyncset.done $0x0  }
0x68: {  	s24 =	sadd.s32 $0x1800, s23;
	[sflag:s19] =	ssyncadd.s32 $0xFFFFC000  }
0x69: {  	[spmem:s2] =	stream.indirect.scatter.add.f32 [tilespmem:s17], [sflag:$0x3], $0x80, s24, s16, $0xb8;
	[tilespmem:$0x1EC00] =	vst v63  }
0x6a: {  	_ =	swait.ge [sflag:s14], $0x4000  }
0x6b: {  	[sflag:s14] =	ssyncset.done $0x0  }
0x6c: {  	s24 =	sadd.s32 $0x100, s23;
	[sflag:s14] =	ssyncadd.s32 $0xFFFFC000  }
0x6d: {  	[tilespmem:s17], [sflag:$0x1] =	stream.indirect.gather [hbm4b:s4+s16], $0x80, s24, s16, $0xb8;
	[tilespmem:$0x1EC00] =	vst v63  }
0x6e: {  	_ =	swait.ge [sflag:s20], $0x4000  }
0x6f: {  	[sflag:s20] =	ssyncset.done $0x0  }
.Ltmp1:
0x70: {  	s24 =	sadd.s32 $0x1880, s23;
	[sflag:s20] =	ssyncadd.s32 $0xFFFFC000;
	(pc) =	sbr.rel @p0 .LBB2_4-.Ltmp1, $4  }
0x71: {  	[spmem:s2] =	stream.indirect.scatter.add.f32 [tilespmem:s18], [sflag:$0x3], $0x80, s24, s16, $0xb8;
	[tilespmem:$0x1EC00] =	vst v63  }
0x72: {  	_ =	swait.ge [sflag:s14], $0x4000  }
0x73: {  	[sflag:s14] =	ssyncset.done $0x0  }
0x74: {  	s23 =	sadd.s32 $0x180, s23;
	[sflag:s14] =	ssyncadd.s32 $0xFFFFC000  }
0x75: {  	[tilespmem:s18], [sflag:$0x2] =	stream.indirect.gather [hbm4b:s4+s16], $0x80, s23, s16, $0xb8;
	[tilespmem:$0x1EC00] =	vst v63  }
0x76: {  	_ =	swait.ge [sflag:s19], $0x4000  }
0x77: {  	[sflag:s19] =	ssyncset.done $0x0  }
0x78: {  	[sflag:s19] =	ssyncadd.s32 $0xFFFFC000  }
0x79: {  	_ =	swait.ge [sflag:s20], $0x4000  }
0x7a: {  	s21 =	sadd.s32 $0x1, s21;
	[sflag:s20] =	ssyncset.done $0x0  }
0x7b: {  	p0 =	sne.s32 s21, s12;
	[sflag:s20] =	ssyncadd.s32 $0xFFFFC000  }
.Ltmp2:
0x7c: {  	[bflag:$0x0] =	sbarrier.arrive $0xFFFF;
	(pc) =	sbr.rel @p0 .LBB2_1-.Ltmp2, $4  }
0x7d: {  	[hbm:s11], [sflag:s6] =	dma.local [spmem:s13], $0x2800  }
0x7e: {  	_ =	swait.ge [sflag:s14], $0x2800  }
0x7f: {  	[sflag:s14] =	ssyncset.done $0x0  }
0x80: {  	[sflag:s14] =	ssyncadd.s32 $0xFFFFD800  }
0x81: {  	_ =	sfence.sel $0x180000  }
0x82: {  	[bflag:$0x0] =	sbarrier.arrive $0xFFFF  }
0x83: {  	p0 =	sne.s32 s0, $0x0;
	_ =	strace $0x9000004A  }
0x84: {  	s0 =	sadd.s32 @!p0 $0x100000, s1;
	[bflag:$0x2] =	sbarrier.arrive $0xFFFF  }
0x85: {  	[sflag:s0] =	ssyncadd.tile.s32 @!p0 $0x1;
	_ =	shalt  }
.Lfunc_end2:
_tile_overlayer_lowered:
.L_overlay_start_2:
0x86: {  	(tag) =	ssettag $0x2  }
0x87: {  	s0 =	rddreg [dreg:$0x0];
	s2 =	stileid.u32  }
0x88: {  	s1 =	rddreg [dreg:$0x1];
	p0 =	sne.s32 s2, $0x0  }
0x89: {  	s3 =	rddreg [dreg:$0x2];
	[bflag:$0x3] =	sbarrier.arrive $0xFFFF;
	s2 =	simm.s32 @!p0 $0x1C03  }
0x8a: {  	[timem:s3], [sflag:s2] =	dma.local @!p0 [hbm:s0], s1  }
0x8b: {  	s0 =	simm.s32 @!p0 $0x3  }
0x8c: {  	_ =	swait.ge @!p0 [sflag:s0], s1  }
0x8d: {  	s1 =	ssub.s32 @!p0 $0x0, s1;
	[sflag:s0] =	ssyncset.done @!p0 $0x0  }
0x8e: {  	[sflag:s0] =	ssyncadd.s32 @!p0 s1  }
0x8f: {  	[bflag:$0x3] =	sbarrier.arrive $0xFFFF  }
0x90: {  	_ =	shalt  }

// kernel: kernel.16.cloned.1.call-start
scs
__scs_entry_jumppad:
0x0: {  	(pc) =	sbr.rel $0x88, $3  }
0x1: {  	(tag) =	ssettag $0x0;
	lr =	simm.s32 $0x1  }
0x2: {  	[smem:$0x3F96] =	sst lr;
	_ =	strace $0xD0000000  }
0x3: {  	_ = 	snop  }
0x4: {  	_ = 	snop  }
0x5: {  	_ = 	snop  }
0x6: {  	_ = 	snop  }
0x7: {  	_ = 	snop  }
__scs_overlays_trampoline_lowered:
0x8: {  	[smem:$0x3FA5] =	sst s0  }
0x9: {  	[smem:$0x3FA6] =	sst s1  }
0xa: {  	[smem:$0x3FA7] =	sst s2  }
0xb: {  	[smem:$0x3FA8] =	sst s3  }
0xc: {  	[smem:$0x3FA9] =	sst s4  }
0xd: {  	[smem:$0x3FAA] =	sst s5  }
0xe: {  	[smem:$0x3FAB] =	sst s6  }
0xf: {  	[smem:$0x3FAC] =	sst s7  }
0x10: {  	[smem:$0x3FAD] =	sst s8  }
0x11: {  	[smem:$0x3FAE] =	sst s9;
	s0 =	simm.s32 @!p0 $0x0  }
0x12: {  	s1 =	sld [smem:$0x3F94];
	s0 =	simm.s32 @p0 $0x1  }
0x13: {  	[smem:$0x3FAF] =	sst s0;
	s0 =	simm.s32 @!p1 $0x0  }
0x14: {  	s2 =	sld [smem:$0x3F93];
	s0 =	simm.s32 @p1 $0x1  }
0x15: {  	[smem:$0x3FB0] =	sst s0;
	s0 =	simm.s32 @!p2 $0x0  }
0x16: {  	s3 =	sld [smem:$0x3FDB];
	s0 =	simm.s32 @p2 $0x1  }
0x17: {  	s4 =	simm.s32 $0x1BF5;
	[smem:$0x3FB2] =	sst s0  }
0x18: {  	s0 =	sld [smem:$0x3F95];
	_ =	swait.ge [sflag:s4], $0x0  }
0x19: {  	s7 =	sld [smem:$0x3F96]  }
0x1a: {  	s8 =	sadd.s32 $0xFFFFE003, lr  }
0x1b: {  	s9 =	sadd.s32 $0xFFFFFEF7, lr;
	s5 =	simm.s32 $0xFFFFFFFF;
	p2 =	slt.u32 s8, $0xFFFFF086  }
0x1c: {  	p1 =	slt.u32 s9, $0xF7A;
	s5 =	simm.s32 @!p2 $0x0  }
0x1d: {  	s5 =	simm.s32 @p1 $0x1;
	p0 =	seq.s32 s7, s2  }
0x1e: {  	s7 =	smul.u32 @!p0 $0xF7A, s2;
	p2 =	seq.s32 @!p0 s5, $0x0  }
0x1f: {  	s9 =	smul.u32 $0xF7A, s1;
	s8 =	simm.s32 @!p0 $0x1BF5;
	p2 =	por !p2, p0  }
0x20: {  	[sflag:s8] =	ssyncset.s32 @!p0 $0xFFFFF086;
	s6 =	sadd.s32 @!p0 s3, s7;
	s7 =	simm.s32 @!p0 $0x108  }
0x21: {  	s3 =	sadd.s32 s3, s9;
	s6 =	sadd.s32 @!p0 $0x88, s6;
	s7 =	simm.s32 @p2 $0x1082  }
0x22: {  	[simem:s7], [sflag:s8] =	dma.local @!p0 [hbm:s6], $0xF7A  }
0x23: {  	s9 =	sor.u32 $0xD0000000, s2;
	s6 =	simm.s32 $0x108;
	_ =	swait.ge @!p0 [sflag:s8], $0x0  }
0x24: {  	s3 =	sadd.s32 $0x88, s3;
	s6 =	simm.s32 @!p1 $0x1082;
	[sflag:s4] =	ssyncset.s32 $0xFFFFF086  }
0x25: {  	[simem:s6], [sflag:s4] =	dma.local [hbm:s3], $0xF7A  }
0x26: {  	[smem:$0x3F96] =	sst s1;
	(tag) =	ssettag s2;
	_ =	strace s9  }
0x27: {  	s1 =	sld [smem:$0x3FA6]  }
0x28: {  	s2 =	sld [smem:$0x3FA7]  }
0x29: {  	s4 =	sld [smem:$0x3FA9]  }
0x2a: {  	p0 =	seq.s32 s5, $0x0;
	s5 =	sld [smem:$0x3FAA]  }
0x2b: {  	s6 =	sld [smem:$0x3FAB]  }
0x2c: {  	s7 =	sld [smem:$0x3FAC]  }
0x2d: {  	s3 =	simm.s32 $0x108;
	s8 =	sld [smem:$0x3FAD]  }
0x2e: {  	s3 =	simm.s32 @!p0 $0x1082;
	s9 =	sld [smem:$0x3FAE]  }
0x2f: {  	lr =	sadd.s32 s0, s3;
	s0 =	sld [smem:$0x3FA5]  }
0x30: {  	s3 =	sld [smem:$0x3FA8]  }
0x31: {  	[smem:$0x3FB1] =	sst s10  }
0x32: {  	s10 =	sld [smem:$0x3FAF];
	_ =	sdelay $0x3  }
0x33: {  	p0 =	seq.s32 s10, $0x1;
	s10 =	sld [smem:$0x3FB1];
	_ =	sdelay $0x3  }
0x34: {  	[smem:$0x3FB1] =	sst s10  }
0x35: {  	s10 =	sld [smem:$0x3FB0];
	_ =	sdelay $0x3  }
0x36: {  	p1 =	seq.s32 s10, $0x1;
	s10 =	sld [smem:$0x3FB1];
	_ =	sdelay $0x3  }
0x37: {  	[smem:$0x3FB1] =	sst s10  }
0x38: {  	s10 =	sld [smem:$0x3FB2]  }
0x39: {  	_ = 	snop;
	(pc) =	sbr.ind lr, $3  }
0x3a: {  	_ = 	snop  }
0x3b: {  	_ = 	snop  }
0x3c: {  	p2 =	seq.s32 s10, $0x1;
	s10 =	sld [smem:$0x3FB1]  }
0x3d: {  	_ =	shalt  }
0x3e: {  	_ =	shalt  }
0x3f: {  	_ =	shalt  }
0x40: {  	_ =	shalt  }
0x41: {  	_ =	shalt  }
0x42: {  	_ =	shalt  }
0x43: {  	_ =	shalt  }
0x44: {  	_ =	shalt  }
0x45: {  	_ =	shalt  }
0x46: {  	_ =	shalt  }
0x47: {  	_ =	shalt  }
0x48: {  	_ =	shalt  }
0x49: {  	_ =	shalt  }
0x4a: {  	_ =	shalt  }
0x4b: {  	_ =	shalt  }
0x4c: {  	_ =	shalt  }
0x4d: {  	_ =	shalt  }
0x4e: {  	_ =	shalt  }
0x4f: {  	_ =	shalt  }
0x50: {  	_ =	shalt  }
0x51: {  	_ =	shalt  }
0x52: {  	_ =	shalt  }
0x53: {  	_ =	shalt  }
0x54: {  	_ =	shalt  }
0x55: {  	_ =	shalt  }
0x56: {  	_ =	shalt  }
0x57: {  	_ =	shalt  }
0x58: {  	_ =	shalt  }
0x59: {  	_ =	shalt  }
0x5a: {  	_ =	shalt  }
0x5b: {  	_ =	shalt  }
0x5c: {  	_ =	shalt  }
0x5d: {  	_ =	shalt  }
0x5e: {  	_ =	shalt  }
0x5f: {  	_ =	shalt  }
0x60: {  	_ =	shalt  }
0x61: {  	_ =	shalt  }
0x62: {  	_ =	shalt  }
0x63: {  	_ =	shalt  }
0x64: {  	_ =	shalt  }
0x65: {  	_ =	shalt  }
0x66: {  	_ =	shalt  }
0x67: {  	_ =	shalt  }
0x68: {  	_ =	shalt  }
0x69: {  	_ =	shalt  }
0x6a: {  	_ =	shalt  }
0x6b: {  	_ =	shalt  }
0x6c: {  	_ =	shalt  }
0x6d: {  	_ =	shalt  }
0x6e: {  	_ =	shalt  }
0x6f: {  	_ =	shalt  }
0x70: {  	_ =	shalt  }
0x71: {  	_ =	shalt  }
0x72: {  	_ =	shalt  }
0x73: {  	_ =	shalt  }
0x74: {  	_ =	shalt  }
0x75: {  	_ =	shalt  }
0x76: {  	_ =	shalt  }
0x77: {  	_ =	shalt  }
0x78: {  	_ =	shalt  }
0x79: {  	_ =	shalt  }
0x7a: {  	_ =	shalt  }
0x7b: {  	_ =	shalt  }
0x7c: {  	_ =	shalt  }
0x7d: {  	_ =	shalt  }
0x7e: {  	_ =	shalt  }
0x7f: {  	_ =	shalt  }
0x80: {  	_ =	shalt  }
0x81: {  	_ =	shalt  }
0x82: {  	_ =	shalt  }
0x83: {  	_ =	shalt  }
0x84: {  	_ =	shalt  }
0x85: {  	_ =	shalt  }
0x86: {  	_ =	shalt  }
0x87: {  	_ =	shalt  }
.Lfunc_end0:
.L_simem_size_0:
called_computation.2_lowered:
.L_overlay_start_0:
0x88: {  	s2 =	sld [smem:$0x3FD9]  }
0x89: {  	s3 =	sld [smem:$0x3FFE];
	_ =	sdelay $0x1  }
0x8a: {  	s1 =	srdreg.scid  }
0x8b: {  	s0 =	sand.u32 $0x1, s1  }
0x8c: {  	s16 =	sshll.u32 s0, $0xA;
	s2 =	sadd.s32 s3, s2  }
0x8d: {  	s2 =	sadd.s32 s2, s16  }
0x8e: {  	[smem:$0x3FBD] =	sst s2  }
0x8f: {  	_ = 	snop  }
0x90: {  	(tm) =	ssettm $0x1  }
0x91: {  	s17 =	sld [smem:$0x3FFB];
	_ =	sdelay $0x3  }
0x92: {  	_ =	strace s17  }
0x93: {  	s2 =	sld [smem:$0x3FFC];
	_ =	sdelay $0x3  }
0x94: {  	_ =	strace s2  }
0x95: {  	s2 =	sld [smem:$0x3FFD];
	_ =	sdelay $0x3  }
0x96: {  	_ =	strace s2  }
0x97: {  	_ =	strace $0x8FFFFFFF  }
0x98: {  	s18 =	sld [smem:$0x3FDB];
	_ =	sdelay $0x1  }
0x99: {  	s19 =	simm.s32 $_scs_section_size  }
0x9a: {  	s4 =	simm.s32 $_size__tile_overlayer_lowered;
	s5 =	simm.s32 $_tile_overlayer_lowered  }
0x9b: {  	s22 =	simm.s32 $0x1BFF;
	s21 =	sshll.u32 s5, $0x1;
	s2 =	sadd.s32 s19, s18  }
0x9c: {  	s6 =	simm.s32 $0x0;
	s20 =	sshll.u32 s4, $0x1;
	s4 =	sadd.s32 s21, s2  }
0x9d: {  	[timem:s6], [sflag:s22] =	dma.local [hbm:s4], s20  }
0x9e: {  	_ =	swait.ge [sflag:s22], s20  }
0x9f: {  	s3 =	ssub.s32 $0x0, s20;
	[sflag:s22] =	ssyncset.done $0x0  }
0xa0: {  	[sflag:s22] =	ssyncadd.s32 s3;
	_ =	sdelay $0x1  }
0xa1: {  	s23 =	simm.s32 $0x1B8B  }
0xa2: {  	_ =	swait.ge [sflag:s23], $0x1  }
0xa3: {  	[sflag:s23] =	ssyncset.done $0x0  }
0xa4: {  	s25 =	simm.s32 $0x1B8E;
	s24 =	sld [smem:$0x3FFE];
	[sflag:s23] =	ssyncadd.s32 $0xFFFFFFFF  }
0xa5: {  	s26 =	simm.s32 $execute0_lowered;
	[smem:$0x3FD2] =	sst s25  }
0xa6: {  	s4 =	sshll.u32 s26, $0x1;
	_ =	strace $0x8000004C;
	[dreg:$0x1] =	wrdreg $0xFFFFFFFF  }
0xa7: {  	s28 =	simm.s32 $_size_execute0_lowered;
	s2 =	sadd.s32 s2, s4;
	[dreg:$0x0] =	wrdreg $0x0  }
0xa8: {  	s4 =	sshll.u32 s28, $0x1;
	[dreg:$0x2] =	wrdreg s2  }
0xa9: {  	[dreg:$0x3] =	wrdreg s4  }
0xaa: {  	[dreg:$0x4] =	wrdreg $0xC0  }
0xab: {  	_ =	task [dreg:s6], $0x5FFFF  }
0xac: {  	[dreg:$0x1] =	wrdreg $0xFFFFFFFF  }
0xad: {  	[dreg:$0x0] =	wrdreg $0x60  }
0xae: {  	[dreg:$0x2] =	wrdreg s24  }
0xaf: {  	[dreg:$0x3] =	wrdreg $0xAC000  }
0xb0: {  	[dreg:$0x4] =	wrdreg $0x9  }
0xb1: {  	_ =	task.clear_ibuf [dreg:s6], $0x5FFFF;
	_ =	strace $0x9000004C  }
0xb2: {  	s29 =	simm.s32 $0x9;
	_ =	strace $0x8000004E  }
0xb3: {  	_ =	swait.ge [sflag:s29], $0x1  }
0xb4: {  	[sflag:s29] =	ssyncadd.s32 $0xFFFFFFFF  }
0xb5: {  	_ =	strace $0x9000004E  }
0xb6: {  	_ =	sfence  }
0xb7: {  	s30 =	sld [smem:$0x0];
	_ =	sdelay $0x2  }
0xb8: {  	s31 =	sshll.u32 s1, $0xD;
	s1 =	sshrl.u32 s1, $0x2  }
0xb9: {  	s3 =	sand.u32 $0x4000, s31;
	s1 =	sadd.s32 s1, s30  }
0xba: {  	s0 =	sor.u32 s3, s0;
	s1 =	sshll.u32 s1, $0x11  }
0xbb: {  	s0 =	sor.u32 s1, s0  }
0xbc: {  	s0 =	sadd.s32 $0x8F2B, s0  }
0xbd: {  	[sflag:s0] =	ssyncadd.remote.s32 $0x1  }
0xbe: {  	_ =	sfence.sel $0xFFFF  }
0xbf: {  	[dreg:$0x0] =	wrdreg $0xFFFFFFFF;
	(pc) =	sbr.abs _section_cstart, $3  }
0xc0: {  	[dreg:$0x1] =	wrdreg $0xFFFFFFFF  }
0xc1: {  	_ =	task.clear_ibuf [dreg:s6], $0x2FFFF;
	_ =	strace $0x9FFFFFFF  }
0xc2: {  	(tm) =	ssettm $0x7FFFFFFF  }
0xc3: {  	_ =	shalt  }
tec
execute0_lowered:
.L_overlay_start_1:
0x0: {  	(tag) =	ssettag $0x1  }
0x1: {  	s0 =	srdreg.scid;
	s5 =	rddreg [dreg:$0x0]  }
0x2: {  	s2 =	rddreg [dreg:$0x1];
	s6 =	sand.u32 $0x1, s0  }
0x3: {  	s0 =	stileid.u32;
	s4 =	smul.u32 $0x30000, s6  }
0x4: {  	s1 =	rddreg [dreg:$0x2];
	s3 =	simm.s32 $0x0;
	s7 =	smul.u32 $0x3000, s0  }
0x5: {  	s15 =	simm.s32 $0x1800;
	s16 =	simm.s32 $0x80;
	s8 =	smul.u32 $0x28000, s6  }
0x6: {  	s17 =	simm.s32 $0x2C00;
	s18 =	simm.s32 $0x6C00;
	s9 =	smul.u32 $0x2800, s0  }
0x7: {  	s19 =	simm.s32 $0x1;
	s20 =	simm.s32 $0x2;
	s24 =	smul.u32 $0x14000, s0  }
0x8: {  	s21 =	simm.s32 $0x0;
	[smem:$0x7FF] =	sst s3;
	s25 =	smul.u32 $0x140000, s6  }
0x9: {  	_ =	strace $0x8000004D;
	s6 =	ssub.s32 $0x2, s6;
	s28 =	smul.u32 $0x50000, s0  }
0xa: {  	s31 =	sshll.u32 s0, $0x6;
	s29 =	sshrl.u32 s6, $0x1;
	s4 =	sadd.s32 s7, s4  }
0xb: {  	s8 =	sadd.s32 s9, s8;
	s26 =	sshrl.u32 s24, $0x3;
	s7 =	sadd.s32 s24, s25  }
0xc: {  	s13 =	ssub.s32 s6, s29;
	s30 =	sshrl.u32 s28, $0x2;
	s6 =	sor.u32 $0x1C03, s31  }
0xd: {  	s10 =	sshrl.u32 s4, $0x3;
	s4 =	sadd.s32 $0x19800, s5;
	s8 =	sshrl.u32 s8, $0x3  }
0xe: {  	s7 =	sshrl.u32 s7, $0x3;
	s14 =	sadd.s32 s30, s2;
	s10 =	sadd.s32 s10, s5  }
0xf: {  	s11 =	sadd.s32 s8, s5;
	s8 =	sadd.s32 s26, s5;
	s12 =	sadd.s32 s7, s5  }
0x10: {  	s5 =	sadd.s32 $0x41800, s8;
	s7 =	sadd.s32 $0xD800, s10;
	s8 =	sadd.s32 $0x3200, s11  }
0x11: {  	s9 =	sadd.s32 $0xDA80, s10;
	s10 =	sadd.s32 $0x3480, s11;
	s11 =	sadd.s32 $0x69800, s12  }
0x12: {  	s12 =	smax.u32 s13, $0x1;
	s13 =	sshrl.u32 s14, $0x3;
	s14 =	simm.s32 $0x3  }
.LBB2_1:
0x13: {  	[spmem:s13], [sflag:s6] =	dma.local [hbm:s5], $0x2800  }
0x14: {  	_ =	swait.ge [sflag:s14], $0x2800  }
0x15: {  	[sflag:s14] =	ssyncset.done $0x0  }
0x16: {  	[sflag:s14] =	ssyncadd.s32 $0xFFFFD800  }
0x17: {  	[bflag:$0x0] =	sbarrier.arrive $0xFFFF  }
0x18: {  	[tilespmem:s3], [sflag:$0x3] =	stream.linear.gather [hbm4b:s7+s3], $0x1800, $0x38;
	[tilespmem:$0x1EC00] =	vst v63  }
0x19: {  	_ =	swait.ge [sflag:s14], $0x1800  }
0x1a: {  	[sflag:s14] =	ssyncset.done $0x0  }
0x1b: {  	[sflag:s14] =	ssyncadd.s32 $0xFFFFE800  }
0x1c: {  	[tilespmem:s15], [sflag:$0x3] =	stream.linear.gather [hbm4b:s8+s3], $0x1400, $0x38;
	[tilespmem:$0x1EC00] =	vst v63  }
0x1d: {  	_ =	swait.ge [sflag:s14], $0x1400  }
0x1e: {  	[sflag:s14] =	ssyncset.done $0x0  }
0x1f: {  	[sflag:s14] =	ssyncadd.s32 $0xFFFFEC00  }
0x20: {  	[tilespmem:s17], [sflag:$0x1] =	stream.indirect.gather [hbm4b:s4+s16], $0x80, s3, s16, $0xb8;
	[tilespmem:$0x1EC00] =	vst v63  }
0x21: {  	_ = 	snop  }
0x22: {  	[tilespmem:s18], [sflag:$0x2] =	stream.indirect.gather [hbm4b:s4+s16], $0x80, s16, s16, $0xb8;
	[tilespmem:$0x1EC00] =	vst v63  }
0x23: {  	_ =	swait.ge [sflag:s19], $0x4000  }
0x24: {  	[sflag:s19] =	ssyncset.done $0x0  }
0x25: {  	s22 =	simm.s32 $0x1800;
	[sflag:s19] =	ssyncadd.s32 $0xFFFFC000  }
0x26: {  	[spmem:s2] =	stream.indirect.scatter.add.f32 [tilespmem:s17], [sflag:$0x3], $0x80, s22, s16, $0xb8;
	[tilespmem:$0x1EC00] =	vst v63  }
0x27: {  	_ =	swait.ge [sflag:s14], $0x4000  }
0x28: {  	[sflag:s14] =	ssyncset.done $0x0  }
0x29: {  	s30 =	simm.s32 $0x100;
	[sflag:s14] =	ssyncadd.s32 $0xFFFFC000  }
0x2a: {  	[tilespmem:s17], [sflag:$0x1] =	stream.indirect.gather [hbm4b:s4+s16], $0x80, s30, s16, $0xb8;
	[tilespmem:$0x1EC00] =	vst v63  }
0x2b: {  	_ =	swait.ge [sflag:s20], $0x4000  }
0x2c: {  	[sflag:s20] =	ssyncset.done $0x0  }
0x2d: {  	s31 =	simm.s32 $0x1880;
	[sflag:s20] =	ssyncadd.s32 $0xFFFFC000  }
0x2e: {  	[spmem:s2] =	stream.indirect.scatter.add.f32 [tilespmem:s18], [sflag:$0x3], $0x80, s31, s16, $0xb8;
	[tilespmem:$0x1EC00] =	vst v63  }
0x2f: {  	_ =	swait.ge [sflag:s14], $0x4000  }
0x30: {  	[sflag:s14] =	ssyncset.done $0x0  }
0x31: {  	s23 =	simm.s32 $0x180;
	s22 =	simm.s32 $0x400;
	[sflag:s14] =	ssyncadd.s32 $0xFFFFC000  }
.LBB2_2:
0x32: {  	[tilespmem:s18], [sflag:$0x2] =	stream.indirect.gather [hbm4b:s4+s16], $0x80, s23, s16, $0xb8;
	[tilespmem:$0x1EC00] =	vst v63  }
0x33: {  	s23 =	smov.u32 s22  }
0x34: {  	p0 =	sne.s32 s22, $0x4C00;
	s22 =	sadd.s32 $0x400, s22;
	_ =	swait.ge [sflag:s19], $0x4000  }
0x35: {  	s23 =	sshra.s32 s23, $0x2;
	[sflag:s19] =	ssyncset.done $0x0  }
0x36: {  	s24 =	sadd.s32 $0x1800, s23;
	[sflag:s19] =	ssyncadd.s32 $0xFFFFC000  }
0x37: {  	[spmem:s2] =	stream.indirect.scatter.add.f32 [tilespmem:s17], [sflag:$0x3], $0x80, s24, s16, $0xb8;
	[tilespmem:$0x1EC00] =	vst v63  }
0x38: {  	_ =	swait.ge [sflag:s14], $0x4000  }
0x39: {  	[sflag:s14] =	ssyncset.done $0x0  }
0x3a: {  	s24 =	sadd.s32 $0x100, s23;
	[sflag:s14] =	ssyncadd.s32 $0xFFFFC000  }
0x3b: {  	[tilespmem:s17], [sflag:$0x1] =	stream.indirect.gather [hbm4b:s4+s16], $0x80, s24, s16, $0xb8;
	[tilespmem:$0x1EC00] =	vst v63  }
0x3c: {  	_ =	swait.ge [sflag:s20], $0x4000  }
0x3d: {  	[sflag:s20] =	ssyncset.done $0x0  }
.Ltmp0:
0x3e: {  	s24 =	sadd.s32 $0x1880, s23;
	[sflag:s20] =	ssyncadd.s32 $0xFFFFC000;
	(pc) =	sbr.rel @p0 .LBB2_2-.Ltmp0, $4  }
0x3f: {  	[spmem:s2] =	stream.indirect.scatter.add.f32 [tilespmem:s18], [sflag:$0x3], $0x80, s24, s16, $0xb8;
	[tilespmem:$0x1EC00] =	vst v63  }
0x40: {  	_ =	swait.ge [sflag:s14], $0x4000  }
0x41: {  	[sflag:s14] =	ssyncset.done $0x0  }
0x42: {  	s23 =	sadd.s32 $0x180, s23;
	[sflag:s14] =	ssyncadd.s32 $0xFFFFC000  }
0x43: {  	[tilespmem:s18], [sflag:$0x2] =	stream.indirect.gather [hbm4b:s4+s16], $0x80, s23, s16, $0xb8;
	[tilespmem:$0x1EC00] =	vst v63  }
0x44: {  	_ =	swait.ge [sflag:s19], $0x4000  }
0x45: {  	[sflag:s19] =	ssyncset.done $0x0  }
0x46: {  	[sflag:s19] =	ssyncadd.s32 $0xFFFFC000  }
0x47: {  	_ =	swait.ge [sflag:s20], $0x4000  }
0x48: {  	[sflag:s20] =	ssyncset.done $0x0  }
0x49: {  	s22 =	simm.s32 $0x0;
	[sflag:s20] =	ssyncadd.s32 $0xFFFFC000  }
0x4a: {  	[tilespmem:s22], [sflag:$0x3] =	stream.linear.gather [hbm4b:s9+s22], $0x1800, $0x38;
	[tilespmem:$0x1EC00] =	vst v63  }
0x4b: {  	_ =	swait.ge [sflag:s14], $0x1800  }
0x4c: {  	[sflag:s14] =	ssyncset.done $0x0  }
0x4d: {  	[sflag:s14] =	ssyncadd.s32 $0xFFFFE800  }
0x4e: {  	[tilespmem:s15], [sflag:$0x3] =	stream.linear.gather [hbm4b:s10+s22], $0x1400, $0x38;
	[tilespmem:$0x1EC00] =	vst v63  }
0x4f: {  	_ =	swait.ge [sflag:s14], $0x1400  }
0x50: {  	[sflag:s14] =	ssyncset.done $0x0  }
0x51: {  	[sflag:s14] =	ssyncadd.s32 $0xFFFFEC00  }
0x52: {  	[tilespmem:s17], [sflag:$0x1] =	stream.indirect.gather [hbm4b:s4+s16], $0x80, s22, s16, $0xb8;
	[tilespmem:$0x1EC00] =	vst v63  }
0x53: {  	_ = 	snop  }
0x54: {  	[tilespmem:s18], [sflag:$0x2] =	stream.indirect.gather [hbm4b:s4+s16], $0x80, s16, s16, $0xb8;
	[tilespmem:$0x1EC00] =	vst v63  }
0x55: {  	_ =	swait.ge [sflag:s19], $0x4000  }
0x56: {  	[sflag:s19] =	ssyncset.done $0x0  }
0x57: {  	s29 =	simm.s32 $0x1800;
	[sflag:s19] =	ssyncadd.s32 $0xFFFFC000  }
0x58: {  	[spmem:s2] =	stream.indirect.scatter.add.f32 [tilespmem:s17], [sflag:$0x3], $0x80, s29, s16, $0xb8;
	[tilespmem:$0x1EC00] =	vst v63  }
0x59: {  	_ =	swait.ge [sflag:s14], $0x4000  }
0x5a: {  	[sflag:s14] =	ssyncset.done $0x0  }
0x5b: {  	s30 =	simm.s32 $0x100;
	[sflag:s14] =	ssyncadd.s32 $0xFFFFC000  }
0x5c: {  	[tilespmem:s17], [sflag:$0x1] =	stream.indirect.gather [hbm4b:s4+s16], $0x80, s30, s16, $0xb8;
	[tilespmem:$0x1EC00] =	vst v63  }
0x5d: {  	_ =	swait.ge [sflag:s20], $0x4000  }
0x5e: {  	[sflag:s20] =	ssyncset.done $0x0  }
0x5f: {  	s31 =	simm.s32 $0x1880;
	[sflag:s20] =	ssyncadd.s32 $0xFFFFC000  }
0x60: {  	[spmem:s2] =	stream.indirect.scatter.add.f32 [tilespmem:s18], [sflag:$0x3], $0x80, s31, s16, $0xb8;
	[tilespmem:$0x1EC00] =	vst v63  }
0x61: {  	_ =	swait.ge [sflag:s14], $0x4000  }
0x62: {  	[sflag:s14] =	ssyncset.done $0x0  }
0x63: {  	s23 =	simm.s32 $0x180;
	s22 =	simm.s32 $0x400;
	[sflag:s14] =	ssyncadd.s32 $0xFFFFC000  }
.LBB2_4:
0x64: {  	[tilespmem:s18], [sflag:$0x2] =	stream.indirect.gather [hbm4b:s4+s16], $0x80, s23, s16, $0xb8;
	[tilespmem:$0x1EC00] =	vst v63  }
0x65: {  	s23 =	smov.u32 s22  }
0x66: {  	p0 =	sne.s32 s22, $0x4C00;
	s22 =	sadd.s32 $0x400, s22;
	_ =	swait.ge [sflag:s19], $0x4000  }
0x67: {  	s23 =	sshra.s32 s23, $0x2;
	[sflag:s19] =	ssyncset.done $0x0  }
0x68: {  	s24 =	sadd.s32 $0x1800, s23;
	[sflag:s19] =	ssyncadd.s32 $0xFFFFC000  }
0x69: {  	[spmem:s2] =	stream.indirect.scatter.add.f32 [tilespmem:s17], [sflag:$0x3], $0x80, s24, s16, $0xb8;
	[tilespmem:$0x1EC00] =	vst v63  }
0x6a: {  	_ =	swait.ge [sflag:s14], $0x4000  }
0x6b: {  	[sflag:s14] =	ssyncset.done $0x0  }
0x6c: {  	s24 =	sadd.s32 $0x100, s23;
	[sflag:s14] =	ssyncadd.s32 $0xFFFFC000  }
0x6d: {  	[tilespmem:s17], [sflag:$0x1] =	stream.indirect.gather [hbm4b:s4+s16], $0x80, s24, s16, $0xb8;
	[tilespmem:$0x1EC00] =	vst v63  }
0x6e: {  	_ =	swait.ge [sflag:s20], $0x4000  }
0x6f: {  	[sflag:s20] =	ssyncset.done $0x0  }
.Ltmp1:
0x70: {  	s24 =	sadd.s32 $0x1880, s23;
	[sflag:s20] =	ssyncadd.s32 $0xFFFFC000;
	(pc) =	sbr.rel @p0 .LBB2_4-.Ltmp1, $4  }
0x71: {  	[spmem:s2] =	stream.indirect.scatter.add.f32 [tilespmem:s18], [sflag:$0x3], $0x80, s24, s16, $0xb8;
	[tilespmem:$0x1EC00] =	vst v63  }
0x72: {  	_ =	swait.ge [sflag:s14], $0x4000  }
0x73: {  	[sflag:s14] =	ssyncset.done $0x0  }
0x74: {  	s23 =	sadd.s32 $0x180, s23;
	[sflag:s14] =	ssyncadd.s32 $0xFFFFC000  }
0x75: {  	[tilespmem:s18], [sflag:$0x2] =	stream.indirect.gather [hbm4b:s4+s16], $0x80, s23, s16, $0xb8;
	[tilespmem:$0x1EC00] =	vst v63  }
0x76: {  	_ =	swait.ge [sflag:s19], $0x4000  }
0x77: {  	[sflag:s19] =	ssyncset.done $0x0  }
0x78: {  	[sflag:s19] =	ssyncadd.s32 $0xFFFFC000  }
0x79: {  	_ =	swait.ge [sflag:s20], $0x4000  }
0x7a: {  	s21 =	sadd.s32 $0x1, s21;
	[sflag:s20] =	ssyncset.done $0x0  }
0x7b: {  	p0 =	sne.s32 s21, s12;
	[sflag:s20] =	ssyncadd.s32 $0xFFFFC000  }
.Ltmp2:
0x7c: {  	[bflag:$0x0] =	sbarrier.arrive $0xFFFF;
	(pc) =	sbr.rel @p0 .LBB2_1-.Ltmp2, $4  }
0x7d: {  	[hbm:s11], [sflag:s6] =	dma.local [spmem:s13], $0x2800  }
0x7e: {  	_ =	swait.ge [sflag:s14], $0x2800  }
0x7f: {  	[sflag:s14] =	ssyncset.done $0x0  }
0x80: {  	[sflag:s14] =	ssyncadd.s32 $0xFFFFD800  }
0x81: {  	_ =	sfence.sel $0x180000  }
0x82: {  	[bflag:$0x0] =	sbarrier.arrive $0xFFFF  }
0x83: {  	p0 =	sne.s32 s0, $0x0;
	_ =	strace $0x9000004D  }
0x84: {  	s0 =	sadd.s32 @!p0 $0x100000, s1;
	[bflag:$0x2] =	sbarrier.arrive $0xFFFF  }
0x85: {  	[sflag:s0] =	ssyncadd.tile.s32 @!p0 $0x1;
	_ =	shalt  }
.Lfunc_end2:
_tile_overlayer_lowered:
.L_overlay_start_2:
0x86: {  	(tag) =	ssettag $0x2  }
0x87: {  	s0 =	rddreg [dreg:$0x0];
	s2 =	stileid.u32  }
0x88: {  	s1 =	rddreg [dreg:$0x1];
	p0 =	sne.s32 s2, $0x0  }
0x89: {  	s3 =	rddreg [dreg:$0x2];
	[bflag:$0x3] =	sbarrier.arrive $0xFFFF;
	s2 =	simm.s32 @!p0 $0x1C03  }
0x8a: {  	[timem:s3], [sflag:s2] =	dma.local @!p0 [hbm:s0], s1  }
0x8b: {  	s0 =	simm.s32 @!p0 $0x3  }
0x8c: {  	_ =	swait.ge @!p0 [sflag:s0], s1  }
0x8d: {  	s1 =	ssub.s32 @!p0 $0x0, s1;
	[sflag:s0] =	ssyncset.done @!p0 $0x0  }
0x8e: {  	[sflag:s0] =	ssyncadd.s32 @!p0 s1  }
0x8f: {  	[bflag:$0x3] =	sbarrier.arrive $0xFFFF  }
0x90: {  	_ =	shalt  }

// kernel: kernel.19.cloned.1.call-start
scs
__scs_entry_jumppad:
0x0: {  	(pc) =	sbr.rel $0x88, $3  }
0x1: {  	(tag) =	ssettag $0x0;
	lr =	simm.s32 $0x1  }
0x2: {  	[smem:$0x3F96] =	sst lr;
	_ =	strace $0xD0000000  }
0x3: {  	_ = 	snop  }
0x4: {  	_ = 	snop  }
0x5: {  	_ = 	snop  }
0x6: {  	_ = 	snop  }
0x7: {  	_ = 	snop  }
__scs_overlays_trampoline_lowered:
0x8: {  	[smem:$0x3FA5] =	sst s0  }
0x9: {  	[smem:$0x3FA6] =	sst s1  }
0xa: {  	[smem:$0x3FA7] =	sst s2  }
0xb: {  	[smem:$0x3FA8] =	sst s3  }
0xc: {  	[smem:$0x3FA9] =	sst s4  }
0xd: {  	[smem:$0x3FAA] =	sst s5  }
0xe: {  	[smem:$0x3FAB] =	sst s6  }
0xf: {  	[smem:$0x3FAC] =	sst s7  }
0x10: {  	[smem:$0x3FAD] =	sst s8  }
0x11: {  	[smem:$0x3FAE] =	sst s9;
	s0 =	simm.s32 @!p0 $0x0  }
0x12: {  	s1 =	sld [smem:$0x3F94];
	s0 =	simm.s32 @p0 $0x1  }
0x13: {  	[smem:$0x3FAF] =	sst s0;
	s0 =	simm.s32 @!p1 $0x0  }
0x14: {  	s2 =	sld [smem:$0x3F93];
	s0 =	simm.s32 @p1 $0x1  }
0x15: {  	[smem:$0x3FB0] =	sst s0;
	s0 =	simm.s32 @!p2 $0x0  }
0x16: {  	s3 =	sld [smem:$0x3FDB];
	s0 =	simm.s32 @p2 $0x1  }
0x17: {  	s4 =	simm.s32 $0x1BF5;
	[smem:$0x3FB2] =	sst s0  }
0x18: {  	s0 =	sld [smem:$0x3F95];
	_ =	swait.ge [sflag:s4], $0x0  }
0x19: {  	s7 =	sld [smem:$0x3F96]  }
0x1a: {  	s8 =	sadd.s32 $0xFFFFE003, lr  }
0x1b: {  	s9 =	sadd.s32 $0xFFFFFEF7, lr;
	s5 =	simm.s32 $0xFFFFFFFF;
	p2 =	slt.u32 s8, $0xFFFFF086  }
0x1c: {  	p1 =	slt.u32 s9, $0xF7A;
	s5 =	simm.s32 @!p2 $0x0  }
0x1d: {  	s5 =	simm.s32 @p1 $0x1;
	p0 =	seq.s32 s7, s2  }
0x1e: {  	s7 =	smul.u32 @!p0 $0xF7A, s2;
	p2 =	seq.s32 @!p0 s5, $0x0  }
0x1f: {  	s9 =	smul.u32 $0xF7A, s1;
	s8 =	simm.s32 @!p0 $0x1BF5;
	p2 =	por !p2, p0  }
0x20: {  	[sflag:s8] =	ssyncset.s32 @!p0 $0xFFFFF086;
	s6 =	sadd.s32 @!p0 s3, s7;
	s7 =	simm.s32 @!p0 $0x108  }
0x21: {  	s3 =	sadd.s32 s3, s9;
	s6 =	sadd.s32 @!p0 $0x88, s6;
	s7 =	simm.s32 @p2 $0x1082  }
0x22: {  	[simem:s7], [sflag:s8] =	dma.local @!p0 [hbm:s6], $0xF7A  }
0x23: {  	s9 =	sor.u32 $0xD0000000, s2;
	s6 =	simm.s32 $0x108;
	_ =	swait.ge @!p0 [sflag:s8], $0x0  }
0x24: {  	s3 =	sadd.s32 $0x88, s3;
	s6 =	simm.s32 @!p1 $0x1082;
	[sflag:s4] =	ssyncset.s32 $0xFFFFF086  }
0x25: {  	[simem:s6], [sflag:s4] =	dma.local [hbm:s3], $0xF7A  }
0x26: {  	[smem:$0x3F96] =	sst s1;
	(tag) =	ssettag s2;
	_ =	strace s9  }
0x27: {  	s1 =	sld [smem:$0x3FA6]  }
0x28: {  	s2 =	sld [smem:$0x3FA7]  }
0x29: {  	s4 =	sld [smem:$0x3FA9]  }
0x2a: {  	p0 =	seq.s32 s5, $0x0;
	s5 =	sld [smem:$0x3FAA]  }
0x2b: {  	s6 =	sld [smem:$0x3FAB]  }
0x2c: {  	s7 =	sld [smem:$0x3FAC]  }
0x2d: {  	s3 =	simm.s32 $0x108;
	s8 =	sld [smem:$0x3FAD]  }
0x2e: {  	s3 =	simm.s32 @!p0 $0x1082;
	s9 =	sld [smem:$0x3FAE]  }
0x2f: {  	lr =	sadd.s32 s0, s3;
	s0 =	sld [smem:$0x3FA5]  }
0x30: {  	s3 =	sld [smem:$0x3FA8]  }
0x31: {  	[smem:$0x3FB1] =	sst s10  }
0x32: {  	s10 =	sld [smem:$0x3FAF];
	_ =	sdelay $0x3  }
0x33: {  	p0 =	seq.s32 s10, $0x1;
	s10 =	sld [smem:$0x3FB1];
	_ =	sdelay $0x3  }
0x34: {  	[smem:$0x3FB1] =	sst s10  }
0x35: {  	s10 =	sld [smem:$0x3FB0];
	_ =	sdelay $0x3  }
0x36: {  	p1 =	seq.s32 s10, $0x1;
	s10 =	sld [smem:$0x3FB1];
	_ =	sdelay $0x3  }
0x37: {  	[smem:$0x3FB1] =	sst s10  }
0x38: {  	s10 =	sld [smem:$0x3FB2]  }
0x39: {  	_ = 	snop;
	(pc) =	sbr.ind lr, $3  }
0x3a: {  	_ = 	snop  }
0x3b: {  	_ = 	snop  }
0x3c: {  	p2 =	seq.s32 s10, $0x1;
	s10 =	sld [smem:$0x3FB1]  }
0x3d: {  	_ =	shalt  }
0x3e: {  	_ =	shalt  }
0x3f: {  	_ =	shalt  }
0x40: {  	_ =	shalt  }
0x41: {  	_ =	shalt  }
0x42: {  	_ =	shalt  }
0x43: {  	_ =	shalt  }
0x44: {  	_ =	shalt  }
0x45: {  	_ =	shalt  }
0x46: {  	_ =	shalt  }
0x47: {  	_ =	shalt  }
0x48: {  	_ =	shalt  }
0x49: {  	_ =	shalt  }
0x4a: {  	_ =	shalt  }
0x4b: {  	_ =	shalt  }
0x4c: {  	_ =	shalt  }
0x4d: {  	_ =	shalt  }
0x4e: {  	_ =	shalt  }
0x4f: {  	_ =	shalt  }
0x50: {  	_ =	shalt  }
0x51: {  	_ =	shalt  }
0x52: {  	_ =	shalt  }
0x53: {  	_ =	shalt  }
0x54: {  	_ =	shalt  }
0x55: {  	_ =	shalt  }
0x56: {  	_ =	shalt  }
0x57: {  	_ =	shalt  }
0x58: {  	_ =	shalt  }
0x59: {  	_ =	shalt  }
0x5a: {  	_ =	shalt  }
0x5b: {  	_ =	shalt  }
0x5c: {  	_ =	shalt  }
0x5d: {  	_ =	shalt  }
0x5e: {  	_ =	shalt  }
0x5f: {  	_ =	shalt  }
0x60: {  	_ =	shalt  }
0x61: {  	_ =	shalt  }
0x62: {  	_ =	shalt  }
0x63: {  	_ =	shalt  }
0x64: {  	_ =	shalt  }
0x65: {  	_ =	shalt  }
0x66: {  	_ =	shalt  }
0x67: {  	_ =	shalt  }
0x68: {  	_ =	shalt  }
0x69: {  	_ =	shalt  }
0x6a: {  	_ =	shalt  }
0x6b: {  	_ =	shalt  }
0x6c: {  	_ =	shalt  }
0x6d: {  	_ =	shalt  }
0x6e: {  	_ =	shalt  }
0x6f: {  	_ =	shalt  }
0x70: {  	_ =	shalt  }
0x71: {  	_ =	shalt  }
0x72: {  	_ =	shalt  }
0x73: {  	_ =	shalt  }
0x74: {  	_ =	shalt  }
0x75: {  	_ =	shalt  }
0x76: {  	_ =	shalt  }
0x77: {  	_ =	shalt  }
0x78: {  	_ =	shalt  }
0x79: {  	_ =	shalt  }
0x7a: {  	_ =	shalt  }
0x7b: {  	_ =	shalt  }
0x7c: {  	_ =	shalt  }
0x7d: {  	_ =	shalt  }
0x7e: {  	_ =	shalt  }
0x7f: {  	_ =	shalt  }
0x80: {  	_ =	shalt  }
0x81: {  	_ =	shalt  }
0x82: {  	_ =	shalt  }
0x83: {  	_ =	shalt  }
0x84: {  	_ =	shalt  }
0x85: {  	_ =	shalt  }
0x86: {  	_ =	shalt  }
0x87: {  	_ =	shalt  }
.Lfunc_end0:
.L_simem_size_0:
called_computation.3_lowered:
.L_overlay_start_0:
0x88: {  	s2 =	sld [smem:$0x3FD9]  }
0x89: {  	s3 =	sld [smem:$0x3FFE];
	_ =	sdelay $0x1  }
0x8a: {  	s1 =	srdreg.scid  }
0x8b: {  	s0 =	sand.u32 $0x1, s1  }
0x8c: {  	s16 =	sshll.u32 s0, $0xA;
	s2 =	sadd.s32 s3, s2  }
0x8d: {  	s2 =	sadd.s32 s2, s16  }
0x8e: {  	[smem:$0x3FBD] =	sst s2  }
0x8f: {  	_ = 	snop  }
0x90: {  	(tm) =	ssettm $0x1  }
0x91: {  	s17 =	sld [smem:$0x3FFB];
	_ =	sdelay $0x3  }
0x92: {  	_ =	strace s17  }
0x93: {  	s2 =	sld [smem:$0x3FFC];
	_ =	sdelay $0x3  }
0x94: {  	_ =	strace s2  }
0x95: {  	s2 =	sld [smem:$0x3FFD];
	_ =	sdelay $0x3  }
0x96: {  	_ =	strace s2  }
0x97: {  	_ =	strace $0x8FFFFFFF  }
0x98: {  	s18 =	sld [smem:$0x3FDB];
	_ =	sdelay $0x1  }
0x99: {  	s19 =	simm.s32 $_scs_section_size  }
0x9a: {  	s4 =	simm.s32 $_size__tile_overlayer_lowered;
	s5 =	simm.s32 $_tile_overlayer_lowered  }
0x9b: {  	s22 =	simm.s32 $0x1BFF;
	s21 =	sshll.u32 s5, $0x1;
	s2 =	sadd.s32 s19, s18  }
0x9c: {  	s6 =	simm.s32 $0x0;
	s20 =	sshll.u32 s4, $0x1;
	s4 =	sadd.s32 s21, s2  }
0x9d: {  	[timem:s6], [sflag:s22] =	dma.local [hbm:s4], s20  }
0x9e: {  	_ =	swait.ge [sflag:s22], s20  }
0x9f: {  	s3 =	ssub.s32 $0x0, s20;
	[sflag:s22] =	ssyncset.done $0x0  }
0xa0: {  	[sflag:s22] =	ssyncadd.s32 s3;
	_ =	sdelay $0x1  }
0xa1: {  	s23 =	simm.s32 $0x1B8B  }
0xa2: {  	_ =	swait.ge [sflag:s23], $0x1  }
0xa3: {  	[sflag:s23] =	ssyncset.done $0x0  }
0xa4: {  	s25 =	simm.s32 $0x1B8E;
	s24 =	sld [smem:$0x3FFE];
	[sflag:s23] =	ssyncadd.s32 $0xFFFFFFFF  }
0xa5: {  	s26 =	simm.s32 $execute0_lowered;
	[smem:$0x3FD2] =	sst s25  }
0xa6: {  	s4 =	sshll.u32 s26, $0x1;
	_ =	strace $0x8000004F;
	[dreg:$0x1] =	wrdreg $0xFFFFFFFF  }
0xa7: {  	s28 =	simm.s32 $_size_execute0_lowered;
	s2 =	sadd.s32 s2, s4;
	[dreg:$0x0] =	wrdreg $0x0  }
0xa8: {  	s4 =	sshll.u32 s28, $0x1;
	[dreg:$0x2] =	wrdreg s2  }
0xa9: {  	[dreg:$0x3] =	wrdreg s4  }
0xaa: {  	[dreg:$0x4] =	wrdreg $0xC0  }
0xab: {  	_ =	task [dreg:s6], $0x5FFFF  }
0xac: {  	[dreg:$0x1] =	wrdreg $0xFFFFFFFF  }
0xad: {  	[dreg:$0x0] =	wrdreg $0x60  }
0xae: {  	[dreg:$0x2] =	wrdreg s24  }
0xaf: {  	[dreg:$0x3] =	wrdreg $0xD8000  }
0xb0: {  	[dreg:$0x4] =	wrdreg $0x9  }
0xb1: {  	_ =	task.clear_ibuf [dreg:s6], $0x5FFFF;
	_ =	strace $0x9000004F  }
0xb2: {  	s29 =	simm.s32 $0x9;
	_ =	strace $0x80000051  }
0xb3: {  	_ =	swait.ge [sflag:s29], $0x1  }
0xb4: {  	[sflag:s29] =	ssyncadd.s32 $0xFFFFFFFF  }
0xb5: {  	_ =	strace $0x90000051  }
0xb6: {  	_ =	sfence  }
0xb7: {  	s30 =	sld [smem:$0x0];
	_ =	sdelay $0x2  }
0xb8: {  	s31 =	sshll.u32 s1, $0xD;
	s1 =	sshrl.u32 s1, $0x2  }
0xb9: {  	s3 =	sand.u32 $0x4000, s31;
	s1 =	sadd.s32 s1, s30  }
0xba: {  	s0 =	sor.u32 s3, s0;
	s1 =	sshll.u32 s1, $0x11  }
0xbb: {  	s0 =	sor.u32 s1, s0  }
0xbc: {  	s0 =	sadd.s32 $0x8F2B, s0  }
0xbd: {  	[sflag:s0] =	ssyncadd.remote.s32 $0x1  }
0xbe: {  	_ =	sfence.sel $0xFFFF  }
0xbf: {  	[dreg:$0x0] =	wrdreg $0xFFFFFFFF;
	(pc) =	sbr.abs _section_cstart, $3  }
0xc0: {  	[dreg:$0x1] =	wrdreg $0xFFFFFFFF  }
0xc1: {  	_ =	task.clear_ibuf [dreg:s6], $0x2FFFF;
	_ =	strace $0x9FFFFFFF  }
0xc2: {  	(tm) =	ssettm $0x7FFFFFFF  }
0xc3: {  	_ =	shalt  }
tec
execute0_lowered:
.L_overlay_start_1:
0x0: {  	(tag) =	ssettag $0x1  }
0x1: {  	s0 =	srdreg.scid  }
0x2: {  	s14 =	stileid.u32;
	s8 =	rddreg [dreg:$0x0]  }
0x3: {  	s2 =	rddreg [dreg:$0x1];
	s3 =	simm.s32 $0x0;
	s5 =	smul.u32 $0x3000, s14  }
0x4: {  	s20 =	simm.s32 $0x800;
	s1 =	sand.u32 $0x1, s0;
	s6 =	smul.u32 $0x2800, s14  }
0x5: {  	s22 =	simm.s32 $0x3400;
	[smem:$0x7FF] =	sst s3;
	s4 =	smul.u32 $0x30000, s1  }
0x6: {  	s7 =	smul.u32 $0x28000, s1;
	_ =	strace $0x80000050;
	[dreg:$0x7] =	wrdreg s20  }
0x7: {  	[dreg:$0x8] =	wrdreg s22;
	s16 =	sshrl.u32 s6, $0x3;
	s4 =	sadd.s32 s5, s4  }
0x8: {  	s15 =	sadd.s32 s6, s7;
	s7 =	sadd.s32 s16, s8;
	s4 =	sshrl.u32 s4, $0x3  }
0x9: {  	s5 =	sshrl.u32 s15, $0x3;
	s18 =	sadd.s32 $0x1E800, s7;
	s4 =	sadd.s32 s4, s8  }
0xa: {  	s5 =	sadd.s32 s5, s8;
	[dreg:$0x5] =	wrdreg s18;
	s4 =	sadd.s32 $0xD800, s4  }
0xb: {  	s17 =	sadd.s32 $0x3200, s5;
	[dreg:$0x3] =	wrdreg s4  }
0xc: {  	s19 =	sadd.s32 $0x23800, s5;
	[dreg:$0x4] =	wrdreg s17  }
0xd: {  	[dreg:$0x6] =	wrdreg s19  }
0xe: {  	s4 =	simm.s32 $0x3;
	s21 =	rddreg [dreg:$0x3]  }
0xf: {  	[tilespmem:s3], [sflag:$0x3] =	stream.linear.gather [hbm4b:s21+s3], $0x3000, $0x38;
	[tilespmem:$0x10000] =	vst v63  }
0x10: {  	_ =	swait.ge [sflag:s4], $0x3000  }
0x11: {  	[sflag:s4] =	ssyncset.done $0x0  }
0x12: {  	s5 =	simm.s32 $0x3000;
	s23 =	rddreg [dreg:$0x4];
	[sflag:s4] =	ssyncadd.s32 $0xFFFFD000  }
0x13: {  	[tilespmem:s5], [sflag:$0x3] =	stream.linear.gather [hbm4b:s23+s3], $0x2800, $0x38;
	[tilespmem:$0x10000] =	vst v63  }
0x14: {  	s25 =	sshll.u32 s14, $0x6;
	_ =	swait.ge [sflag:s4], $0x2800  }
0x15: {  	s24 =	sadd.s32 s6, s2;
	s6 =	sor.u32 $0x1C03, s25;
	[sflag:s4] =	ssyncset.done $0x0  }
0x16: {  	s7 =	sshrl.u32 s24, $0x3;
	s9 =	rddreg [dreg:$0x5];
	[sflag:s4] =	ssyncadd.s32 $0xFFFFD800  }
0x17: {  	[spmem:s7], [sflag:s6] =	dma.local [hbm:s9], $0x500  }
0x18: {  	_ =	swait.ge [sflag:s4], $0x500  }
0x19: {  	[sflag:s4] =	ssyncset.done $0x0  }
0x1a: {  	s10 =	simm.s32 $0x5800;
	[sflag:s4] =	ssyncadd.s32 $0xFFFFFB00  }
0x1b: {  	s8 =	sadd.s32 $0x19800, s8;
	s9 =	simm.s32 $0x400;
	[bflag:$0x0] =	sbarrier.arrive $0xFFFF  }
0x1c: {  	[tilespmem:s10], [sflag:$0x1] =	stream.indirect.gather [hbm4b:s8+s9], $0x10, s3, s9, $0xb8;
	[tilespmem:$0x10000] =	vst v63  }
0x1d: {  	s11 =	simm.s32 $0x9800;
	s12 =	simm.s32 $0x1  }
0x1e: {  	[tilespmem:s11], [sflag:$0x2] =	stream.indirect.gather [hbm4b:s8+s9], $0x10, s9, s9, $0xb8;
	[tilespmem:$0x10000] =	vst v63  }
0x1f: {  	_ =	swait.ge [sflag:s12], $0x4000  }
0x20: {  	[sflag:s12] =	ssyncset.done $0x0  }
0x21: {  	[sflag:s12] =	ssyncadd.s32 $0xFFFFC000  }
0x22: {  	[spmem:s2] =	stream.indirect.scatter.add.f32 [tilespmem:s10], [sflag:$0x3], $0x10, s5, s9, $0xb8;
	[tilespmem:$0x10000] =	vst v63  }
0x23: {  	_ =	swait.ge [sflag:s4], $0x4000  }
0x24: {  	[sflag:s4] =	ssyncset.done $0x0  }
0x25: {  	s13 =	simm.s32 $0x2;
	s14 =	rddreg [dreg:$0x7];
	[sflag:s4] =	ssyncadd.s32 $0xFFFFC000  }
0x26: {  	[tilespmem:s10], [sflag:$0x1] =	stream.indirect.gather [hbm4b:s8+s9], $0x10, s14, s9, $0xb8;
	[tilespmem:$0x10000] =	vst v63  }
0x27: {  	_ =	swait.ge [sflag:s13], $0x4000  }
0x28: {  	[sflag:s13] =	ssyncset.done $0x0  }
0x29: {  	s26 =	rddreg [dreg:$0x8];
	[sflag:s13] =	ssyncadd.s32 $0xFFFFC000  }
0x2a: {  	[spmem:s2] =	stream.indirect.scatter.add.f32 [tilespmem:s11], [sflag:$0x3], $0x10, s26, s9, $0xb8;
	[tilespmem:$0x10000] =	vst v63  }
0x2b: {  	_ =	swait.ge [sflag:s4], $0x4000  }
0x2c: {  	[sflag:s4] =	ssyncset.done $0x0  }
0x2d: {  	s14 =	simm.s32 $0xC00;
	[sflag:s4] =	ssyncadd.s32 $0xFFFFC000  }
0x2e: {  	[tilespmem:s11], [sflag:$0x2] =	stream.indirect.gather [hbm4b:s8+s9], $0x10, s14, s9, $0xb8;
	[tilespmem:$0x10000] =	vst v63  }
0x2f: {  	_ =	swait.ge [sflag:s12], $0x4000  }
0x30: {  	[sflag:s12] =	ssyncset.done $0x0  }
0x31: {  	s15 =	simm.s32 $0x3800;
	[sflag:s12] =	ssyncadd.s32 $0xFFFFC000  }
0x32: {  	[spmem:s2] =	stream.indirect.scatter.add.f32 [tilespmem:s10], [sflag:$0x3], $0x10, s15, s9, $0xb8;
	[tilespmem:$0x10000] =	vst v63  }
0x33: {  	_ =	swait.ge [sflag:s4], $0x4000  }
0x34: {  	[sflag:s4] =	ssyncset.done $0x0  }
0x35: {  	s16 =	simm.s32 $0x1000;
	[sflag:s4] =	ssyncadd.s32 $0xFFFFC000  }
0x36: {  	[tilespmem:s10], [sflag:$0x1] =	stream.indirect.gather [hbm4b:s8+s9], $0x10, s16, s9, $0xb8;
	[tilespmem:$0x10000] =	vst v63  }
0x37: {  	_ =	swait.ge [sflag:s13], $0x4000  }
0x38: {  	[sflag:s13] =	ssyncset.done $0x0  }
0x39: {  	s17 =	simm.s32 $0x3C00;
	[sflag:s13] =	ssyncadd.s32 $0xFFFFC000  }
0x3a: {  	[spmem:s2] =	stream.indirect.scatter.add.f32 [tilespmem:s11], [sflag:$0x3], $0x10, s17, s9, $0xb8;
	[tilespmem:$0x10000] =	vst v63  }
0x3b: {  	_ =	swait.ge [sflag:s4], $0x4000  }
0x3c: {  	[sflag:s4] =	ssyncset.done $0x0  }
0x3d: {  	s18 =	simm.s32 $0x1400;
	[sflag:s4] =	ssyncadd.s32 $0xFFFFC000  }
0x3e: {  	[tilespmem:s11], [sflag:$0x2] =	stream.indirect.gather [hbm4b:s8+s9], $0x10, s18, s9, $0xb8;
	[tilespmem:$0x10000] =	vst v63  }
0x3f: {  	_ =	swait.ge [sflag:s12], $0x4000  }
0x40: {  	[sflag:s12] =	ssyncset.done $0x0  }
0x41: {  	s19 =	simm.s32 $0x4000;
	[sflag:s12] =	ssyncadd.s32 $0xFFFFC000  }
0x42: {  	[spmem:s2] =	stream.indirect.scatter.add.f32 [tilespmem:s10], [sflag:$0x3], $0x10, s19, s9, $0xb8;
	[tilespmem:$0x10000] =	vst v63  }
0x43: {  	_ =	swait.ge [sflag:s4], $0x4000  }
0x44: {  	[sflag:s4] =	ssyncset.done $0x0  }
0x45: {  	s20 =	simm.s32 $0x1800;
	[sflag:s4] =	ssyncadd.s32 $0xFFFFC000  }
0x46: {  	[tilespmem:s10], [sflag:$0x1] =	stream.indirect.gather [hbm4b:s8+s9], $0x10, s20, s9, $0xb8;
	[tilespmem:$0x10000] =	vst v63  }
0x47: {  	_ =	swait.ge [sflag:s13], $0x4000  }
0x48: {  	[sflag:s13] =	ssyncset.done $0x0  }
0x49: {  	s21 =	simm.s32 $0x4400;
	[sflag:s13] =	ssyncadd.s32 $0xFFFFC000  }
0x4a: {  	[spmem:s2] =	stream.indirect.scatter.add.f32 [tilespmem:s11], [sflag:$0x3], $0x10, s21, s9, $0xb8;
	[tilespmem:$0x10000] =	vst v63  }
0x4b: {  	_ =	swait.ge [sflag:s4], $0x4000  }
0x4c: {  	[sflag:s4] =	ssyncset.done $0x0  }
0x4d: {  	s22 =	simm.s32 $0x1C00;
	[sflag:s4] =	ssyncadd.s32 $0xFFFFC000  }
0x4e: {  	[tilespmem:s11], [sflag:$0x2] =	stream.indirect.gather [hbm4b:s8+s9], $0x10, s22, s9, $0xb8;
	[tilespmem:$0x10000] =	vst v63  }
0x4f: {  	_ =	swait.ge [sflag:s12], $0x4000  }
0x50: {  	[sflag:s12] =	ssyncset.done $0x0  }
0x51: {  	s23 =	simm.s32 $0x4800;
	[sflag:s12] =	ssyncadd.s32 $0xFFFFC000  }
0x52: {  	[spmem:s2] =	stream.indirect.scatter.add.f32 [tilespmem:s10], [sflag:$0x3], $0x10, s23, s9, $0xb8;
	[tilespmem:$0x10000] =	vst v63  }
0x53: {  	_ =	swait.ge [sflag:s4], $0x4000  }
0x54: {  	[sflag:s4] =	ssyncset.done $0x0  }
0x55: {  	s24 =	simm.s32 $0x2000;
	[sflag:s4] =	ssyncadd.s32 $0xFFFFC000  }
0x56: {  	[tilespmem:s10], [sflag:$0x1] =	stream.indirect.gather [hbm4b:s8+s9], $0x10, s24, s9, $0xb8;
	[tilespmem:$0x10000] =	vst v63  }
0x57: {  	_ =	swait.ge [sflag:s13], $0x4000  }
0x58: {  	[sflag:s13] =	ssyncset.done $0x0  }
0x59: {  	s25 =	simm.s32 $0x4C00;
	[sflag:s13] =	ssyncadd.s32 $0xFFFFC000  }
0x5a: {  	[spmem:s2] =	stream.indirect.scatter.add.f32 [tilespmem:s11], [sflag:$0x3], $0x10, s25, s9, $0xb8;
	[tilespmem:$0x10000] =	vst v63  }
0x5b: {  	_ =	swait.ge [sflag:s4], $0x4000  }
0x5c: {  	[sflag:s4] =	ssyncset.done $0x0  }
0x5d: {  	s26 =	simm.s32 $0x2400;
	[sflag:s4] =	ssyncadd.s32 $0xFFFFC000  }
0x5e: {  	[tilespmem:s11], [sflag:$0x2] =	stream.indirect.gather [hbm4b:s8+s9], $0x10, s26, s9, $0xb8;
	[tilespmem:$0x10000] =	vst v63  }
0x5f: {  	_ =	swait.ge [sflag:s12], $0x4000  }
0x60: {  	[sflag:s12] =	ssyncset.done $0x0  }
0x61: {  	s28 =	simm.s32 $0x5000;
	[sflag:s12] =	ssyncadd.s32 $0xFFFFC000  }
0x62: {  	[spmem:s2] =	stream.indirect.scatter.add.f32 [tilespmem:s10], [sflag:$0x3], $0x10, s28, s9, $0xb8;
	[tilespmem:$0x10000] =	vst v63  }
0x63: {  	_ =	swait.ge [sflag:s4], $0x4000  }
0x64: {  	[sflag:s4] =	ssyncset.done $0x0  }
0x65: {  	s29 =	simm.s32 $0x2800;
	[sflag:s4] =	ssyncadd.s32 $0xFFFFC000  }
0x66: {  	[tilespmem:s10], [sflag:$0x1] =	stream.indirect.gather [hbm4b:s8+s9], $0x10, s29, s9, $0xb8;
	[tilespmem:$0x10000] =	vst v63  }
0x67: {  	_ =	swait.ge [sflag:s13], $0x4000  }
0x68: {  	[sflag:s13] =	ssyncset.done $0x0  }
0x69: {  	s30 =	simm.s32 $0x5400;
	[sflag:s13] =	ssyncadd.s32 $0xFFFFC000  }
0x6a: {  	[spmem:s2] =	stream.indirect.scatter.add.f32 [tilespmem:s11], [sflag:$0x3], $0x10, s30, s9, $0xb8;
	[tilespmem:$0x10000] =	vst v63  }
0x6b: {  	_ =	swait.ge [sflag:s4], $0x4000  }
0x6c: {  	[sflag:s4] =	ssyncset.done $0x0  }
0x6d: {  	s31 =	simm.s32 $0x2C00;
	[sflag:s4] =	ssyncadd.s32 $0xFFFFC000  }
0x6e: {  	[tilespmem:s11], [sflag:$0x2] =	stream.indirect.gather [hbm4b:s8+s9], $0x10, s31, s9, $0xb8;
	[tilespmem:$0x10000] =	vst v63  }
0x6f: {  	_ =	swait.ge [sflag:s12], $0x4000  }
0x70: {  	[sflag:s12] =	ssyncset.done $0x0  }
0x71: {  	[sflag:s12] =	ssyncadd.s32 $0xFFFFC000  }
0x72: {  	_ =	swait.ge [sflag:s13], $0x4000  }
0x73: {  	[sflag:s13] =	ssyncset.done $0x0  }
0x74: {  	[sflag:s13] =	ssyncadd.s32 $0xFFFFC000  }
0x75: {  	[bflag:$0x0] =	sbarrier.arrive $0xFFFF  }
0x76: {  	s1 =	ssub.s32 $0x2, s1;
	s0 =	rddreg [dreg:$0x6]  }
0x77: {  	[dreg:$0x9] =	wrdreg s0;
	s0 =	sshrl.u32 s1, $0x1  }
0x78: {  	s0 =	ssub.s32 s1, s0  }
0x79: {  	s0 =	smax.u32 s0, $0x1  }
0x7a: {  	p0 =	sne.s32 s0, $0x1  }
.Ltmp0:
0x7b: {  	_ = 	snop;
	(pc) =	sbr.rel @!p0 .LBB2_2-.Ltmp0, $4  }
0x7c: {  	_ = 	snop  }
0x7d: {  	s1 =	rddreg [dreg:$0x9]  }
0x7e: {  	[hbm:s1], [sflag:s6] =	dma.local [spmem:s7], $0x500  }
0x7f: {  	s1 =	sadd.s32 $0xFFFFFFFF, s0;
	_ =	swait.ge [sflag:s4], $0x500  }
.LBB2_1:
0x80: {  	[sflag:s4] =	ssyncset.done $0x0  }
0x81: {  	s0 =	rddreg [dreg:$0x3];
	[sflag:s4] =	ssyncadd.s32 $0xFFFFFB00  }
0x82: {  	[tilespmem:s3], [sflag:$0x3] =	stream.linear.gather [hbm4b:s0+s3], $0x3000, $0x38;
	[tilespmem:$0x10000] =	vst v63  }
0x83: {  	_ =	swait.ge [sflag:s4], $0x3000  }
0x84: {  	[sflag:s4] =	ssyncset.done $0x0  }
0x85: {  	s0 =	rddreg [dreg:$0x4];
	[sflag:s4] =	ssyncadd.s32 $0xFFFFD000  }
0x86: {  	[tilespmem:s5], [sflag:$0x3] =	stream.linear.gather [hbm4b:s0+s3], $0x2800, $0x38;
	[tilespmem:$0x10000] =	vst v63  }
0x87: {  	_ =	swait.ge [sflag:s4], $0x2800  }
0x88: {  	[sflag:s4] =	ssyncset.done $0x0  }
0x89: {  	s0 =	rddreg [dreg:$0x5];
	[sflag:s4] =	ssyncadd.s32 $0xFFFFD800  }
0x8a: {  	[spmem:s7], [sflag:s6] =	dma.local [hbm:s0], $0x500  }
0x8b: {  	_ =	swait.ge [sflag:s4], $0x500  }
0x8c: {  	[sflag:s4] =	ssyncset.done $0x0  }
0x8d: {  	[sflag:s4] =	ssyncadd.s32 $0xFFFFFB00  }
0x8e: {  	[bflag:$0x0] =	sbarrier.arrive $0xFFFF  }
0x8f: {  	[tilespmem:s10], [sflag:$0x1] =	stream.indirect.gather [hbm4b:s8+s9], $0x10, s3, s9, $0xb8;
	[tilespmem:$0x10000] =	vst v63  }
0x90: {  	_ = 	snop  }
0x91: {  	[tilespmem:s11], [sflag:$0x2] =	stream.indirect.gather [hbm4b:s8+s9], $0x10, s9, s9, $0xb8;
	[tilespmem:$0x10000] =	vst v63  }
0x92: {  	_ =	swait.ge [sflag:s12], $0x4000  }
0x93: {  	[sflag:s12] =	ssyncset.done $0x0  }
0x94: {  	[sflag:s12] =	ssyncadd.s32 $0xFFFFC000  }
0x95: {  	[spmem:s2] =	stream.indirect.scatter.add.f32 [tilespmem:s10], [sflag:$0x3], $0x10, s5, s9, $0xb8;
	[tilespmem:$0x10000] =	vst v63  }
0x96: {  	_ =	swait.ge [sflag:s4], $0x4000  }
0x97: {  	[sflag:s4] =	ssyncset.done $0x0  }
0x98: {  	s0 =	rddreg [dreg:$0x7];
	[sflag:s4] =	ssyncadd.s32 $0xFFFFC000  }
0x99: {  	[tilespmem:s10], [sflag:$0x1] =	stream.indirect.gather [hbm4b:s8+s9], $0x10, s0, s9, $0xb8;
	[tilespmem:$0x10000] =	vst v63  }
0x9a: {  	_ =	swait.ge [sflag:s13], $0x4000  }
0x9b: {  	[sflag:s13] =	ssyncset.done $0x0  }
0x9c: {  	s0 =	rddreg [dreg:$0x8];
	[sflag:s13] =	ssyncadd.s32 $0xFFFFC000  }
0x9d: {  	[spmem:s2] =	stream.indirect.scatter.add.f32 [tilespmem:s11], [sflag:$0x3], $0x10, s0, s9, $0xb8;
	[tilespmem:$0x10000] =	vst v63  }
0x9e: {  	_ =	swait.ge [sflag:s4], $0x4000  }
0x9f: {  	[sflag:s4] =	ssyncset.done $0x0  }
0xa0: {  	[sflag:s4] =	ssyncadd.s32 $0xFFFFC000  }
0xa1: {  	[tilespmem:s11], [sflag:$0x2] =	stream.indirect.gather [hbm4b:s8+s9], $0x10, s14, s9, $0xb8;
	[tilespmem:$0x10000] =	vst v63  }
0xa2: {  	_ =	swait.ge [sflag:s12], $0x4000  }
0xa3: {  	[sflag:s12] =	ssyncset.done $0x0  }
0xa4: {  	[sflag:s12] =	ssyncadd.s32 $0xFFFFC000  }
0xa5: {  	[spmem:s2] =	stream.indirect.scatter.add.f32 [tilespmem:s10], [sflag:$0x3], $0x10, s15, s9, $0xb8;
	[tilespmem:$0x10000] =	vst v63  }
0xa6: {  	_ =	swait.ge [sflag:s4], $0x4000  }
0xa7: {  	[sflag:s4] =	ssyncset.done $0x0  }
0xa8: {  	[sflag:s4] =	ssyncadd.s32 $0xFFFFC000  }
0xa9: {  	[tilespmem:s10], [sflag:$0x1] =	stream.indirect.gather [hbm4b:s8+s9], $0x10, s16, s9, $0xb8;
	[tilespmem:$0x10000] =	vst v63  }
0xaa: {  	_ =	swait.ge [sflag:s13], $0x4000  }
0xab: {  	[sflag:s13] =	ssyncset.done $0x0  }
0xac: {  	[sflag:s13] =	ssyncadd.s32 $0xFFFFC000  }
0xad: {  	[spmem:s2] =	stream.indirect.scatter.add.f32 [tilespmem:s11], [sflag:$0x3], $0x10, s17, s9, $0xb8;
	[tilespmem:$0x10000] =	vst v63  }
0xae: {  	_ =	swait.ge [sflag:s4], $0x4000  }
0xaf: {  	[sflag:s4] =	ssyncset.done $0x0  }
0xb0: {  	[sflag:s4] =	ssyncadd.s32 $0xFFFFC000  }
0xb1: {  	[tilespmem:s11], [sflag:$0x2] =	stream.indirect.gather [hbm4b:s8+s9], $0x10, s18, s9, $0xb8;
	[tilespmem:$0x10000] =	vst v63  }
0xb2: {  	_ =	swait.ge [sflag:s12], $0x4000  }
0xb3: {  	[sflag:s12] =	ssyncset.done $0x0  }
0xb4: {  	[sflag:s12] =	ssyncadd.s32 $0xFFFFC000  }
0xb5: {  	[spmem:s2] =	stream.indirect.scatter.add.f32 [tilespmem:s10], [sflag:$0x3], $0x10, s19, s9, $0xb8;
	[tilespmem:$0x10000] =	vst v63  }
0xb6: {  	_ =	swait.ge [sflag:s4], $0x4000  }
0xb7: {  	[sflag:s4] =	ssyncset.done $0x0  }
0xb8: {  	[sflag:s4] =	ssyncadd.s32 $0xFFFFC000  }
0xb9: {  	[tilespmem:s10], [sflag:$0x1] =	stream.indirect.gather [hbm4b:s8+s9], $0x10, s20, s9, $0xb8;
	[tilespmem:$0x10000] =	vst v63  }
0xba: {  	_ =	swait.ge [sflag:s13], $0x4000  }
0xbb: {  	[sflag:s13] =	ssyncset.done $0x0  }
0xbc: {  	[sflag:s13] =	ssyncadd.s32 $0xFFFFC000  }
0xbd: {  	[spmem:s2] =	stream.indirect.scatter.add.f32 [tilespmem:s11], [sflag:$0x3], $0x10, s21, s9, $0xb8;
	[tilespmem:$0x10000] =	vst v63  }
0xbe: {  	_ =	swait.ge [sflag:s4], $0x4000  }
0xbf: {  	[sflag:s4] =	ssyncset.done $0x0  }
0xc0: {  	[sflag:s4] =	ssyncadd.s32 $0xFFFFC000  }
0xc1: {  	[tilespmem:s11], [sflag:$0x2] =	stream.indirect.gather [hbm4b:s8+s9], $0x10, s22, s9, $0xb8;
	[tilespmem:$0x10000] =	vst v63  }
0xc2: {  	_ =	swait.ge [sflag:s12], $0x4000  }
0xc3: {  	[sflag:s12] =	ssyncset.done $0x0  }
0xc4: {  	[sflag:s12] =	ssyncadd.s32 $0xFFFFC000  }
0xc5: {  	[spmem:s2] =	stream.indirect.scatter.add.f32 [tilespmem:s10], [sflag:$0x3], $0x10, s23, s9, $0xb8;
	[tilespmem:$0x10000] =	vst v63  }
0xc6: {  	_ =	swait.ge [sflag:s4], $0x4000  }
0xc7: {  	[sflag:s4] =	ssyncset.done $0x0  }
0xc8: {  	[sflag:s4] =	ssyncadd.s32 $0xFFFFC000  }
0xc9: {  	[tilespmem:s10], [sflag:$0x1] =	stream.indirect.gather [hbm4b:s8+s9], $0x10, s24, s9, $0xb8;
	[tilespmem:$0x10000] =	vst v63  }
0xca: {  	_ =	swait.ge [sflag:s13], $0x4000  }
0xcb: {  	[sflag:s13] =	ssyncset.done $0x0  }
0xcc: {  	[sflag:s13] =	ssyncadd.s32 $0xFFFFC000  }
0xcd: {  	[spmem:s2] =	stream.indirect.scatter.add.f32 [tilespmem:s11], [sflag:$0x3], $0x10, s25, s9, $0xb8;
	[tilespmem:$0x10000] =	vst v63  }
0xce: {  	_ =	swait.ge [sflag:s4], $0x4000  }
0xcf: {  	[sflag:s4] =	ssyncset.done $0x0  }
0xd0: {  	[sflag:s4] =	ssyncadd.s32 $0xFFFFC000  }
0xd1: {  	[tilespmem:s11], [sflag:$0x2] =	stream.indirect.gather [hbm4b:s8+s9], $0x10, s26, s9, $0xb8;
	[tilespmem:$0x10000] =	vst v63  }
0xd2: {  	_ =	swait.ge [sflag:s12], $0x4000  }
0xd3: {  	[sflag:s12] =	ssyncset.done $0x0  }
0xd4: {  	[sflag:s12] =	ssyncadd.s32 $0xFFFFC000  }
0xd5: {  	[spmem:s2] =	stream.indirect.scatter.add.f32 [tilespmem:s10], [sflag:$0x3], $0x10, s28, s9, $0xb8;
	[tilespmem:$0x10000] =	vst v63  }
0xd6: {  	_ =	swait.ge [sflag:s4], $0x4000  }
0xd7: {  	[sflag:s4] =	ssyncset.done $0x0  }
0xd8: {  	[sflag:s4] =	ssyncadd.s32 $0xFFFFC000  }
0xd9: {  	[tilespmem:s10], [sflag:$0x1] =	stream.indirect.gather [hbm4b:s8+s9], $0x10, s29, s9, $0xb8;
	[tilespmem:$0x10000] =	vst v63  }
0xda: {  	_ =	swait.ge [sflag:s13], $0x4000  }
0xdb: {  	[sflag:s13] =	ssyncset.done $0x0  }
0xdc: {  	[sflag:s13] =	ssyncadd.s32 $0xFFFFC000  }
0xdd: {  	[spmem:s2] =	stream.indirect.scatter.add.f32 [tilespmem:s11], [sflag:$0x3], $0x10, s30, s9, $0xb8;
	[tilespmem:$0x10000] =	vst v63  }
0xde: {  	_ =	swait.ge [sflag:s4], $0x4000  }
0xdf: {  	[sflag:s4] =	ssyncset.done $0x0  }
0xe0: {  	[sflag:s4] =	ssyncadd.s32 $0xFFFFC000  }
0xe1: {  	[tilespmem:s11], [sflag:$0x2] =	stream.indirect.gather [hbm4b:s8+s9], $0x10, s31, s9, $0xb8;
	[tilespmem:$0x10000] =	vst v63  }
0xe2: {  	_ =	swait.ge [sflag:s12], $0x4000  }
0xe3: {  	[sflag:s12] =	ssyncset.done $0x0  }
0xe4: {  	[sflag:s12] =	ssyncadd.s32 $0xFFFFC000  }
0xe5: {  	_ =	swait.ge [sflag:s13], $0x4000  }
0xe6: {  	p0 =	sne.s32 s1, $0x1;
	[sflag:s13] =	ssyncset.done $0x0  }
.Ltmp1:
0xe7: {  	[sflag:s13] =	ssyncadd.s32 $0xFFFFC000;
	(pc) =	sbr.rel @p0 .LBB2_1-.Ltmp1, $4  }
0xe8: {  	[bflag:$0x0] =	sbarrier.arrive $0xFFFF  }
0xe9: {  	s0 =	rddreg [dreg:$0x6]  }
0xea: {  	[hbm:s0], [sflag:s6] =	dma.local [spmem:s7], $0x500  }
0xeb: {  	s1 =	sadd.s32 $0xFFFFFFFF, s1;
	_ =	swait.ge [sflag:s4], $0x500  }
.LBB2_2:
0xec: {  	[sflag:s4] =	ssyncset.done $0x0  }
0xed: {  	[sflag:s4] =	ssyncadd.s32 $0xFFFFFB00  }
0xee: {  	_ =	sfence.sel $0x180000  }
0xef: {  	[bflag:$0x0] =	sbarrier.arrive $0xFFFF  }
0xf0: {  	_ =	strace $0x90000050  }
0xf1: {  	s0 =	stileid.u32;
	[bflag:$0x2] =	sbarrier.arrive $0xFFFF  }
0xf2: {  	p0 =	sne.s32 s0, $0x0;
	s0 =	rddreg [dreg:$0x2]  }
0xf3: {  	s0 =	sadd.s32 @!p0 $0x100000, s0  }
0xf4: {  	[sflag:s0] =	ssyncadd.tile.s32 @!p0 $0x1;
	_ =	shalt  }
.Lfunc_end2:
_tile_overlayer_lowered:
.L_overlay_start_2:
0xf5: {  	(tag) =	ssettag $0x2  }
0xf6: {  	s0 =	rddreg [dreg:$0x0];
	s2 =	stileid.u32  }
0xf7: {  	s1 =	rddreg [dreg:$0x1];
	p0 =	sne.s32 s2, $0x0  }
0xf8: {  	s3 =	rddreg [dreg:$0x2];
	[bflag:$0x3] =	sbarrier.arrive $0xFFFF;
	s2 =	simm.s32 @!p0 $0x1C03  }
0xf9: {  	[timem:s3], [sflag:s2] =	dma.local @!p0 [hbm:s0], s1  }
0xfa: {  	s0 =	simm.s32 @!p0 $0x3  }
0xfb: {  	_ =	swait.ge @!p0 [sflag:s0], s1  }
0xfc: {  	s1 =	ssub.s32 @!p0 $0x0, s1;
	[sflag:s0] =	ssyncset.done @!p0 $0x0  }
0xfd: {  	[sflag:s0] =	ssyncadd.s32 @!p0 s1  }
0xfe: {  	[bflag:$0x3] =	sbarrier.arrive $0xFFFF  }
0xff: {  	_ =	shalt  }

</sc_bundles>
